<compile_context>
chip_gen: v7x
topology: tpu7x:2x2x1
jax: 0.10.2.dev20260603
libtpu: 0.0.44.dev20260713+nightly
codegen_flags: <defaults>
</compile_context>

<pallas_src>
import functools

import jax
import jax.numpy as jnp
from jax import lax
from jax.experimental import pallas as pl
from jax.experimental.pallas import tpu as pltpu
from jax.experimental.pallas import tpu_sc as plsc

N = 10000
E = 320000
D = 128
NC = 2
NS = 16
RPT = 624
TAIL = N - NS * RPT
CHUNK = 80
NCHUNK = -(-(E // NS) // CHUNK)
EPT = NCHUNK * CHUNK
EPAD = NS * EPT
NPAD = N + 16
BM = 2000


def _mmT(a, w):
    return lax.dot_general(a, w, (((1,), (1,)), ((), ())),
                           preferred_element_type=jnp.float32)



def _proj_body(x_ref, wp_ref, bp_ref, wn_ref, ws_ref, bs_ref, y_ref, z_ref):
    x = x_ref[0]
    h = jnp.maximum(_mmT(x, wp_ref[0]) + bp_ref[0, 0], 0.0)
    h = jnp.where(jnp.isnan(h), 0.0, h)
    y_ref[0] = _mmT(h, wn_ref[0])
    z_ref[0] = _mmT(h, ws_ref[0]) + bs_ref[0, 0]


def _mid_body(z_ref, s_ref, c_ref, wn_ref, ws_ref, bs_ref, y_ref, z2_ref):
    cnt = jnp.maximum(c_ref[0][:, 0:1], 1.0)
    h = jnp.maximum(z_ref[0] + s_ref[0] / cnt, 0.0)
    y_ref[0] = _mmT(h, wn_ref[0])
    z2_ref[0] = _mmT(h, ws_ref[0]) + bs_ref[0, 0]


def _fin_body(z_ref, s_ref, c_ref, o_ref):
    cnt = jnp.maximum(c_ref[0][:, 0:1], 1.0)
    o_ref[0] = jnp.maximum(z_ref[0] + s_ref[0] / cnt, 0.0)


def _wspec():
    return pl.BlockSpec((1, D, D), lambda t, r: (t, 0, 0))


def _bspec():
    return pl.BlockSpec((1, 1, D), lambda t, r: (t, 0, 0))


def _nspec():
    return pl.BlockSpec((1, BM, D), lambda t, r: (t, r, 0))


def _stage_proj(x_all, wp, bp, wn, ws, bs):
    return pl.pallas_call(
        _proj_body,
        grid=(2, N // BM),
        in_specs=[_nspec(), _wspec(), _bspec(), _wspec(), _wspec(), _bspec()],
        out_specs=[_nspec(), _nspec()],
        out_shape=[jax.ShapeDtypeStruct((2, N, D), jnp.float32)] * 2,
    )(x_all, wp, bp, wn, ws, bs)


def _stage_mid(z1, s1, c1, wn, ws, bs):
    return pl.pallas_call(
        _mid_body,
        grid=(2, N // BM),
        in_specs=[_nspec(), _nspec(), _nspec(), _wspec(), _wspec(), _bspec()],
        out_specs=[_nspec(), _nspec()],
        out_shape=[jax.ShapeDtypeStruct((2, N, D), jnp.float32)] * 2,
    )(z1, s1, c1, wn, ws, bs)


def _stage_fin(z2, s2, c2):
    return pl.pallas_call(
        _fin_body,
        grid=(2, N // BM),
        in_specs=[_nspec(), _nspec(), _nspec()],
        out_specs=_nspec(),
        out_shape=jax.ShapeDtypeStruct((2, N, D), jnp.float32),
    )(z2, s2, c2)



def _sc_mesh():
    return plsc.VectorSubcoreMesh(core_axis_name="c", subcore_axis_name="s",
                                  num_cores=NC, num_subcores=NS)


def _zero_phase(zf_hbm, acc, s):
    pltpu.sync_copy(zf_hbm, acc.at[pl.ds(s * RPT, RPT)])

    @pl.when(s == NS - 1)
    def _zero_tail():
        pltpu.sync_copy(zf_hbm.at[pl.ds(0, TAIL)],
                        acc.at[pl.ds(NS * RPT, TAIL)])


def _out_phase(acc, out, c, s):
    dts = 1 - c
    pltpu.sync_copy(acc.at[pl.ds(s * RPT, RPT)],
                    out.at[dts, pl.ds(s * RPT, RPT)])

    @pl.when(s == NS - 1)
    def _out_tail():
        pltpu.sync_copy(acc.at[pl.ds(NS * RPT, TAIL)],
                        out.at[dts, pl.ds(NS * RPT, TAIL)])


NBUF = 4


def _sc_segsum(y_flat, idx_packed, zfeat, with_count=False):
    scratch = (
        [pltpu.VMEM((2, CHUNK), jnp.int32)] * NBUF
        + [pltpu.VMEM((CHUNK, D), jnp.float32)] * NBUF
        + [pltpu.VMEM_SHARED((NPAD, D), jnp.float32)]
        + [pltpu.SemaphoreType.DMA] * (3 * NBUF)
    )

    out_type = jax.ShapeDtypeStruct((NC, N, D), jnp.float32)
    if with_count:
        out_type = (out_type, jax.ShapeDtypeStruct((NC, N, D), jnp.float32))

    @functools.partial(
        pl.kernel,
        out_type=out_type,
        mesh=_sc_mesh(),
        scratch_types=scratch,
    )
    def body(y_hbm, idx_hbm, zf_hbm, *outs_scr):
        if with_count:
            s_out, c_out = outs_scr[0], outs_scr[1]
            scr = outs_scr[2:]
        else:
            s_out = outs_scr[0]
            scr = outs_scr[1:]
        ibuf = scr[0:NBUF]
        rows = scr[NBUF:2 * NBUF]
        acc = scr[2 * NBUF]
        isem = scr[2 * NBUF + 1:][0:NBUF]
        gsem = scr[2 * NBUF + 1:][NBUF:2 * NBUF]
        ssem = scr[2 * NBUF + 1:][2 * NBUF:3 * NBUF]

        c = lax.axis_index("c")
        s = lax.axis_index("s")
        _zero_phase(zf_hbm, acc, s)

        cbase = (c * NS + s) * NCHUNK

        def fire_idx(j, b):
            pltpu.async_copy(idx_hbm.at[cbase + j], ibuf[b], isem[b])

        if with_count:
            one16 = jnp.full((16,), 1.0, jnp.float32)

            def fill(i, carry):
                for g in range(D // 16):
                    rows[0][i, pl.ds(g * 16, 16)] = one16
                return carry

            lax.fori_loop(0, CHUNK, fill, 0)
            plsc.subcore_barrier()

            def cfire_scatter(b):
                pltpu.make_async_copy(idx_hbm.at[cbase], ibuf[b],
                                      isem[b]).wait()
                pltpu.async_copy(rows[0], acc.at[ibuf[b].at[1]], ssem[b],
                                 add=True)

            def cwait_scatter(b):
                pltpu.make_async_copy(rows[0], acc.at[ibuf[b].at[1]],
                                      ssem[b]).wait()

            def cmacro(k, carry):
                for u in range(NBUF):
                    t = k * NBUF + u
                    pl.when((t >= NBUF) & (t - NBUF < NCHUNK))(
                        lambda b=u: cwait_scatter(b))
                    pl.when(t < NCHUNK)(lambda b=u, tt=t: fire_idx(tt, b))
                    pl.when((t >= 1) & (t - 1 < NCHUNK))(
                        lambda b=(u - 1) % NBUF: cfire_scatter(b))
                return carry

            lax.fori_loop(0, (NCHUNK + NBUF - 1) // NBUF + 1, cmacro, 0)
            plsc.subcore_barrier()
            _out_phase(acc, c_out, c, s)
            _zero_phase(zf_hbm, acc, s)

        plsc.subcore_barrier()

        def fire_gather(b):
            pltpu.make_async_copy(idx_hbm.at[cbase], ibuf[b], isem[b]).wait()
            pltpu.async_copy(y_hbm.at[ibuf[b].at[0]], rows[b], gsem[b])

        def fire_scatter(b):
            pltpu.make_async_copy(y_hbm.at[ibuf[b].at[0]], rows[b],
                                  gsem[b]).wait()
            pltpu.async_copy(rows[b], acc.at[ibuf[b].at[1]], ssem[b],
                             add=True)

        def wait_scatter(b):
            pltpu.make_async_copy(rows[b], acc.at[ibuf[b].at[1]],
                                  ssem[b]).wait()

        def macro(k, carry):
            for u in range(NBUF):
                t = k * NBUF + u
                pl.when((t >= NBUF) & (t - NBUF < NCHUNK))(
                    lambda b=u: wait_scatter(b))
                pl.when(t < NCHUNK)(lambda b=u, tt=t: fire_idx(tt, b))
                pl.when((t >= 1) & (t - 1 < NCHUNK))(
                    lambda b=(u - 1) % NBUF: fire_gather(b))
                pl.when((t >= 3) & (t - 3 < NCHUNK))(
                    lambda b=(u - 3) % NBUF: fire_scatter(b))
            return carry

        lax.fori_loop(0, (NCHUNK + NBUF - 1) // NBUF + 1, macro, 0)
        plsc.subcore_barrier()
        _out_phase(acc, s_out, c, s)

    return body(y_flat, idx_packed, zfeat)


def kernel(x_user, x_item, edge_index_user_to_item, edge_index_item_rev_user,
           params):
    f32 = jnp.float32
    p = params
    x_all = jnp.stack([x_user, x_item]).astype(f32)

    wp = jnp.stack([p["proj"]["user"]["W"], p["proj"]["item"]["W"]])
    bp = jnp.stack([p["proj"]["user"]["b"], p["proj"]["item"]["b"]])[:, None, :]
    c1u = p["conv1"]["user__to__item"]
    c1i = p["conv1"]["item__rev__user"]
    c2u = p["conv2"]["user__to__item"]
    c2i = p["conv2"]["item__rev__user"]
    wn1 = jnp.stack([c1u["Wn"], c1i["Wn"]])
    ws1 = jnp.stack([c1i["Ws"], c1u["Ws"]])
    bs1 = jnp.stack([c1i["bs"], c1u["bs"]])[:, None, :]
    wn2 = jnp.stack([c2u["Wn"], c2i["Wn"]])
    ws2 = jnp.stack([c2i["Ws"], c2u["Ws"]])
    bs2 = jnp.stack([c2i["bs"], c2u["bs"]])[:, None, :]

    src_flat = jnp.concatenate([edge_index_user_to_item[0].astype(jnp.int32),
                                edge_index_item_rev_user[0].astype(jnp.int32)
                                + N])
    dst_flat = jnp.concatenate([edge_index_user_to_item[1].astype(jnp.int32),
                                edge_index_item_rev_user[1].astype(jnp.int32)])
    pad = EPAD - E
    src_p = jnp.concatenate(
        [src_flat[:E], jnp.zeros((pad,), jnp.int32),
         src_flat[E:], jnp.zeros((pad,), jnp.int32)])
    dst_p = jnp.concatenate(
        [dst_flat[:E], jnp.full((pad,), N, jnp.int32),
         dst_flat[E:], jnp.full((pad,), N, jnp.int32)])
    idx_packed = jnp.stack([src_p.reshape(-1, CHUNK),
                            dst_p.reshape(-1, CHUNK)], axis=1)
    zfeat = jnp.zeros((RPT, D), f32)

    y1, z1 = _stage_proj(x_all, wp, bp, wn1, ws1, bs1)
    s1, cnt = _sc_segsum(y1.reshape(NC * N, D), idx_packed, zfeat,
                         with_count=True)
    y2, z2 = _stage_mid(z1, s1, cnt, wn2, ws2, bs2)
    s2 = _sc_segsum(y2.reshape(NC * N, D), idx_packed, zfeat)
    out = _stage_fin(z2, s2, cnt)
    return out[0], out[1]

# --- scband reference (transcript-rebuilt; emitter-appended) ---
"""Pipeline reference for scband-hetero-gnn-1099511628126 (READ-ONLY COPY).

The authoritative reference and input builder live on the scoring server;
editing this copy changes nothing except your own understanding.
"""

import jax, jax.numpy as jnp
import numpy as np

N_USER = 10000
N_ITEM = 10000
E = 320000
D = 128
H = 128


def _lin(key, fan_in, fan_out):
    lim = 1.0 / np.sqrt(fan_in)
    return jax.random.uniform(key, (fan_out, fan_in), jnp.float32, -lim, lim)


def setup_inputs(seed: int = 0) -> dict:
    key = jax.random.key(seed)
    ks = jax.random.split(key, 24)
    x_user = jax.random.normal(ks[0], (N_USER, D), jnp.float32)
    x_item = jax.random.normal(ks[1], (N_ITEM, D), jnp.float32)
    edge_index_user_to_item = jax.random.randint(ks[2], (2, E), 0, N_USER).astype(jnp.int64)
    edge_index_item_rev_user = jax.random.randint(ks[3], (2, E), 0, N_ITEM).astype(jnp.int64)

    def sage_params(k):
        k1, k2 = jax.random.split(k)
        return {"Wn": _lin(k1, H, H), "Ws": _lin(k2, H, H), "bs": jnp.zeros((H,), jnp.float32)}

    params = {
        "proj": {
            "user": {"W": _lin(ks[4], D, H), "b": jnp.zeros((H,), jnp.float32)},
            "item": {"W": _lin(ks[5], D, H), "b": jnp.zeros((H,), jnp.float32)},
        },
        "conv1": {
            "user__to__item": sage_params(ks[6]),
            "item__rev__user": sage_params(ks[7]),
        },
        "conv2": {
            "user__to__item": sage_params(ks[8]),
            "item__rev__user": sage_params(ks[9]),
        },
    }
    return {
        "x_user": x_user,
        "x_item": x_item,
        "edge_index_user_to_item": edge_index_user_to_item,
        "edge_index_item_rev_user": edge_index_item_rev_user,
        "params": params,
    }


def scatter_mean(src, index, dim_size):
    out = jax.ops.segment_sum(src, index, num_segments=dim_size)
    ones = jnp.ones((index.shape[0], 1), src.dtype)
    count = jax.ops.segment_sum(ones, index, num_segments=dim_size)
    count = jnp.clip(count, 1.0, None)
    return out / count


def sage_conv(x_src, x_dst, edge_index, p):
    src_idx, dst_idx = edge_index[0], edge_index[1]
    messages = jnp.take(x_src, src_idx, axis=0)
    agg = scatter_mean(messages, dst_idx, x_dst.shape[0])
    return agg @ p["Wn"].T + x_dst @ p["Ws"].T + p["bs"]


def reference(x_user, x_item, edge_index_user_to_item, edge_index_item_rev_user, params):
    pu = params["proj"]["user"]
    pi = params["proj"]["item"]
    h_user = jnp.nan_to_num(jax.nn.relu(x_user @ pu["W"].T + pu["b"]), nan=0.0)
    h_item = jnp.nan_to_num(jax.nn.relu(x_item @ pi["W"].T + pi["b"]), nan=0.0)

    # conv1
    up_item = sage_conv(h_user, h_item, edge_index_user_to_item, params["conv1"]["user__to__item"])
    up_user = sage_conv(h_item, h_user, edge_index_item_rev_user, params["conv1"]["item__rev__user"])
    h_user = jax.nn.relu(up_user)
    h_item = jax.nn.relu(up_item)

    # conv2
    up_item = sage_conv(h_user, h_item, edge_index_user_to_item, params["conv2"]["user__to__item"])
    up_user = sage_conv(h_item, h_user, edge_index_item_rev_user, params["conv2"]["item__rev__user"])
    h_user = jax.nn.relu(up_user)
    h_item = jax.nn.relu(up_item)

    return (h_user, h_item)

if __name__ == "__main__":
    import jax
    _d = setup_inputs()
    print(jax.jit(kernel)(*tuple(_d.values())))

</pallas_src>

<mosaic_0001>
#map = affine_map<(d0, d1) -> (0, 0)>
#map1 = affine_map<(d0, d1) -> (0, 0, 0)>
module attributes {stable_mosaic.version = 14 : i64} {
  func.func @body(%arg0: i32, %arg1: i32, %arg2: memref<20000x128xf32, #tpu.memory_space<hbm>>, %arg3: memref<8000x2x80xi32, #tpu.memory_space<hbm>>, %arg4: memref<624x128xf32, #tpu.memory_space<hbm>>, %arg5: memref<2x10000x128xf32, #tpu.memory_space<hbm>>, %arg6: memref<2x10000x128xf32, #tpu.memory_space<hbm>>, %arg7: memref<2x80xi32, #tpu.memory_space<vmem>>, %arg8: memref<2x80xi32, #tpu.memory_space<vmem>>, %arg9: memref<2x80xi32, #tpu.memory_space<vmem>>, %arg10: memref<2x80xi32, #tpu.memory_space<vmem>>, %arg11: memref<80x128xf32, #tpu.memory_space<vmem>>, %arg12: memref<80x128xf32, #tpu.memory_space<vmem>>, %arg13: memref<80x128xf32, #tpu.memory_space<vmem>>, %arg14: memref<80x128xf32, #tpu.memory_space<vmem>>, %arg15: memref<10016x128xf32, #tpu.memory_space<vmem_shared>>, %arg16: memref<!tpu.dma_semaphore, #tpu.memory_space<semaphore_mem>>, %arg17: memref<!tpu.dma_semaphore, #tpu.memory_space<semaphore_mem>>, %arg18: memref<!tpu.dma_semaphore, #tpu.memory_space<semaphore_mem>>, %arg19: memref<!tpu.dma_semaphore, #tpu.memory_space<semaphore_mem>>, %arg20: memref<!tpu.dma_semaphore, #tpu.memory_space<semaphore_mem>>, %arg21: memref<!tpu.dma_semaphore, #tpu.memory_space<semaphore_mem>>, %arg22: memref<!tpu.dma_semaphore, #tpu.memory_space<semaphore_mem>>, %arg23: memref<!tpu.dma_semaphore, #tpu.memory_space<semaphore_mem>>, %arg24: memref<!tpu.dma_semaphore, #tpu.memory_space<semaphore_mem>>, %arg25: memref<!tpu.dma_semaphore, #tpu.memory_space<semaphore_mem>>, %arg26: memref<!tpu.dma_semaphore, #tpu.memory_space<semaphore_mem>>, %arg27: memref<!tpu.dma_semaphore, #tpu.memory_space<semaphore_mem>>) attributes {dimension_semantics = [#tpu.dimension_semantics<core_parallel>, #tpu.dimension_semantics<subcore_parallel>], iteration_bounds = array<i64: 2, 16>, scalar_prefetch = 0 : i64, scratch_operands = 21 : i64, tpu.core_type = #tpu.core_type<sc_vector_subcore>, window_params = [{transform_indices = #map}, {transform_indices = #map1}, {transform_indices = #map}, {transform_indices = #map1}, {transform_indices = #map1}]} {
    %mul3A = arith.constant 624 : i32
    %mul3A_0 = arith.muli %arg1, %mul3A : i32
    "tpu.region"() ({
      %run_scoped3A = tpu.sem_alloc : memref<!tpu.dma_semaphore, #tpu.memory_space<semaphore_mem>>
      %dma_start3A = arith.constant 0 : i32
      %dma_start3A_56 = tpu.memref_slice %arg15[%mul3A_0, %dma_start3A] : memref<10016x128xf32, #tpu.memory_space<vmem_shared>> -> memref<624x128xf32, #tpu.memory_space<vmem_shared>>
      tpu.enqueue_dma source(%arg4 : memref<624x128xf32, #tpu.memory_space<hbm>>) target(%dma_start3A_56 : memref<624x128xf32, #tpu.memory_space<vmem_shared>>) target_semaphore(%run_scoped3A : memref<!tpu.dma_semaphore, #tpu.memory_space<semaphore_mem>>)
      %dma_wait3A = arith.constant 0 : i32
      %dma_wait3A_57 = tpu.memref_slice %arg15[%mul3A_0, %dma_wait3A] : memref<10016x128xf32, #tpu.memory_space<vmem_shared>> -> memref<624x128xf32, #tpu.memory_space<vmem_shared>>
      tpu.wait_dma2 semaphore(%run_scoped3A : memref<!tpu.dma_semaphore, #tpu.memory_space<semaphore_mem>>) src(%arg4 : memref<624x128xf32, #tpu.memory_space<hbm>>) dst(%dma_wait3A_57 : memref<624x128xf32, #tpu.memory_space<vmem_shared>>)
      tpu.yield
    }) : () -> ()
    %eq3A = arith.constant 15 : i32
    %eq3A_1 = arith.cmpi eq, %arg1, %eq3A : i32
    %convert_element_type3A = arith.extui %eq3A_1 : i1 to i32
    %cond3A = arith.constant 0 : i32
    %cond3A_2 = arith.cmpi ne, %convert_element_type3A, %cond3A : i32
    scf.if %cond3A_2 {
      "tpu.region"() ({
        %run_scoped3A = tpu.sem_alloc : memref<!tpu.dma_semaphore, #tpu.memory_space<semaphore_mem>>
        %dma_start3A = arith.constant 9984 : i32
        %dma_start3A_56 = arith.constant 0 : i32
        %dma_start3A_57 = tpu.memref_slice %arg15[%dma_start3A, %dma_start3A_56] : memref<10016x128xf32, #tpu.memory_space<vmem_shared>> -> memref<16x128xf32, #tpu.memory_space<vmem_shared>>
        %dma_start3A_58 = arith.constant 0 : i32
        %dma_start3A_59 = arith.constant 0 : i32
        %dma_start3A_60 = tpu.memref_slice %arg4[%dma_start3A_58, %dma_start3A_59] : memref<624x128xf32, #tpu.memory_space<hbm>> -> memref<16x128xf32, #tpu.memory_space<hbm>>
        tpu.enqueue_dma source(%dma_start3A_60 : memref<16x128xf32, #tpu.memory_space<hbm>>) target(%dma_start3A_57 : memref<16x128xf32, #tpu.memory_space<vmem_shared>>) target_semaphore(%run_scoped3A : memref<!tpu.dma_semaphore, #tpu.memory_space<semaphore_mem>>)
        %dma_wait3A = arith.constant 9984 : i32
        %dma_wait3A_61 = arith.constant 0 : i32
        %dma_wait3A_62 = tpu.memref_slice %arg15[%dma_wait3A, %dma_wait3A_61] : memref<10016x128xf32, #tpu.memory_space<vmem_shared>> -> memref<16x128xf32, #tpu.memory_space<vmem_shared>>
        %dma_wait3A_63 = arith.constant 0 : i32
        %dma_wait3A_64 = arith.constant 0 : i32
        %dma_wait3A_65 = tpu.memref_slice %arg4[%dma_wait3A_63, %dma_wait3A_64] : memref<624x128xf32, #tpu.memory_space<hbm>> -> memref<16x128xf32, #tpu.memory_space<hbm>>
        tpu.wait_dma2 semaphore(%run_scoped3A : memref<!tpu.dma_semaphore, #tpu.memory_space<semaphore_mem>>) src(%dma_wait3A_65 : memref<16x128xf32, #tpu.memory_space<hbm>>) dst(%dma_wait3A_62 : memref<16x128xf32, #tpu.memory_space<vmem_shared>>)
        tpu.yield
      }) : () -> ()
    } else {
    }
    %mul3A_3 = arith.constant 16 : i32
    %mul3A_4 = arith.muli %arg0, %mul3A_3 : i32
    %add3A = arith.addi %mul3A_4, %arg1 : i32
    %mul3A_5 = arith.constant 250 : i32
    %mul3A_6 = arith.muli %add3A, %mul3A_5 : i32
    %broadcast_in_dim3A = arith.constant 1.000000e+00 : f32
    %broadcast_in_dim3A_7 = vector.broadcast %broadcast_in_dim3A : f32 to vector<16xf32>
    %scan3A = arith.constant 0 : i32
    %scan3A_8 = arith.constant 0 : i32
    %scan3A_9 = arith.constant 80 : i32
    %scan3A_10 = arith.addi %scan3A_8, %scan3A_9 : i32
    %scan3A_11 = arith.constant 1 : i32
    scf.for %scan3A_56 = %scan3A_8 to %scan3A_10 step %scan3A_11  : i32 {
      %swap3A = arith.index_cast %scan3A_56 : i32 to index
      %swap3A_57 = arith.constant 0 : index
      %swap3A_58 = tpu.vector_load %arg11[%swap3A, %swap3A_57] {strides = array<i32>} : memref<80x128xf32, #tpu.memory_space<vmem>>, vector<1x16xf32>,
      %swap3A_59 = vector.shape_cast %swap3A_58 : vector<1x16xf32> to vector<16xf32>
      %swap3A_60 = vector.shape_cast %broadcast_in_dim3A_7 : vector<16xf32> to vector<1x16xf32>
      tpu.vector_store %arg11[%swap3A, %swap3A_57], %swap3A_60 {strides = array<i32>} : memref<80x128xf32, #tpu.memory_space<vmem>>, vector<1x16xf32>,
      %swap3A_61 = arith.index_cast %scan3A_56 : i32 to index
      %swap3A_62 = arith.constant 16 : index
      %swap3A_63 = tpu.vector_load %arg11[%swap3A_61, %swap3A_62] {strides = array<i32>} : memref<80x128xf32, #tpu.memory_space<vmem>>, vector<1x16xf32>,
      %swap3A_64 = vector.shape_cast %swap3A_63 : vector<1x16xf32> to vector<16xf32>
      %swap3A_65 = vector.shape_cast %broadcast_in_dim3A_7 : vector<16xf32> to vector<1x16xf32>
      tpu.vector_store %arg11[%swap3A_61, %swap3A_62], %swap3A_65 {strides = array<i32>} : memref<80x128xf32, #tpu.memory_space<vmem>>, vector<1x16xf32>,
      %swap3A_66 = arith.index_cast %scan3A_56 : i32 to index
      %swap3A_67 = arith.constant 32 : index
      %swap3A_68 = tpu.vector_load %arg11[%swap3A_66, %swap3A_67] {strides = array<i32>} : memref<80x128xf32, #tpu.memory_space<vmem>>, vector<1x16xf32>,
      %swap3A_69 = vector.shape_cast %swap3A_68 : vector<1x16xf32> to vector<16xf32>
      %swap3A_70 = vector.shape_cast %broadcast_in_dim3A_7 : vector<16xf32> to vector<1x16xf32>
      tpu.vector_store %arg11[%swap3A_66, %swap3A_67], %swap3A_70 {strides = array<i32>} : memref<80x128xf32, #tpu.memory_space<vmem>>, vector<1x16xf32>,
      %swap3A_71 = arith.index_cast %scan3A_56 : i32 to index
      %swap3A_72 = arith.constant 48 : index
      %swap3A_73 = tpu.vector_load %arg11[%swap3A_71, %swap3A_72] {strides = array<i32>} : memref<80x128xf32, #tpu.memory_space<vmem>>, vector<1x16xf32>,
      %swap3A_74 = vector.shape_cast %swap3A_73 : vector<1x16xf32> to vector<16xf32>
      %swap3A_75 = vector.shape_cast %broadcast_in_dim3A_7 : vector<16xf32> to vector<1x16xf32>
      tpu.vector_store %arg11[%swap3A_71, %swap3A_72], %swap3A_75 {strides = array<i32>} : memref<80x128xf32, #tpu.memory_space<vmem>>, vector<1x16xf32>,
      %swap3A_76 = arith.index_cast %scan3A_56 : i32 to index
      %swap3A_77 = arith.constant 64 : index
      %swap3A_78 = tpu.vector_load %arg11[%swap3A_76, %swap3A_77] {strides = array<i32>} : memref<80x128xf32, #tpu.memory_space<vmem>>, vector<1x16xf32>,
      %swap3A_79 = vector.shape_cast %swap3A_78 : vector<1x16xf32> to vector<16xf32>
      %swap3A_80 = vector.shape_cast %broadcast_in_dim3A_7 : vector<16xf32> to vector<1x16xf32>
      tpu.vector_store %arg11[%swap3A_76, %swap3A_77], %swap3A_80 {strides = array<i32>} : memref<80x128xf32, #tpu.memory_space<vmem>>, vector<1x16xf32>,
      %swap3A_81 = arith.index_cast %scan3A_56 : i32 to index
      %swap3A_82 = arith.constant 80 : index
      %swap3A_83 = tpu.vector_load %arg11[%swap3A_81, %swap3A_82] {strides = array<i32>} : memref<80x128xf32, #tpu.memory_space<vmem>>, vector<1x16xf32>,
      %swap3A_84 = vector.shape_cast %swap3A_83 : vector<1x16xf32> to vector<16xf32>
      %swap3A_85 = vector.shape_cast %broadcast_in_dim3A_7 : vector<16xf32> to vector<1x16xf32>
      tpu.vector_store %arg11[%swap3A_81, %swap3A_82], %swap3A_85 {strides = array<i32>} : memref<80x128xf32, #tpu.memory_space<vmem>>, vector<1x16xf32>,
      %swap3A_86 = arith.index_cast %scan3A_56 : i32 to index
      %swap3A_87 = arith.constant 96 : index
      %swap3A_88 = tpu.vector_load %arg11[%swap3A_86, %swap3A_87] {strides = array<i32>} : memref<80x128xf32, #tpu.memory_space<vmem>>, vector<1x16xf32>,
      %swap3A_89 = vector.shape_cast %swap3A_88 : vector<1x16xf32> to vector<16xf32>
      %swap3A_90 = vector.shape_cast %broadcast_in_dim3A_7 : vector<16xf32> to vector<1x16xf32>
      tpu.vector_store %arg11[%swap3A_86, %swap3A_87], %swap3A_90 {strides = array<i32>} : memref<80x128xf32, #tpu.memory_space<vmem>>, vector<1x16xf32>,
      %swap3A_91 = arith.index_cast %scan3A_56 : i32 to index
      %swap3A_92 = arith.constant 112 : index
      %swap3A_93 = tpu.vector_load %arg11[%swap3A_91, %swap3A_92] {strides = array<i32>} : memref<80x128xf32, #tpu.memory_space<vmem>>, vector<1x16xf32>,
      %swap3A_94 = vector.shape_cast %swap3A_93 : vector<1x16xf32> to vector<16xf32>
      %swap3A_95 = vector.shape_cast %broadcast_in_dim3A_7 : vector<16xf32> to vector<1x16xf32>
      tpu.vector_store %arg11[%swap3A_91, %swap3A_92], %swap3A_95 {strides = array<i32>} : memref<80x128xf32, #tpu.memory_space<vmem>>, vector<1x16xf32>,
    }
    %scan3A_12 = arith.constant 80 : i32
    %barrier3A = arith.constant 0 : index
    tpu.barrier barrier_id(%barrier3A)
    %scan3A_13 = arith.constant 0 : i32
    %scan3A_14 = arith.constant 0 : i32
    %scan3A_15 = arith.constant 64 : i32
    %scan3A_16 = arith.addi %scan3A_14, %scan3A_15 : i32
    %scan3A_17 = arith.constant 1 : i32
    scf.for %scan3A_56 = %scan3A_14 to %scan3A_16 step %scan3A_17  : i32 {
      %mul3A_57 = arith.constant 4 : i32
      %mul3A_58 = arith.muli %scan3A_56, %mul3A_57 : i32
      %add3A_59 = arith.constant 0 : i32
      %add3A_60 = arith.addi %mul3A_58, %add3A_59 : i32
      %ge3A = arith.constant 4 : i32
      %ge3A_61 = arith.cmpi sge, %add3A_60, %ge3A : i32
      %sub3A_62 = arith.constant 4 : i32
      %sub3A_63 = arith.subi %add3A_60, %sub3A_62 : i32
      %lt3A = arith.constant 250 : i32
      %lt3A_64 = arith.cmpi slt, %sub3A_63, %lt3A : i32
      %and3A = arith.andi %ge3A_61, %lt3A_64 : i1
      %convert_element_type3A_65 = arith.extui %and3A : i1 to i32
      %cond3A_66 = arith.constant 0 : i32
      %cond3A_67 = arith.cmpi ne, %convert_element_type3A_65, %cond3A_66 : i32
      scf.if %cond3A_67 {
        %dma_wait3A = arith.constant 1 : i32
        %dma_wait3A_170 = arith.constant 0 : i32
        %dma_wait3A_171 = tpu.memref_slice %arg7[%dma_wait3A, %dma_wait3A_170] : memref<2x80xi32, #tpu.memory_space<vmem>> -> memref<1x80xi32, #tpu.memory_space<vmem>>
        %dma_wait3A_172 = tpu.memref_squeeze %dma_wait3A_171 : memref<1x80xi32, #tpu.memory_space<vmem>> -> memref<80xi32, #tpu.memory_space<vmem>>
        %dma_wait3A_173 = arith.constant 0 : i32
        %dma_wait3A_174 = arith.constant 0 : i32
        %dma_wait3A_175 = tpu.memref_slice %arg15[%dma_wait3A_173, %dma_wait3A_174] : memref<10016x128xf32, #tpu.memory_space<vmem_shared>> -> memref<10016x128xf32, #tpu.memory_space<vmem_shared>>
        tpu.wait_indirect_dma semaphore(%arg24 : memref<!tpu.dma_semaphore, #tpu.memory_space<semaphore_mem>>) src(%arg11 : memref<80x128xf32, #tpu.memory_space<vmem>>) dst(%dma_wait3A_175 : memref<10016x128xf32, #tpu.memory_space<vmem_shared>>)
      } else {
      }
      %lt3A_68 = arith.constant 250 : i32
      %lt3A_69 = arith.cmpi slt, %add3A_60, %lt3A_68 : i32
      %convert_element_type3A_70 = arith.extui %lt3A_69 : i1 to i32
      %cond3A_71 = arith.constant 0 : i32
      %cond3A_72 = arith.cmpi ne, %convert_element_type3A_70, %cond3A_71 : i32
      scf.if %cond3A_72 {
        %add3A_170 = arith.addi %mul3A_6, %add3A_60 : i32
        %dma_start3A = arith.constant 0 : i32
        %dma_start3A_171 = arith.constant 0 : i32
        %dma_start3A_172 = tpu.memref_slice %arg3[%add3A_170, %dma_start3A, %dma_start3A_171] : memref<8000x2x80xi32, #tpu.memory_space<hbm>> -> memref<1x2x80xi32, #tpu.memory_space<hbm>>
        %dma_start3A_173 = tpu.memref_squeeze %dma_start3A_172 : memref<1x2x80xi32, #tpu.memory_space<hbm>> -> memref<2x80xi32, #tpu.memory_space<hbm>>
        %dma_start3A_174 = arith.constant 0 : i32
        %dma_start3A_175 = arith.constant 0 : i32
        %dma_start3A_176 = tpu.memref_slice %arg3[%add3A_170, %dma_start3A_174, %dma_start3A_175] : memref<8000x2x80xi32, #tpu.memory_space<hbm>> -> memref<1x2x80xi32, #tpu.memory_space<hbm>>
        %dma_start3A_177 = tpu.memref_squeeze %dma_start3A_176 : memref<1x2x80xi32, #tpu.memory_space<hbm>> -> memref<2x80xi32, #tpu.memory_space<hbm>>
        tpu.enqueue_dma source(%dma_start3A_177 : memref<2x80xi32, #tpu.memory_space<hbm>>) target(%arg7 : memref<2x80xi32, #tpu.memory_space<vmem>>) target_semaphore(%arg16 : memref<!tpu.dma_semaphore, #tpu.memory_space<semaphore_mem>>)
      } else {
      }
      %ge3A_73 = arith.constant 1 : i32
      %ge3A_74 = arith.cmpi sge, %add3A_60, %ge3A_73 : i32
      %sub3A_75 = arith.constant 1 : i32
      %sub3A_76 = arith.subi %add3A_60, %sub3A_75 : i32
      %lt3A_77 = arith.constant 250 : i32
      %lt3A_78 = arith.cmpi slt, %sub3A_76, %lt3A_77 : i32
      %and3A_79 = arith.andi %ge3A_74, %lt3A_78 : i1
      %convert_element_type3A_80 = arith.extui %and3A_79 : i1 to i32
      %cond3A_81 = arith.constant 0 : i32
      %cond3A_82 = arith.cmpi ne, %convert_element_type3A_80, %cond3A_81 : i32
      scf.if %cond3A_82 {
        %dma_wait3A = arith.constant 0 : i32
        %dma_wait3A_170 = arith.constant 0 : i32
        %dma_wait3A_171 = tpu.memref_slice %arg3[%mul3A_6, %dma_wait3A, %dma_wait3A_170] : memref<8000x2x80xi32, #tpu.memory_space<hbm>> -> memref<1x2x80xi32, #tpu.memory_space<hbm>>
        %dma_wait3A_172 = tpu.memref_squeeze %dma_wait3A_171 : memref<1x2x80xi32, #tpu.memory_space<hbm>> -> memref<2x80xi32, #tpu.memory_space<hbm>>
        %dma_wait3A_173 = arith.constant 0 : i32
        %dma_wait3A_174 = arith.constant 0 : i32
        %dma_wait3A_175 = tpu.memref_slice %arg3[%mul3A_6, %dma_wait3A_173, %dma_wait3A_174] : memref<8000x2x80xi32, #tpu.memory_space<hbm>> -> memref<1x2x80xi32, #tpu.memory_space<hbm>>
        %dma_wait3A_176 = tpu.memref_squeeze %dma_wait3A_175 : memref<1x2x80xi32, #tpu.memory_space<hbm>> -> memref<2x80xi32, #tpu.memory_space<hbm>>
        tpu.wait_dma2 semaphore(%arg19 : memref<!tpu.dma_semaphore, #tpu.memory_space<semaphore_mem>>) src(%dma_wait3A_176 : memref<2x80xi32, #tpu.memory_space<hbm>>) dst(%arg10 : memref<2x80xi32, #tpu.memory_space<vmem>>)
        %dma_start3A = arith.constant 1 : i32
        %dma_start3A_177 = arith.constant 0 : i32
        %dma_start3A_178 = tpu.memref_slice %arg10[%dma_start3A, %dma_start3A_177] : memref<2x80xi32, #tpu.memory_space<vmem>> -> memref<1x80xi32, #tpu.memory_space<vmem>>
        %dma_start3A_179 = tpu.memref_squeeze %dma_start3A_178 : memref<1x80xi32, #tpu.memory_space<vmem>> -> memref<80xi32, #tpu.memory_space<vmem>>
        %dma_start3A_180 = arith.constant 0 : i32
        %dma_start3A_181 = arith.constant 0 : i32
        %dma_start3A_182 = tpu.memref_slice %arg15[%dma_start3A_180, %dma_start3A_181] : memref<10016x128xf32, #tpu.memory_space<vmem_shared>> -> memref<10016x128xf32, #tpu.memory_space<vmem_shared>>
        tpu.enqueue_indirect_dma source(%arg11 : memref<80x128xf32, #tpu.memory_space<vmem>>) target(%dma_start3A_182 : memref<10016x128xf32, #tpu.memory_space<vmem_shared>>) offsets(%dma_start3A_179 : memref<80xi32, #tpu.memory_space<vmem>>) semaphore(%arg27 : memref<!tpu.dma_semaphore, #tpu.memory_space<semaphore_mem>>) {add = true}
      } else {
      }
      %mul3A_83 = arith.constant 4 : i32
      %mul3A_84 = arith.muli %scan3A_56, %mul3A_83 : i32
      %add3A_85 = arith.constant 1 : i32
      %add3A_86 = arith.addi %mul3A_84, %add3A_85 : i32
      %ge3A_87 = arith.constant 4 : i32
      %ge3A_88 = arith.cmpi sge, %add3A_86, %ge3A_87 : i32
      %sub3A_89 = arith.constant 4 : i32
      %sub3A_90 = arith.subi %add3A_86, %sub3A_89 : i32
      %lt3A_91 = arith.constant 250 : i32
      %lt3A_92 = arith.cmpi slt, %sub3A_90, %lt3A_91 : i32
      %and3A_93 = arith.andi %ge3A_88, %lt3A_92 : i1
      %convert_element_type3A_94 = arith.extui %and3A_93 : i1 to i32
      %cond3A_95 = arith.constant 0 : i32
      %cond3A_96 = arith.cmpi ne, %convert_element_type3A_94, %cond3A_95 : i32
      scf.if %cond3A_96 {
        %dma_wait3A = arith.constant 1 : i32
        %dma_wait3A_170 = arith.constant 0 : i32
        %dma_wait3A_171 = tpu.memref_slice %arg8[%dma_wait3A, %dma_wait3A_170] : memref<2x80xi32, #tpu.memory_space<vmem>> -> memref<1x80xi32, #tpu.memory_space<vmem>>
        %dma_wait3A_172 = tpu.memref_squeeze %dma_wait3A_171 : memref<1x80xi32, #tpu.memory_space<vmem>> -> memref<80xi32, #tpu.memory_space<vmem>>
        %dma_wait3A_173 = arith.constant 0 : i32
        %dma_wait3A_174 = arith.constant 0 : i32
        %dma_wait3A_175 = tpu.memref_slice %arg15[%dma_wait3A_173, %dma_wait3A_174] : memref<10016x128xf32, #tpu.memory_space<vmem_shared>> -> memref<10016x128xf32, #tpu.memory_space<vmem_shared>>
        tpu.wait_indirect_dma semaphore(%arg25 : memref<!tpu.dma_semaphore, #tpu.memory_space<semaphore_mem>>) src(%arg11 : memref<80x128xf32, #tpu.memory_space<vmem>>) dst(%dma_wait3A_175 : memref<10016x128xf32, #tpu.memory_space<vmem_shared>>)
      } else {
      }
      %lt3A_97 = arith.constant 250 : i32
      %lt3A_98 = arith.cmpi slt, %add3A_86, %lt3A_97 : i32
      %convert_element_type3A_99 = arith.extui %lt3A_98 : i1 to i32
      %cond3A_100 = arith.constant 0 : i32
      %cond3A_101 = arith.cmpi ne, %convert_element_type3A_99, %cond3A_100 : i32
      scf.if %cond3A_101 {
        %add3A_170 = arith.addi %mul3A_6, %add3A_86 : i32
        %dma_start3A = arith.constant 0 : i32
        %dma_start3A_171 = arith.constant 0 : i32
        %dma_start3A_172 = tpu.memref_slice %arg3[%add3A_170, %dma_start3A, %dma_start3A_171] : memref<8000x2x80xi32, #tpu.memory_space<hbm>> -> memref<1x2x80xi32, #tpu.memory_space<hbm>>
        %dma_start3A_173 = tpu.memref_squeeze %dma_start3A_172 : memref<1x2x80xi32, #tpu.memory_space<hbm>> -> memref<2x80xi32, #tpu.memory_space<hbm>>
        %dma_start3A_174 = arith.constant 0 : i32
        %dma_start3A_175 = arith.constant 0 : i32
        %dma_start3A_176 = tpu.memref_slice %arg3[%add3A_170, %dma_start3A_174, %dma_start3A_175] : memref<8000x2x80xi32, #tpu.memory_space<hbm>> -> memref<1x2x80xi32, #tpu.memory_space<hbm>>
        %dma_start3A_177 = tpu.memref_squeeze %dma_start3A_176 : memref<1x2x80xi32, #tpu.memory_space<hbm>> -> memref<2x80xi32, #tpu.memory_space<hbm>>
        tpu.enqueue_dma source(%dma_start3A_177 : memref<2x80xi32, #tpu.memory_space<hbm>>) target(%arg8 : memref<2x80xi32, #tpu.memory_space<vmem>>) target_semaphore(%arg17 : memref<!tpu.dma_semaphore, #tpu.memory_space<semaphore_mem>>)
      } else {
      }
      %ge3A_102 = arith.constant 1 : i32
      %ge3A_103 = arith.cmpi sge, %add3A_86, %ge3A_102 : i32
      %sub3A_104 = arith.constant 1 : i32
      %sub3A_105 = arith.subi %add3A_86, %sub3A_104 : i32
      %lt3A_106 = arith.constant 250 : i32
      %lt3A_107 = arith.cmpi slt, %sub3A_105, %lt3A_106 : i32
      %and3A_108 = arith.andi %ge3A_103, %lt3A_107 : i1
      %convert_element_type3A_109 = arith.extui %and3A_108 : i1 to i32
      %cond3A_110 = arith.constant 0 : i32
      %cond3A_111 = arith.cmpi ne, %convert_element_type3A_109, %cond3A_110 : i32
      scf.if %cond3A_111 {
        %dma_wait3A = arith.constant 0 : i32
        %dma_wait3A_170 = arith.constant 0 : i32
        %dma_wait3A_171 = tpu.memref_slice %arg3[%mul3A_6, %dma_wait3A, %dma_wait3A_170] : memref<8000x2x80xi32, #tpu.memory_space<hbm>> -> memref<1x2x80xi32, #tpu.memory_space<hbm>>
        %dma_wait3A_172 = tpu.memref_squeeze %dma_wait3A_171 : memref<1x2x80xi32, #tpu.memory_space<hbm>> -> memref<2x80xi32, #tpu.memory_space<hbm>>
        %dma_wait3A_173 = arith.constant 0 : i32
        %dma_wait3A_174 = arith.constant 0 : i32
        %dma_wait3A_175 = tpu.memref_slice %arg3[%mul3A_6, %dma_wait3A_173, %dma_wait3A_174] : memref<8000x2x80xi32, #tpu.memory_space<hbm>> -> memref<1x2x80xi32, #tpu.memory_space<hbm>>
        %dma_wait3A_176 = tpu.memref_squeeze %dma_wait3A_175 : memref<1x2x80xi32, #tpu.memory_space<hbm>> -> memref<2x80xi32, #tpu.memory_space<hbm>>
        tpu.wait_dma2 semaphore(%arg16 : memref<!tpu.dma_semaphore, #tpu.memory_space<semaphore_mem>>) src(%dma_wait3A_176 : memref<2x80xi32, #tpu.memory_space<hbm>>) dst(%arg7 : memref<2x80xi32, #tpu.memory_space<vmem>>)
        %dma_start3A = arith.constant 1 : i32
        %dma_start3A_177 = arith.constant 0 : i32
        %dma_start3A_178 = tpu.memref_slice %arg7[%dma_start3A, %dma_start3A_177] : memref<2x80xi32, #tpu.memory_space<vmem>> -> memref<1x80xi32, #tpu.memory_space<vmem>>
        %dma_start3A_179 = tpu.memref_squeeze %dma_start3A_178 : memref<1x80xi32, #tpu.memory_space<vmem>> -> memref<80xi32, #tpu.memory_space<vmem>>
        %dma_start3A_180 = arith.constant 0 : i32
        %dma_start3A_181 = arith.constant 0 : i32
        %dma_start3A_182 = tpu.memref_slice %arg15[%dma_start3A_180, %dma_start3A_181] : memref<10016x128xf32, #tpu.memory_space<vmem_shared>> -> memref<10016x128xf32, #tpu.memory_space<vmem_shared>>
        tpu.enqueue_indirect_dma source(%arg11 : memref<80x128xf32, #tpu.memory_space<vmem>>) target(%dma_start3A_182 : memref<10016x128xf32, #tpu.memory_space<vmem_shared>>) offsets(%dma_start3A_179 : memref<80xi32, #tpu.memory_space<vmem>>) semaphore(%arg24 : memref<!tpu.dma_semaphore, #tpu.memory_space<semaphore_mem>>) {add = true}
      } else {
      }
      %mul3A_112 = arith.constant 4 : i32
      %mul3A_113 = arith.muli %scan3A_56, %mul3A_112 : i32
      %add3A_114 = arith.constant 2 : i32
      %add3A_115 = arith.addi %mul3A_113, %add3A_114 : i32
      %ge3A_116 = arith.constant 4 : i32
      %ge3A_117 = arith.cmpi sge, %add3A_115, %ge3A_116 : i32
      %sub3A_118 = arith.constant 4 : i32
      %sub3A_119 = arith.subi %add3A_115, %sub3A_118 : i32
      %lt3A_120 = arith.constant 250 : i32
      %lt3A_121 = arith.cmpi slt, %sub3A_119, %lt3A_120 : i32
      %and3A_122 = arith.andi %ge3A_117, %lt3A_121 : i1
      %convert_element_type3A_123 = arith.extui %and3A_122 : i1 to i32
      %cond3A_124 = arith.constant 0 : i32
      %cond3A_125 = arith.cmpi ne, %convert_element_type3A_123, %cond3A_124 : i32
      scf.if %cond3A_125 {
        %dma_wait3A = arith.constant 1 : i32
        %dma_wait3A_170 = arith.constant 0 : i32
        %dma_wait3A_171 = tpu.memref_slice %arg9[%dma_wait3A, %dma_wait3A_170] : memref<2x80xi32, #tpu.memory_space<vmem>> -> memref<1x80xi32, #tpu.memory_space<vmem>>
        %dma_wait3A_172 = tpu.memref_squeeze %dma_wait3A_171 : memref<1x80xi32, #tpu.memory_space<vmem>> -> memref<80xi32, #tpu.memory_space<vmem>>
        %dma_wait3A_173 = arith.constant 0 : i32
        %dma_wait3A_174 = arith.constant 0 : i32
        %dma_wait3A_175 = tpu.memref_slice %arg15[%dma_wait3A_173, %dma_wait3A_174] : memref<10016x128xf32, #tpu.memory_space<vmem_shared>> -> memref<10016x128xf32, #tpu.memory_space<vmem_shared>>
        tpu.wait_indirect_dma semaphore(%arg26 : memref<!tpu.dma_semaphore, #tpu.memory_space<semaphore_mem>>) src(%arg11 : memref<80x128xf32, #tpu.memory_space<vmem>>) dst(%dma_wait3A_175 : memref<10016x128xf32, #tpu.memory_space<vmem_shared>>)
      } else {
      }
      %lt3A_126 = arith.constant 250 : i32
      %lt3A_127 = arith.cmpi slt, %add3A_115, %lt3A_126 : i32
      %convert_element_type3A_128 = arith.extui %lt3A_127 : i1 to i32
      %cond3A_129 = arith.constant 0 : i32
      %cond3A_130 = arith.cmpi ne, %convert_element_type3A_128, %cond3A_129 : i32
      scf.if %cond3A_130 {
        %add3A_170 = arith.addi %mul3A_6, %add3A_115 : i32
        %dma_start3A = arith.constant 0 : i32
        %dma_start3A_171 = arith.constant 0 : i32
        %dma_start3A_172 = tpu.memref_slice %arg3[%add3A_170, %dma_start3A, %dma_start3A_171] : memref<8000x2x80xi32, #tpu.memory_space<hbm>> -> memref<1x2x80xi32, #tpu.memory_space<hbm>>
        %dma_start3A_173 = tpu.memref_squeeze %dma_start3A_172 : memref<1x2x80xi32, #tpu.memory_space<hbm>> -> memref<2x80xi32, #tpu.memory_space<hbm>>
        %dma_start3A_174 = arith.constant 0 : i32
        %dma_start3A_175 = arith.constant 0 : i32
        %dma_start3A_176 = tpu.memref_slice %arg3[%add3A_170, %dma_start3A_174, %dma_start3A_175] : memref<8000x2x80xi32, #tpu.memory_space<hbm>> -> memref<1x2x80xi32, #tpu.memory_space<hbm>>
        %dma_start3A_177 = tpu.memref_squeeze %dma_start3A_176 : memref<1x2x80xi32, #tpu.memory_space<hbm>> -> memref<2x80xi32, #tpu.memory_space<hbm>>
        tpu.enqueue_dma source(%dma_start3A_177 : memref<2x80xi32, #tpu.memory_space<hbm>>) target(%arg9 : memref<2x80xi32, #tpu.memory_space<vmem>>) target_semaphore(%arg18 : memref<!tpu.dma_semaphore, #tpu.memory_space<semaphore_mem>>)
      } else {
      }
      %ge3A_131 = arith.constant 1 : i32
      %ge3A_132 = arith.cmpi sge, %add3A_115, %ge3A_131 : i32
      %sub3A_133 = arith.constant 1 : i32
      %sub3A_134 = arith.subi %add3A_115, %sub3A_133 : i32
      %lt3A_135 = arith.constant 250 : i32
      %lt3A_136 = arith.cmpi slt, %sub3A_134, %lt3A_135 : i32
      %and3A_137 = arith.andi %ge3A_132, %lt3A_136 : i1
      %convert_element_type3A_138 = arith.extui %and3A_137 : i1 to i32
      %cond3A_139 = arith.constant 0 : i32
      %cond3A_140 = arith.cmpi ne, %convert_element_type3A_138, %cond3A_139 : i32
      scf.if %cond3A_140 {
        %dma_wait3A = arith.constant 0 : i32
        %dma_wait3A_170 = arith.constant 0 : i32
        %dma_wait3A_171 = tpu.memref_slice %arg3[%mul3A_6, %dma_wait3A, %dma_wait3A_170] : memref<8000x2x80xi32, #tpu.memory_space<hbm>> -> memref<1x2x80xi32, #tpu.memory_space<hbm>>
        %dma_wait3A_172 = tpu.memref_squeeze %dma_wait3A_171 : memref<1x2x80xi32, #tpu.memory_space<hbm>> -> memref<2x80xi32, #tpu.memory_space<hbm>>
        %dma_wait3A_173 = arith.constant 0 : i32
        %dma_wait3A_174 = arith.constant 0 : i32
        %dma_wait3A_175 = tpu.memref_slice %arg3[%mul3A_6, %dma_wait3A_173, %dma_wait3A_174] : memref<8000x2x80xi32, #tpu.memory_space<hbm>> -> memref<1x2x80xi32, #tpu.memory_space<hbm>>
        %dma_wait3A_176 = tpu.memref_squeeze %dma_wait3A_175 : memref<1x2x80xi32, #tpu.memory_space<hbm>> -> memref<2x80xi32, #tpu.memory_space<hbm>>
        tpu.wait_dma2 semaphore(%arg17 : memref<!tpu.dma_semaphore, #tpu.memory_space<semaphore_mem>>) src(%dma_wait3A_176 : memref<2x80xi32, #tpu.memory_space<hbm>>) dst(%arg8 : memref<2x80xi32, #tpu.memory_space<vmem>>)
        %dma_start3A = arith.constant 1 : i32
        %dma_start3A_177 = arith.constant 0 : i32
        %dma_start3A_178 = tpu.memref_slice %arg8[%dma_start3A, %dma_start3A_177] : memref<2x80xi32, #tpu.memory_space<vmem>> -> memref<1x80xi32, #tpu.memory_space<vmem>>
        %dma_start3A_179 = tpu.memref_squeeze %dma_start3A_178 : memref<1x80xi32, #tpu.memory_space<vmem>> -> memref<80xi32, #tpu.memory_space<vmem>>
        %dma_start3A_180 = arith.constant 0 : i32
        %dma_start3A_181 = arith.constant 0 : i32
        %dma_start3A_182 = tpu.memref_slice %arg15[%dma_start3A_180, %dma_start3A_181] : memref<10016x128xf32, #tpu.memory_space<vmem_shared>> -> memref<10016x128xf32, #tpu.memory_space<vmem_shared>>
        tpu.enqueue_indirect_dma source(%arg11 : memref<80x128xf32, #tpu.memory_space<vmem>>) target(%dma_start3A_182 : memref<10016x128xf32, #tpu.memory_space<vmem_shared>>) offsets(%dma_start3A_179 : memref<80xi32, #tpu.memory_space<vmem>>) semaphore(%arg25 : memref<!tpu.dma_semaphore, #tpu.memory_space<semaphore_mem>>) {add = true}
      } else {
      }
      %mul3A_141 = arith.constant 4 : i32
      %mul3A_142 = arith.muli %scan3A_56, %mul3A_141 : i32
      %add3A_143 = arith.constant 3 : i32
      %add3A_144 = arith.addi %mul3A_142, %add3A_143 : i32
      %ge3A_145 = arith.constant 4 : i32
      %ge3A_146 = arith.cmpi sge, %add3A_144, %ge3A_145 : i32
      %sub3A_147 = arith.constant 4 : i32
      %sub3A_148 = arith.subi %add3A_144, %sub3A_147 : i32
      %lt3A_149 = arith.constant 250 : i32
      %lt3A_150 = arith.cmpi slt, %sub3A_148, %lt3A_149 : i32
      %and3A_151 = arith.andi %ge3A_146, %lt3A_150 : i1
      %convert_element_type3A_152 = arith.extui %and3A_151 : i1 to i32
      %cond3A_153 = arith.constant 0 : i32
      %cond3A_154 = arith.cmpi ne, %convert_element_type3A_152, %cond3A_153 : i32
      scf.if %cond3A_154 {
        %dma_wait3A = arith.constant 1 : i32
        %dma_wait3A_170 = arith.constant 0 : i32
        %dma_wait3A_171 = tpu.memref_slice %arg10[%dma_wait3A, %dma_wait3A_170] : memref<2x80xi32, #tpu.memory_space<vmem>> -> memref<1x80xi32, #tpu.memory_space<vmem>>
        %dma_wait3A_172 = tpu.memref_squeeze %dma_wait3A_171 : memref<1x80xi32, #tpu.memory_space<vmem>> -> memref<80xi32, #tpu.memory_space<vmem>>
        %dma_wait3A_173 = arith.constant 0 : i32
        %dma_wait3A_174 = arith.constant 0 : i32
        %dma_wait3A_175 = tpu.memref_slice %arg15[%dma_wait3A_173, %dma_wait3A_174] : memref<10016x128xf32, #tpu.memory_space<vmem_shared>> -> memref<10016x128xf32, #tpu.memory_space<vmem_shared>>
        tpu.wait_indirect_dma semaphore(%arg27 : memref<!tpu.dma_semaphore, #tpu.memory_space<semaphore_mem>>) src(%arg11 : memref<80x128xf32, #tpu.memory_space<vmem>>) dst(%dma_wait3A_175 : memref<10016x128xf32, #tpu.memory_space<vmem_shared>>)
      } else {
      }
      %lt3A_155 = arith.constant 250 : i32
      %lt3A_156 = arith.cmpi slt, %add3A_144, %lt3A_155 : i32
      %convert_element_type3A_157 = arith.extui %lt3A_156 : i1 to i32
      %cond3A_158 = arith.constant 0 : i32
      %cond3A_159 = arith.cmpi ne, %convert_element_type3A_157, %cond3A_158 : i32
      scf.if %cond3A_159 {
        %add3A_170 = arith.addi %mul3A_6, %add3A_144 : i32
        %dma_start3A = arith.constant 0 : i32
        %dma_start3A_171 = arith.constant 0 : i32
        %dma_start3A_172 = tpu.memref_slice %arg3[%add3A_170, %dma_start3A, %dma_start3A_171] : memref<8000x2x80xi32, #tpu.memory_space<hbm>> -> memref<1x2x80xi32, #tpu.memory_space<hbm>>
        %dma_start3A_173 = tpu.memref_squeeze %dma_start3A_172 : memref<1x2x80xi32, #tpu.memory_space<hbm>> -> memref<2x80xi32, #tpu.memory_space<hbm>>
        %dma_start3A_174 = arith.constant 0 : i32
        %dma_start3A_175 = arith.constant 0 : i32
        %dma_start3A_176 = tpu.memref_slice %arg3[%add3A_170, %dma_start3A_174, %dma_start3A_175] : memref<8000x2x80xi32, #tpu.memory_space<hbm>> -> memref<1x2x80xi32, #tpu.memory_space<hbm>>
        %dma_start3A_177 = tpu.memref_squeeze %dma_start3A_176 : memref<1x2x80xi32, #tpu.memory_space<hbm>> -> memref<2x80xi32, #tpu.memory_space<hbm>>
        tpu.enqueue_dma source(%dma_start3A_177 : memref<2x80xi32, #tpu.memory_space<hbm>>) target(%arg10 : memref<2x80xi32, #tpu.memory_space<vmem>>) target_semaphore(%arg19 : memref<!tpu.dma_semaphore, #tpu.memory_space<semaphore_mem>>)
      } else {
      }
      %ge3A_160 = arith.constant 1 : i32
      %ge3A_161 = arith.cmpi sge, %add3A_144, %ge3A_160 : i32
      %sub3A_162 = arith.constant 1 : i32
      %sub3A_163 = arith.subi %add3A_144, %sub3A_162 : i32
      %lt3A_164 = arith.constant 250 : i32
      %lt3A_165 = arith.cmpi slt, %sub3A_163, %lt3A_164 : i32
      %and3A_166 = arith.andi %ge3A_161, %lt3A_165 : i1
      %convert_element_type3A_167 = arith.extui %and3A_166 : i1 to i32
      %cond3A_168 = arith.constant 0 : i32
      %cond3A_169 = arith.cmpi ne, %convert_element_type3A_167, %cond3A_168 : i32
      scf.if %cond3A_169 {
        %dma_wait3A = arith.constant 0 : i32
        %dma_wait3A_170 = arith.constant 0 : i32
        %dma_wait3A_171 = tpu.memref_slice %arg3[%mul3A_6, %dma_wait3A, %dma_wait3A_170] : memref<8000x2x80xi32, #tpu.memory_space<hbm>> -> memref<1x2x80xi32, #tpu.memory_space<hbm>>
        %dma_wait3A_172 = tpu.memref_squeeze %dma_wait3A_171 : memref<1x2x80xi32, #tpu.memory_space<hbm>> -> memref<2x80xi32, #tpu.memory_space<hbm>>
        %dma_wait3A_173 = arith.constant 0 : i32
        %dma_wait3A_174 = arith.constant 0 : i32
        %dma_wait3A_175 = tpu.memref_slice %arg3[%mul3A_6, %dma_wait3A_173, %dma_wait3A_174] : memref<8000x2x80xi32, #tpu.memory_space<hbm>> -> memref<1x2x80xi32, #tpu.memory_space<hbm>>
        %dma_wait3A_176 = tpu.memref_squeeze %dma_wait3A_175 : memref<1x2x80xi32, #tpu.memory_space<hbm>> -> memref<2x80xi32, #tpu.memory_space<hbm>>
        tpu.wait_dma2 semaphore(%arg18 : memref<!tpu.dma_semaphore, #tpu.memory_space<semaphore_mem>>) src(%dma_wait3A_176 : memref<2x80xi32, #tpu.memory_space<hbm>>) dst(%arg9 : memref<2x80xi32, #tpu.memory_space<vmem>>)
        %dma_start3A = arith.constant 1 : i32
        %dma_start3A_177 = arith.constant 0 : i32
        %dma_start3A_178 = tpu.memref_slice %arg9[%dma_start3A, %dma_start3A_177] : memref<2x80xi32, #tpu.memory_space<vmem>> -> memref<1x80xi32, #tpu.memory_space<vmem>>
        %dma_start3A_179 = tpu.memref_squeeze %dma_start3A_178 : memref<1x80xi32, #tpu.memory_space<vmem>> -> memref<80xi32, #tpu.memory_space<vmem>>
        %dma_start3A_180 = arith.constant 0 : i32
        %dma_start3A_181 = arith.constant 0 : i32
        %dma_start3A_182 = tpu.memref_slice %arg15[%dma_start3A_180, %dma_start3A_181] : memref<10016x128xf32, #tpu.memory_space<vmem_shared>> -> memref<10016x128xf32, #tpu.memory_space<vmem_shared>>
        tpu.enqueue_indirect_dma source(%arg11 : memref<80x128xf32, #tpu.memory_space<vmem>>) target(%dma_start3A_182 : memref<10016x128xf32, #tpu.memory_space<vmem_shared>>) offsets(%dma_start3A_179 : memref<80xi32, #tpu.memory_space<vmem>>) semaphore(%arg26 : memref<!tpu.dma_semaphore, #tpu.memory_space<semaphore_mem>>) {add = true}
      } else {
      }
    }
    %scan3A_18 = arith.constant 64 : i32
    %barrier3A_19 = arith.constant 0 : index
    tpu.barrier barrier_id(%barrier3A_19)
    %sub3A = arith.constant 1 : i32
    %sub3A_20 = arith.subi %sub3A, %arg0 : i32
    %mul3A_21 = arith.constant 624 : i32
    %mul3A_22 = arith.muli %arg1, %mul3A_21 : i32
    %mul3A_23 = arith.constant 624 : i32
    %mul3A_24 = arith.muli %arg1, %mul3A_23 : i32
    "tpu.region"() ({
      %run_scoped3A = tpu.sem_alloc : memref<!tpu.dma_semaphore, #tpu.memory_space<semaphore_mem>>
      %dma_start3A = arith.constant 0 : i32
      %dma_start3A_56 = tpu.memref_slice %arg6[%sub3A_20, %mul3A_24, %dma_start3A] : memref<2x10000x128xf32, #tpu.memory_space<hbm>> -> memref<1x624x128xf32, #tpu.memory_space<hbm>>
      %dma_start3A_57 = tpu.memref_squeeze %dma_start3A_56 : memref<1x624x128xf32, #tpu.memory_space<hbm>> -> memref<624x128xf32, #tpu.memory_space<hbm>>
      %dma_start3A_58 = arith.constant 0 : i32
      %dma_start3A_59 = tpu.memref_slice %arg15[%mul3A_22, %dma_start3A_58] : memref<10016x128xf32, #tpu.memory_space<vmem_shared>> -> memref<624x128xf32, #tpu.memory_space<vmem_shared>>
      tpu.enqueue_dma source(%dma_start3A_59 : memref<624x128xf32, #tpu.memory_space<vmem_shared>>) target(%dma_start3A_57 : memref<624x128xf32, #tpu.memory_space<hbm>>) target_semaphore(%run_scoped3A : memref<!tpu.dma_semaphore, #tpu.memory_space<semaphore_mem>>)
      %dma_wait3A = arith.constant 0 : i32
      %dma_wait3A_60 = tpu.memref_slice %arg6[%sub3A_20, %mul3A_24, %dma_wait3A] : memref<2x10000x128xf32, #tpu.memory_space<hbm>> -> memref<1x624x128xf32, #tpu.memory_space<hbm>>
      %dma_wait3A_61 = tpu.memref_squeeze %dma_wait3A_60 : memref<1x624x128xf32, #tpu.memory_space<hbm>> -> memref<624x128xf32, #tpu.memory_space<hbm>>
      %dma_wait3A_62 = arith.constant 0 : i32
      %dma_wait3A_63 = tpu.memref_slice %arg15[%mul3A_22, %dma_wait3A_62] : memref<10016x128xf32, #tpu.memory_space<vmem_shared>> -> memref<624x128xf32, #tpu.memory_space<vmem_shared>>
      tpu.wait_dma2 semaphore(%run_scoped3A : memref<!tpu.dma_semaphore, #tpu.memory_space<semaphore_mem>>) src(%dma_wait3A_63 : memref<624x128xf32, #tpu.memory_space<vmem_shared>>) dst(%dma_wait3A_61 : memref<624x128xf32, #tpu.memory_space<hbm>>)
      tpu.yield
    }) : () -> ()
    %eq3A_25 = arith.constant 15 : i32
    %eq3A_26 = arith.cmpi eq, %arg1, %eq3A_25 : i32
    %convert_element_type3A_27 = arith.extui %eq3A_26 : i1 to i32
    %cond3A_28 = arith.constant 0 : i32
    %cond3A_29 = arith.cmpi ne, %convert_element_type3A_27, %cond3A_28 : i32
    scf.if %cond3A_29 {
      "tpu.region"() ({
        %run_scoped3A = tpu.sem_alloc : memref<!tpu.dma_semaphore, #tpu.memory_space<semaphore_mem>>
        %dma_start3A = arith.constant 9984 : i32
        %dma_start3A_56 = arith.constant 0 : i32
        %dma_start3A_57 = tpu.memref_slice %arg6[%sub3A_20, %dma_start3A, %dma_start3A_56] : memref<2x10000x128xf32, #tpu.memory_space<hbm>> -> memref<1x16x128xf32, #tpu.memory_space<hbm>>
        %dma_start3A_58 = tpu.memref_squeeze %dma_start3A_57 : memref<1x16x128xf32, #tpu.memory_space<hbm>> -> memref<16x128xf32, #tpu.memory_space<hbm>>
        %dma_start3A_59 = arith.constant 9984 : i32
        %dma_start3A_60 = arith.constant 0 : i32
        %dma_start3A_61 = tpu.memref_slice %arg15[%dma_start3A_59, %dma_start3A_60] : memref<10016x128xf32, #tpu.memory_space<vmem_shared>> -> memref<16x128xf32, #tpu.memory_space<vmem_shared>>
        tpu.enqueue_dma source(%dma_start3A_61 : memref<16x128xf32, #tpu.memory_space<vmem_shared>>) target(%dma_start3A_58 : memref<16x128xf32, #tpu.memory_space<hbm>>) target_semaphore(%run_scoped3A : memref<!tpu.dma_semaphore, #tpu.memory_space<semaphore_mem>>)
        %dma_wait3A = arith.constant 9984 : i32
        %dma_wait3A_62 = arith.constant 0 : i32
        %dma_wait3A_63 = tpu.memref_slice %arg6[%sub3A_20, %dma_wait3A, %dma_wait3A_62] : memref<2x10000x128xf32, #tpu.memory_space<hbm>> -> memref<1x16x128xf32, #tpu.memory_space<hbm>>
        %dma_wait3A_64 = tpu.memref_squeeze %dma_wait3A_63 : memref<1x16x128xf32, #tpu.memory_space<hbm>> -> memref<16x128xf32, #tpu.memory_space<hbm>>
        %dma_wait3A_65 = arith.constant 9984 : i32
        %dma_wait3A_66 = arith.constant 0 : i32
        %dma_wait3A_67 = tpu.memref_slice %arg15[%dma_wait3A_65, %dma_wait3A_66] : memref<10016x128xf32, #tpu.memory_space<vmem_shared>> -> memref<16x128xf32, #tpu.memory_space<vmem_shared>>
        tpu.wait_dma2 semaphore(%run_scoped3A : memref<!tpu.dma_semaphore, #tpu.memory_space<semaphore_mem>>) src(%dma_wait3A_67 : memref<16x128xf32, #tpu.memory_space<vmem_shared>>) dst(%dma_wait3A_64 : memref<16x128xf32, #tpu.memory_space<hbm>>)
        tpu.yield
      }) : () -> ()
    } else {
    }
    %mul3A_30 = arith.constant 624 : i32
    %mul3A_31 = arith.muli %arg1, %mul3A_30 : i32
    "tpu.region"() ({
      %run_scoped3A = tpu.sem_alloc : memref<!tpu.dma_semaphore, #tpu.memory_space<semaphore_mem>>
      %dma_start3A = arith.constant 0 : i32
      %dma_start3A_56 = tpu.memref_slice %arg15[%mul3A_31, %dma_start3A] : memref<10016x128xf32, #tpu.memory_space<vmem_shared>> -> memref<624x128xf32, #tpu.memory_space<vmem_shared>>
      tpu.enqueue_dma source(%arg4 : memref<624x128xf32, #tpu.memory_space<hbm>>) target(%dma_start3A_56 : memref<624x128xf32, #tpu.memory_space<vmem_shared>>) target_semaphore(%run_scoped3A : memref<!tpu.dma_semaphore, #tpu.memory_space<semaphore_mem>>)
      %dma_wait3A = arith.constant 0 : i32
      %dma_wait3A_57 = tpu.memref_slice %arg15[%mul3A_31, %dma_wait3A] : memref<10016x128xf32, #tpu.memory_space<vmem_shared>> -> memref<624x128xf32, #tpu.memory_space<vmem_shared>>
      tpu.wait_dma2 semaphore(%run_scoped3A : memref<!tpu.dma_semaphore, #tpu.memory_space<semaphore_mem>>) src(%arg4 : memref<624x128xf32, #tpu.memory_space<hbm>>) dst(%dma_wait3A_57 : memref<624x128xf32, #tpu.memory_space<vmem_shared>>)
      tpu.yield
    }) : () -> ()
    %eq3A_32 = arith.constant 15 : i32
    %eq3A_33 = arith.cmpi eq, %arg1, %eq3A_32 : i32
    %convert_element_type3A_34 = arith.extui %eq3A_33 : i1 to i32
    %cond3A_35 = arith.constant 0 : i32
    %cond3A_36 = arith.cmpi ne, %convert_element_type3A_34, %cond3A_35 : i32
    scf.if %cond3A_36 {
      "tpu.region"() ({
        %run_scoped3A = tpu.sem_alloc : memref<!tpu.dma_semaphore, #tpu.memory_space<semaphore_mem>>
        %dma_start3A = arith.constant 9984 : i32
        %dma_start3A_56 = arith.constant 0 : i32
        %dma_start3A_57 = tpu.memref_slice %arg15[%dma_start3A, %dma_start3A_56] : memref<10016x128xf32, #tpu.memory_space<vmem_shared>> -> memref<16x128xf32, #tpu.memory_space<vmem_shared>>
        %dma_start3A_58 = arith.constant 0 : i32
        %dma_start3A_59 = arith.constant 0 : i32
        %dma_start3A_60 = tpu.memref_slice %arg4[%dma_start3A_58, %dma_start3A_59] : memref<624x128xf32, #tpu.memory_space<hbm>> -> memref<16x128xf32, #tpu.memory_space<hbm>>
        tpu.enqueue_dma source(%dma_start3A_60 : memref<16x128xf32, #tpu.memory_space<hbm>>) target(%dma_start3A_57 : memref<16x128xf32, #tpu.memory_space<vmem_shared>>) target_semaphore(%run_scoped3A : memref<!tpu.dma_semaphore, #tpu.memory_space<semaphore_mem>>)
        %dma_wait3A = arith.constant 9984 : i32
        %dma_wait3A_61 = arith.constant 0 : i32
        %dma_wait3A_62 = tpu.memref_slice %arg15[%dma_wait3A, %dma_wait3A_61] : memref<10016x128xf32, #tpu.memory_space<vmem_shared>> -> memref<16x128xf32, #tpu.memory_space<vmem_shared>>
        %dma_wait3A_63 = arith.constant 0 : i32
        %dma_wait3A_64 = arith.constant 0 : i32
        %dma_wait3A_65 = tpu.memref_slice %arg4[%dma_wait3A_63, %dma_wait3A_64] : memref<624x128xf32, #tpu.memory_space<hbm>> -> memref<16x128xf32, #tpu.memory_space<hbm>>
        tpu.wait_dma2 semaphore(%run_scoped3A : memref<!tpu.dma_semaphore, #tpu.memory_space<semaphore_mem>>) src(%dma_wait3A_65 : memref<16x128xf32, #tpu.memory_space<hbm>>) dst(%dma_wait3A_62 : memref<16x128xf32, #tpu.memory_space<vmem_shared>>)
        tpu.yield
      }) : () -> ()
    } else {
    }
    %barrier3A_37 = arith.constant 0 : index
    tpu.barrier barrier_id(%barrier3A_37)
    %scan3A_38 = arith.constant 0 : i32
    %scan3A_39 = arith.constant 0 : i32
    %scan3A_40 = arith.constant 64 : i32
    %scan3A_41 = arith.addi %scan3A_39, %scan3A_40 : i32
    %scan3A_42 = arith.constant 1 : i32
    scf.for %scan3A_56 = %scan3A_39 to %scan3A_41 step %scan3A_42  : i32 {
      %mul3A_57 = arith.constant 4 : i32
      %mul3A_58 = arith.muli %scan3A_56, %mul3A_57 : i32
      %add3A_59 = arith.constant 0 : i32
      %add3A_60 = arith.addi %mul3A_58, %add3A_59 : i32
      %ge3A = arith.constant 4 : i32
      %ge3A_61 = arith.cmpi sge, %add3A_60, %ge3A : i32
      %sub3A_62 = arith.constant 4 : i32
      %sub3A_63 = arith.subi %add3A_60, %sub3A_62 : i32
      %lt3A = arith.constant 250 : i32
      %lt3A_64 = arith.cmpi slt, %sub3A_63, %lt3A : i32
      %and3A = arith.andi %ge3A_61, %lt3A_64 : i1
      %convert_element_type3A_65 = arith.extui %and3A : i1 to i32
      %cond3A_66 = arith.constant 0 : i32
      %cond3A_67 = arith.cmpi ne, %convert_element_type3A_65, %cond3A_66 : i32
      scf.if %cond3A_67 {
        %dma_wait3A = arith.constant 1 : i32
        %dma_wait3A_210 = arith.constant 0 : i32
        %dma_wait3A_211 = tpu.memref_slice %arg7[%dma_wait3A, %dma_wait3A_210] : memref<2x80xi32, #tpu.memory_space<vmem>> -> memref<1x80xi32, #tpu.memory_space<vmem>>
        %dma_wait3A_212 = tpu.memref_squeeze %dma_wait3A_211 : memref<1x80xi32, #tpu.memory_space<vmem>> -> memref<80xi32, #tpu.memory_space<vmem>>
        %dma_wait3A_213 = arith.constant 0 : i32
        %dma_wait3A_214 = arith.constant 0 : i32
        %dma_wait3A_215 = tpu.memref_slice %arg15[%dma_wait3A_213, %dma_wait3A_214] : memref<10016x128xf32, #tpu.memory_space<vmem_shared>> -> memref<10016x128xf32, #tpu.memory_space<vmem_shared>>
        tpu.wait_indirect_dma semaphore(%arg24 : memref<!tpu.dma_semaphore, #tpu.memory_space<semaphore_mem>>) src(%arg11 : memref<80x128xf32, #tpu.memory_space<vmem>>) dst(%dma_wait3A_215 : memref<10016x128xf32, #tpu.memory_space<vmem_shared>>)
      } else {
      }
      %lt3A_68 = arith.constant 250 : i32
      %lt3A_69 = arith.cmpi slt, %add3A_60, %lt3A_68 : i32
      %convert_element_type3A_70 = arith.extui %lt3A_69 : i1 to i32
      %cond3A_71 = arith.constant 0 : i32
      %cond3A_72 = arith.cmpi ne, %convert_element_type3A_70, %cond3A_71 : i32
      scf.if %cond3A_72 {
        %add3A_210 = arith.addi %mul3A_6, %add3A_60 : i32
        %dma_start3A = arith.constant 0 : i32
        %dma_start3A_211 = arith.constant 0 : i32
        %dma_start3A_212 = tpu.memref_slice %arg3[%add3A_210, %dma_start3A, %dma_start3A_211] : memref<8000x2x80xi32, #tpu.memory_space<hbm>> -> memref<1x2x80xi32, #tpu.memory_space<hbm>>
        %dma_start3A_213 = tpu.memref_squeeze %dma_start3A_212 : memref<1x2x80xi32, #tpu.memory_space<hbm>> -> memref<2x80xi32, #tpu.memory_space<hbm>>
        %dma_start3A_214 = arith.constant 0 : i32
        %dma_start3A_215 = arith.constant 0 : i32
        %dma_start3A_216 = tpu.memref_slice %arg3[%add3A_210, %dma_start3A_214, %dma_start3A_215] : memref<8000x2x80xi32, #tpu.memory_space<hbm>> -> memref<1x2x80xi32, #tpu.memory_space<hbm>>
        %dma_start3A_217 = tpu.memref_squeeze %dma_start3A_216 : memref<1x2x80xi32, #tpu.memory_space<hbm>> -> memref<2x80xi32, #tpu.memory_space<hbm>>
        tpu.enqueue_dma source(%dma_start3A_217 : memref<2x80xi32, #tpu.memory_space<hbm>>) target(%arg7 : memref<2x80xi32, #tpu.memory_space<vmem>>) target_semaphore(%arg16 : memref<!tpu.dma_semaphore, #tpu.memory_space<semaphore_mem>>)
      } else {
      }
      %ge3A_73 = arith.constant 1 : i32
      %ge3A_74 = arith.cmpi sge, %add3A_60, %ge3A_73 : i32
      %sub3A_75 = arith.constant 1 : i32
      %sub3A_76 = arith.subi %add3A_60, %sub3A_75 : i32
      %lt3A_77 = arith.constant 250 : i32
      %lt3A_78 = arith.cmpi slt, %sub3A_76, %lt3A_77 : i32
      %and3A_79 = arith.andi %ge3A_74, %lt3A_78 : i1
      %convert_element_type3A_80 = arith.extui %and3A_79 : i1 to i32
      %cond3A_81 = arith.constant 0 : i32
      %cond3A_82 = arith.cmpi ne, %convert_element_type3A_80, %cond3A_81 : i32
      scf.if %cond3A_82 {
        %dma_wait3A = arith.constant 0 : i32
        %dma_wait3A_210 = arith.constant 0 : i32
        %dma_wait3A_211 = tpu.memref_slice %arg3[%mul3A_6, %dma_wait3A, %dma_wait3A_210] : memref<8000x2x80xi32, #tpu.memory_space<hbm>> -> memref<1x2x80xi32, #tpu.memory_space<hbm>>
        %dma_wait3A_212 = tpu.memref_squeeze %dma_wait3A_211 : memref<1x2x80xi32, #tpu.memory_space<hbm>> -> memref<2x80xi32, #tpu.memory_space<hbm>>
        %dma_wait3A_213 = arith.constant 0 : i32
        %dma_wait3A_214 = arith.constant 0 : i32
        %dma_wait3A_215 = tpu.memref_slice %arg3[%mul3A_6, %dma_wait3A_213, %dma_wait3A_214] : memref<8000x2x80xi32, #tpu.memory_space<hbm>> -> memref<1x2x80xi32, #tpu.memory_space<hbm>>
        %dma_wait3A_216 = tpu.memref_squeeze %dma_wait3A_215 : memref<1x2x80xi32, #tpu.memory_space<hbm>> -> memref<2x80xi32, #tpu.memory_space<hbm>>
        tpu.wait_dma2 semaphore(%arg19 : memref<!tpu.dma_semaphore, #tpu.memory_space<semaphore_mem>>) src(%dma_wait3A_216 : memref<2x80xi32, #tpu.memory_space<hbm>>) dst(%arg10 : memref<2x80xi32, #tpu.memory_space<vmem>>)
        %dma_start3A = arith.constant 0 : i32
        %dma_start3A_217 = arith.constant 0 : i32
        %dma_start3A_218 = tpu.memref_slice %arg10[%dma_start3A, %dma_start3A_217] : memref<2x80xi32, #tpu.memory_space<vmem>> -> memref<1x80xi32, #tpu.memory_space<vmem>>
        %dma_start3A_219 = tpu.memref_squeeze %dma_start3A_218 : memref<1x80xi32, #tpu.memory_space<vmem>> -> memref<80xi32, #tpu.memory_space<vmem>>
        %dma_start3A_220 = arith.constant 0 : i32
        %dma_start3A_221 = arith.constant 0 : i32
        %dma_start3A_222 = tpu.memref_slice %arg2[%dma_start3A_220, %dma_start3A_221] : memref<20000x128xf32, #tpu.memory_space<hbm>> -> memref<20000x128xf32, #tpu.memory_space<hbm>>
        tpu.enqueue_indirect_dma source(%dma_start3A_222 : memref<20000x128xf32, #tpu.memory_space<hbm>>) target(%arg14 : memref<80x128xf32, #tpu.memory_space<vmem>>) offsets(%dma_start3A_219 : memref<80xi32, #tpu.memory_space<vmem>>) semaphore(%arg23 : memref<!tpu.dma_semaphore, #tpu.memory_space<semaphore_mem>>)
      } else {
      }
      %ge3A_83 = arith.constant 3 : i32
      %ge3A_84 = arith.cmpi sge, %add3A_60, %ge3A_83 : i32
      %sub3A_85 = arith.constant 3 : i32
      %sub3A_86 = arith.subi %add3A_60, %sub3A_85 : i32
      %lt3A_87 = arith.constant 250 : i32
      %lt3A_88 = arith.cmpi slt, %sub3A_86, %lt3A_87 : i32
      %and3A_89 = arith.andi %ge3A_84, %lt3A_88 : i1
      %convert_element_type3A_90 = arith.extui %and3A_89 : i1 to i32
      %cond3A_91 = arith.constant 0 : i32
      %cond3A_92 = arith.cmpi ne, %convert_element_type3A_90, %cond3A_91 : i32
      scf.if %cond3A_92 {
        %dma_wait3A = arith.constant 0 : i32
        %dma_wait3A_210 = arith.constant 0 : i32
        %dma_wait3A_211 = tpu.memref_slice %arg8[%dma_wait3A, %dma_wait3A_210] : memref<2x80xi32, #tpu.memory_space<vmem>> -> memref<1x80xi32, #tpu.memory_space<vmem>>
        %dma_wait3A_212 = tpu.memref_squeeze %dma_wait3A_211 : memref<1x80xi32, #tpu.memory_space<vmem>> -> memref<80xi32, #tpu.memory_space<vmem>>
        %dma_wait3A_213 = arith.constant 0 : i32
        %dma_wait3A_214 = arith.constant 0 : i32
        %dma_wait3A_215 = tpu.memref_slice %arg2[%dma_wait3A_213, %dma_wait3A_214] : memref<20000x128xf32, #tpu.memory_space<hbm>> -> memref<20000x128xf32, #tpu.memory_space<hbm>>
        tpu.wait_indirect_dma semaphore(%arg21 : memref<!tpu.dma_semaphore, #tpu.memory_space<semaphore_mem>>) src(%dma_wait3A_215 : memref<20000x128xf32, #tpu.memory_space<hbm>>) dst(%arg12 : memref<80x128xf32, #tpu.memory_space<vmem>>)
        %dma_start3A = arith.constant 1 : i32
        %dma_start3A_216 = arith.constant 0 : i32
        %dma_start3A_217 = tpu.memref_slice %arg8[%dma_start3A, %dma_start3A_216] : memref<2x80xi32, #tpu.memory_space<vmem>> -> memref<1x80xi32, #tpu.memory_space<vmem>>
        %dma_start3A_218 = tpu.memref_squeeze %dma_start3A_217 : memref<1x80xi32, #tpu.memory_space<vmem>> -> memref<80xi32, #tpu.memory_space<vmem>>
        %dma_start3A_219 = arith.constant 0 : i32
        %dma_start3A_220 = arith.constant 0 : i32
        %dma_start3A_221 = tpu.memref_slice %arg15[%dma_start3A_219, %dma_start3A_220] : memref<10016x128xf32, #tpu.memory_space<vmem_shared>> -> memref<10016x128xf32, #tpu.memory_space<vmem_shared>>
        tpu.enqueue_indirect_dma source(%arg12 : memref<80x128xf32, #tpu.memory_space<vmem>>) target(%dma_start3A_221 : memref<10016x128xf32, #tpu.memory_space<vmem_shared>>) offsets(%dma_start3A_218 : memref<80xi32, #tpu.memory_space<vmem>>) semaphore(%arg25 : memref<!tpu.dma_semaphore, #tpu.memory_space<semaphore_mem>>) {add = true}
      } else {
      }
      %mul3A_93 = arith.constant 4 : i32
      %mul3A_94 = arith.muli %scan3A_56, %mul3A_93 : i32
      %add3A_95 = arith.constant 1 : i32
      %add3A_96 = arith.addi %mul3A_94, %add3A_95 : i32
      %ge3A_97 = arith.constant 4 : i32
      %ge3A_98 = arith.cmpi sge, %add3A_96, %ge3A_97 : i32
      %sub3A_99 = arith.constant 4 : i32
      %sub3A_100 = arith.subi %add3A_96, %sub3A_99 : i32
      %lt3A_101 = arith.constant 250 : i32
      %lt3A_102 = arith.cmpi slt, %sub3A_100, %lt3A_101 : i32
      %and3A_103 = arith.andi %ge3A_98, %lt3A_102 : i1
      %convert_element_type3A_104 = arith.extui %and3A_103 : i1 to i32
      %cond3A_105 = arith.constant 0 : i32
      %cond3A_106 = arith.cmpi ne, %convert_element_type3A_104, %cond3A_105 : i32
      scf.if %cond3A_106 {
        %dma_wait3A = arith.constant 1 : i32
        %dma_wait3A_210 = arith.constant 0 : i32
        %dma_wait3A_211 = tpu.memref_slice %arg8[%dma_wait3A, %dma_wait3A_210] : memref<2x80xi32, #tpu.memory_space<vmem>> -> memref<1x80xi32, #tpu.memory_space<vmem>>
        %dma_wait3A_212 = tpu.memref_squeeze %dma_wait3A_211 : memref<1x80xi32, #tpu.memory_space<vmem>> -> memref<80xi32, #tpu.memory_space<vmem>>
        %dma_wait3A_213 = arith.constant 0 : i32
        %dma_wait3A_214 = arith.constant 0 : i32
        %dma_wait3A_215 = tpu.memref_slice %arg15[%dma_wait3A_213, %dma_wait3A_214] : memref<10016x128xf32, #tpu.memory_space<vmem_shared>> -> memref<10016x128xf32, #tpu.memory_space<vmem_shared>>
        tpu.wait_indirect_dma semaphore(%arg25 : memref<!tpu.dma_semaphore, #tpu.memory_space<semaphore_mem>>) src(%arg12 : memref<80x128xf32, #tpu.memory_space<vmem>>) dst(%dma_wait3A_215 : memref<10016x128xf32, #tpu.memory_space<vmem_shared>>)
      } else {
      }
      %lt3A_107 = arith.constant 250 : i32
      %lt3A_108 = arith.cmpi slt, %add3A_96, %lt3A_107 : i32
      %convert_element_type3A_109 = arith.extui %lt3A_108 : i1 to i32
      %cond3A_110 = arith.constant 0 : i32
      %cond3A_111 = arith.cmpi ne, %convert_element_type3A_109, %cond3A_110 : i32
      scf.if %cond3A_111 {
        %add3A_210 = arith.addi %mul3A_6, %add3A_96 : i32
        %dma_start3A = arith.constant 0 : i32
        %dma_start3A_211 = arith.constant 0 : i32
        %dma_start3A_212 = tpu.memref_slice %arg3[%add3A_210, %dma_start3A, %dma_start3A_211] : memref<8000x2x80xi32, #tpu.memory_space<hbm>> -> memref<1x2x80xi32, #tpu.memory_space<hbm>>
        %dma_start3A_213 = tpu.memref_squeeze %dma_start3A_212 : memref<1x2x80xi32, #tpu.memory_space<hbm>> -> memref<2x80xi32, #tpu.memory_space<hbm>>
        %dma_start3A_214 = arith.constant 0 : i32
        %dma_start3A_215 = arith.constant 0 : i32
        %dma_start3A_216 = tpu.memref_slice %arg3[%add3A_210, %dma_start3A_214, %dma_start3A_215] : memref<8000x2x80xi32, #tpu.memory_space<hbm>> -> memref<1x2x80xi32, #tpu.memory_space<hbm>>
        %dma_start3A_217 = tpu.memref_squeeze %dma_start3A_216 : memref<1x2x80xi32, #tpu.memory_space<hbm>> -> memref<2x80xi32, #tpu.memory_space<hbm>>
        tpu.enqueue_dma source(%dma_start3A_217 : memref<2x80xi32, #tpu.memory_space<hbm>>) target(%arg8 : memref<2x80xi32, #tpu.memory_space<vmem>>) target_semaphore(%arg17 : memref<!tpu.dma_semaphore, #tpu.memory_space<semaphore_mem>>)
      } else {
      }
      %ge3A_112 = arith.constant 1 : i32
      %ge3A_113 = arith.cmpi sge, %add3A_96, %ge3A_112 : i32
      %sub3A_114 = arith.constant 1 : i32
      %sub3A_115 = arith.subi %add3A_96, %sub3A_114 : i32
      %lt3A_116 = arith.constant 250 : i32
      %lt3A_117 = arith.cmpi slt, %sub3A_115, %lt3A_116 : i32
      %and3A_118 = arith.andi %ge3A_113, %lt3A_117 : i1
      %convert_element_type3A_119 = arith.extui %and3A_118 : i1 to i32
      %cond3A_120 = arith.constant 0 : i32
      %cond3A_121 = arith.cmpi ne, %convert_element_type3A_119, %cond3A_120 : i32
      scf.if %cond3A_121 {
        %dma_wait3A = arith.constant 0 : i32
        %dma_wait3A_210 = arith.constant 0 : i32
        %dma_wait3A_211 = tpu.memref_slice %arg3[%mul3A_6, %dma_wait3A, %dma_wait3A_210] : memref<8000x2x80xi32, #tpu.memory_space<hbm>> -> memref<1x2x80xi32, #tpu.memory_space<hbm>>
        %dma_wait3A_212 = tpu.memref_squeeze %dma_wait3A_211 : memref<1x2x80xi32, #tpu.memory_space<hbm>> -> memref<2x80xi32, #tpu.memory_space<hbm>>
        %dma_wait3A_213 = arith.constant 0 : i32
        %dma_wait3A_214 = arith.constant 0 : i32
        %dma_wait3A_215 = tpu.memref_slice %arg3[%mul3A_6, %dma_wait3A_213, %dma_wait3A_214] : memref<8000x2x80xi32, #tpu.memory_space<hbm>> -> memref<1x2x80xi32, #tpu.memory_space<hbm>>
        %dma_wait3A_216 = tpu.memref_squeeze %dma_wait3A_215 : memref<1x2x80xi32, #tpu.memory_space<hbm>> -> memref<2x80xi32, #tpu.memory_space<hbm>>
        tpu.wait_dma2 semaphore(%arg16 : memref<!tpu.dma_semaphore, #tpu.memory_space<semaphore_mem>>) src(%dma_wait3A_216 : memref<2x80xi32, #tpu.memory_space<hbm>>) dst(%arg7 : memref<2x80xi32, #tpu.memory_space<vmem>>)
        %dma_start3A = arith.constant 0 : i32
        %dma_start3A_217 = arith.constant 0 : i32
        %dma_start3A_218 = tpu.memref_slice %arg7[%dma_start3A, %dma_start3A_217] : memref<2x80xi32, #tpu.memory_space<vmem>> -> memref<1x80xi32, #tpu.memory_space<vmem>>
        %dma_start3A_219 = tpu.memref_squeeze %dma_start3A_218 : memref<1x80xi32, #tpu.memory_space<vmem>> -> memref<80xi32, #tpu.memory_space<vmem>>
        %dma_start3A_220 = arith.constant 0 : i32
        %dma_start3A_221 = arith.constant 0 : i32
        %dma_start3A_222 = tpu.memref_slice %arg2[%dma_start3A_220, %dma_start3A_221] : memref<20000x128xf32, #tpu.memory_space<hbm>> -> memref<20000x128xf32, #tpu.memory_space<hbm>>
        tpu.enqueue_indirect_dma source(%dma_start3A_222 : memref<20000x128xf32, #tpu.memory_space<hbm>>) target(%arg11 : memref<80x128xf32, #tpu.memory_space<vmem>>) offsets(%dma_start3A_219 : memref<80xi32, #tpu.memory_space<vmem>>) semaphore(%arg20 : memref<!tpu.dma_semaphore, #tpu.memory_space<semaphore_mem>>)
      } else {
      }
      %ge3A_122 = arith.constant 3 : i32
      %ge3A_123 = arith.cmpi sge, %add3A_96, %ge3A_122 : i32
      %sub3A_124 = arith.constant 3 : i32
      %sub3A_125 = arith.subi %add3A_96, %sub3A_124 : i32
      %lt3A_126 = arith.constant 250 : i32
      %lt3A_127 = arith.cmpi slt, %sub3A_125, %lt3A_126 : i32
      %and3A_128 = arith.andi %ge3A_123, %lt3A_127 : i1
      %convert_element_type3A_129 = arith.extui %and3A_128 : i1 to i32
      %cond3A_130 = arith.constant 0 : i32
      %cond3A_131 = arith.cmpi ne, %convert_element_type3A_129, %cond3A_130 : i32
      scf.if %cond3A_131 {
        %dma_wait3A = arith.constant 0 : i32
        %dma_wait3A_210 = arith.constant 0 : i32
        %dma_wait3A_211 = tpu.memref_slice %arg9[%dma_wait3A, %dma_wait3A_210] : memref<2x80xi32, #tpu.memory_space<vmem>> -> memref<1x80xi32, #tpu.memory_space<vmem>>
        %dma_wait3A_212 = tpu.memref_squeeze %dma_wait3A_211 : memref<1x80xi32, #tpu.memory_space<vmem>> -> memref<80xi32, #tpu.memory_space<vmem>>
        %dma_wait3A_213 = arith.constant 0 : i32
        %dma_wait3A_214 = arith.constant 0 : i32
        %dma_wait3A_215 = tpu.memref_slice %arg2[%dma_wait3A_213, %dma_wait3A_214] : memref<20000x128xf32, #tpu.memory_space<hbm>> -> memref<20000x128xf32, #tpu.memory_space<hbm>>
        tpu.wait_indirect_dma semaphore(%arg22 : memref<!tpu.dma_semaphore, #tpu.memory_space<semaphore_mem>>) src(%dma_wait3A_215 : memref<20000x128xf32, #tpu.memory_space<hbm>>) dst(%arg13 : memref<80x128xf32, #tpu.memory_space<vmem>>)
        %dma_start3A = arith.constant 1 : i32
        %dma_start3A_216 = arith.constant 0 : i32
        %dma_start3A_217 = tpu.memref_slice %arg9[%dma_start3A, %dma_start3A_216] : memref<2x80xi32, #tpu.memory_space<vmem>> -> memref<1x80xi32, #tpu.memory_space<vmem>>
        %dma_start3A_218 = tpu.memref_squeeze %dma_start3A_217 : memref<1x80xi32, #tpu.memory_space<vmem>> -> memref<80xi32, #tpu.memory_space<vmem>>
        %dma_start3A_219 = arith.constant 0 : i32
        %dma_start3A_220 = arith.constant 0 : i32
        %dma_start3A_221 = tpu.memref_slice %arg15[%dma_start3A_219, %dma_start3A_220] : memref<10016x128xf32, #tpu.memory_space<vmem_shared>> -> memref<10016x128xf32, #tpu.memory_space<vmem_shared>>
        tpu.enqueue_indirect_dma source(%arg13 : memref<80x128xf32, #tpu.memory_space<vmem>>) target(%dma_start3A_221 : memref<10016x128xf32, #tpu.memory_space<vmem_shared>>) offsets(%dma_start3A_218 : memref<80xi32, #tpu.memory_space<vmem>>) semaphore(%arg26 : memref<!tpu.dma_semaphore, #tpu.memory_space<semaphore_mem>>) {add = true}
      } else {
      }
      %mul3A_132 = arith.constant 4 : i32
      %mul3A_133 = arith.muli %scan3A_56, %mul3A_132 : i32
      %add3A_134 = arith.constant 2 : i32
      %add3A_135 = arith.addi %mul3A_133, %add3A_134 : i32
      %ge3A_136 = arith.constant 4 : i32
      %ge3A_137 = arith.cmpi sge, %add3A_135, %ge3A_136 : i32
      %sub3A_138 = arith.constant 4 : i32
      %sub3A_139 = arith.subi %add3A_135, %sub3A_138 : i32
      %lt3A_140 = arith.constant 250 : i32
      %lt3A_141 = arith.cmpi slt, %sub3A_139, %lt3A_140 : i32
      %and3A_142 = arith.andi %ge3A_137, %lt3A_141 : i1
      %convert_element_type3A_143 = arith.extui %and3A_142 : i1 to i32
      %cond3A_144 = arith.constant 0 : i32
      %cond3A_145 = arith.cmpi ne, %convert_element_type3A_143, %cond3A_144 : i32
      scf.if %cond3A_145 {
        %dma_wait3A = arith.constant 1 : i32
        %dma_wait3A_210 = arith.constant 0 : i32
        %dma_wait3A_211 = tpu.memref_slice %arg9[%dma_wait3A, %dma_wait3A_210] : memref<2x80xi32, #tpu.memory_space<vmem>> -> memref<1x80xi32, #tpu.memory_space<vmem>>
        %dma_wait3A_212 = tpu.memref_squeeze %dma_wait3A_211 : memref<1x80xi32, #tpu.memory_space<vmem>> -> memref<80xi32, #tpu.memory_space<vmem>>
        %dma_wait3A_213 = arith.constant 0 : i32
        %dma_wait3A_214 = arith.constant 0 : i32
        %dma_wait3A_215 = tpu.memref_slice %arg15[%dma_wait3A_213, %dma_wait3A_214] : memref<10016x128xf32, #tpu.memory_space<vmem_shared>> -> memref<10016x128xf32, #tpu.memory_space<vmem_shared>>
        tpu.wait_indirect_dma semaphore(%arg26 : memref<!tpu.dma_semaphore, #tpu.memory_space<semaphore_mem>>) src(%arg13 : memref<80x128xf32, #tpu.memory_space<vmem>>) dst(%dma_wait3A_215 : memref<10016x128xf32, #tpu.memory_space<vmem_shared>>)
      } else {
      }
      %lt3A_146 = arith.constant 250 : i32
      %lt3A_147 = arith.cmpi slt, %add3A_135, %lt3A_146 : i32
      %convert_element_type3A_148 = arith.extui %lt3A_147 : i1 to i32
      %cond3A_149 = arith.constant 0 : i32
      %cond3A_150 = arith.cmpi ne, %convert_element_type3A_148, %cond3A_149 : i32
      scf.if %cond3A_150 {
        %add3A_210 = arith.addi %mul3A_6, %add3A_135 : i32
        %dma_start3A = arith.constant 0 : i32
        %dma_start3A_211 = arith.constant 0 : i32
        %dma_start3A_212 = tpu.memref_slice %arg3[%add3A_210, %dma_start3A, %dma_start3A_211] : memref<8000x2x80xi32, #tpu.memory_space<hbm>> -> memref<1x2x80xi32, #tpu.memory_space<hbm>>
        %dma_start3A_213 = tpu.memref_squeeze %dma_start3A_212 : memref<1x2x80xi32, #tpu.memory_space<hbm>> -> memref<2x80xi32, #tpu.memory_space<hbm>>
        %dma_start3A_214 = arith.constant 0 : i32
        %dma_start3A_215 = arith.constant 0 : i32
        %dma_start3A_216 = tpu.memref_slice %arg3[%add3A_210, %dma_start3A_214, %dma_start3A_215] : memref<8000x2x80xi32, #tpu.memory_space<hbm>> -> memref<1x2x80xi32, #tpu.memory_space<hbm>>
        %dma_start3A_217 = tpu.memref_squeeze %dma_start3A_216 : memref<1x2x80xi32, #tpu.memory_space<hbm>> -> memref<2x80xi32, #tpu.memory_space<hbm>>
        tpu.enqueue_dma source(%dma_start3A_217 : memref<2x80xi32, #tpu.memory_space<hbm>>) target(%arg9 : memref<2x80xi32, #tpu.memory_space<vmem>>) target_semaphore(%arg18 : memref<!tpu.dma_semaphore, #tpu.memory_space<semaphore_mem>>)
      } else {
      }
      %ge3A_151 = arith.constant 1 : i32
      %ge3A_152 = arith.cmpi sge, %add3A_135, %ge3A_151 : i32
      %sub3A_153 = arith.constant 1 : i32
      %sub3A_154 = arith.subi %add3A_135, %sub3A_153 : i32
      %lt3A_155 = arith.constant 250 : i32
      %lt3A_156 = arith.cmpi slt, %sub3A_154, %lt3A_155 : i32
      %and3A_157 = arith.andi %ge3A_152, %lt3A_156 : i1
      %convert_element_type3A_158 = arith.extui %and3A_157 : i1 to i32
      %cond3A_159 = arith.constant 0 : i32
      %cond3A_160 = arith.cmpi ne, %convert_element_type3A_158, %cond3A_159 : i32
      scf.if %cond3A_160 {
        %dma_wait3A = arith.constant 0 : i32
        %dma_wait3A_210 = arith.constant 0 : i32
        %dma_wait3A_211 = tpu.memref_slice %arg3[%mul3A_6, %dma_wait3A, %dma_wait3A_210] : memref<8000x2x80xi32, #tpu.memory_space<hbm>> -> memref<1x2x80xi32, #tpu.memory_space<hbm>>
        %dma_wait3A_212 = tpu.memref_squeeze %dma_wait3A_211 : memref<1x2x80xi32, #tpu.memory_space<hbm>> -> memref<2x80xi32, #tpu.memory_space<hbm>>
        %dma_wait3A_213 = arith.constant 0 : i32
        %dma_wait3A_214 = arith.constant 0 : i32
        %dma_wait3A_215 = tpu.memref_slice %arg3[%mul3A_6, %dma_wait3A_213, %dma_wait3A_214] : memref<8000x2x80xi32, #tpu.memory_space<hbm>> -> memref<1x2x80xi32, #tpu.memory_space<hbm>>
        %dma_wait3A_216 = tpu.memref_squeeze %dma_wait3A_215 : memref<1x2x80xi32, #tpu.memory_space<hbm>> -> memref<2x80xi32, #tpu.memory_space<hbm>>
        tpu.wait_dma2 semaphore(%arg17 : memref<!tpu.dma_semaphore, #tpu.memory_space<semaphore_mem>>) src(%dma_wait3A_216 : memref<2x80xi32, #tpu.memory_space<hbm>>) dst(%arg8 : memref<2x80xi32, #tpu.memory_space<vmem>>)
        %dma_start3A = arith.constant 0 : i32
        %dma_start3A_217 = arith.constant 0 : i32
        %dma_start3A_218 = tpu.memref_slice %arg8[%dma_start3A, %dma_start3A_217] : memref<2x80xi32, #tpu.memory_space<vmem>> -> memref<1x80xi32, #tpu.memory_space<vmem>>
        %dma_start3A_219 = tpu.memref_squeeze %dma_start3A_218 : memref<1x80xi32, #tpu.memory_space<vmem>> -> memref<80xi32, #tpu.memory_space<vmem>>
        %dma_start3A_220 = arith.constant 0 : i32
        %dma_start3A_221 = arith.constant 0 : i32
        %dma_start3A_222 = tpu.memref_slice %arg2[%dma_start3A_220, %dma_start3A_221] : memref<20000x128xf32, #tpu.memory_space<hbm>> -> memref<20000x128xf32, #tpu.memory_space<hbm>>
        tpu.enqueue_indirect_dma source(%dma_start3A_222 : memref<20000x128xf32, #tpu.memory_space<hbm>>) target(%arg12 : memref<80x128xf32, #tpu.memory_space<vmem>>) offsets(%dma_start3A_219 : memref<80xi32, #tpu.memory_space<vmem>>) semaphore(%arg21 : memref<!tpu.dma_semaphore, #tpu.memory_space<semaphore_mem>>)
      } else {
      }
      %ge3A_161 = arith.constant 3 : i32
      %ge3A_162 = arith.cmpi sge, %add3A_135, %ge3A_161 : i32
      %sub3A_163 = arith.constant 3 : i32
      %sub3A_164 = arith.subi %add3A_135, %sub3A_163 : i32
      %lt3A_165 = arith.constant 250 : i32
      %lt3A_166 = arith.cmpi slt, %sub3A_164, %lt3A_165 : i32
      %and3A_167 = arith.andi %ge3A_162, %lt3A_166 : i1
      %convert_element_type3A_168 = arith.extui %and3A_167 : i1 to i32
      %cond3A_169 = arith.constant 0 : i32
      %cond3A_170 = arith.cmpi ne, %convert_element_type3A_168, %cond3A_169 : i32
      scf.if %cond3A_170 {
        %dma_wait3A = arith.constant 0 : i32
        %dma_wait3A_210 = arith.constant 0 : i32
        %dma_wait3A_211 = tpu.memref_slice %arg10[%dma_wait3A, %dma_wait3A_210] : memref<2x80xi32, #tpu.memory_space<vmem>> -> memref<1x80xi32, #tpu.memory_space<vmem>>
        %dma_wait3A_212 = tpu.memref_squeeze %dma_wait3A_211 : memref<1x80xi32, #tpu.memory_space<vmem>> -> memref<80xi32, #tpu.memory_space<vmem>>
        %dma_wait3A_213 = arith.constant 0 : i32
        %dma_wait3A_214 = arith.constant 0 : i32
        %dma_wait3A_215 = tpu.memref_slice %arg2[%dma_wait3A_213, %dma_wait3A_214] : memref<20000x128xf32, #tpu.memory_space<hbm>> -> memref<20000x128xf32, #tpu.memory_space<hbm>>
        tpu.wait_indirect_dma semaphore(%arg23 : memref<!tpu.dma_semaphore, #tpu.memory_space<semaphore_mem>>) src(%dma_wait3A_215 : memref<20000x128xf32, #tpu.memory_space<hbm>>) dst(%arg14 : memref<80x128xf32, #tpu.memory_space<vmem>>)
        %dma_start3A = arith.constant 1 : i32
        %dma_start3A_216 = arith.constant 0 : i32
        %dma_start3A_217 = tpu.memref_slice %arg10[%dma_start3A, %dma_start3A_216] : memref<2x80xi32, #tpu.memory_space<vmem>> -> memref<1x80xi32, #tpu.memory_space<vmem>>
        %dma_start3A_218 = tpu.memref_squeeze %dma_start3A_217 : memref<1x80xi32, #tpu.memory_space<vmem>> -> memref<80xi32, #tpu.memory_space<vmem>>
        %dma_start3A_219 = arith.constant 0 : i32
        %dma_start3A_220 = arith.constant 0 : i32
        %dma_start3A_221 = tpu.memref_slice %arg15[%dma_start3A_219, %dma_start3A_220] : memref<10016x128xf32, #tpu.memory_space<vmem_shared>> -> memref<10016x128xf32, #tpu.memory_space<vmem_shared>>
        tpu.enqueue_indirect_dma source(%arg14 : memref<80x128xf32, #tpu.memory_space<vmem>>) target(%dma_start3A_221 : memref<10016x128xf32, #tpu.memory_space<vmem_shared>>) offsets(%dma_start3A_218 : memref<80xi32, #tpu.memory_space<vmem>>) semaphore(%arg27 : memref<!tpu.dma_semaphore, #tpu.memory_space<semaphore_mem>>) {add = true}
      } else {
      }
      %mul3A_171 = arith.constant 4 : i32
      %mul3A_172 = arith.muli %scan3A_56, %mul3A_171 : i32
      %add3A_173 = arith.constant 3 : i32
      %add3A_174 = arith.addi %mul3A_172, %add3A_173 : i32
      %ge3A_175 = arith.constant 4 : i32
      %ge3A_176 = arith.cmpi sge, %add3A_174, %ge3A_175 : i32
      %sub3A_177 = arith.constant 4 : i32
      %sub3A_178 = arith.subi %add3A_174, %sub3A_177 : i32
      %lt3A_179 = arith.constant 250 : i32
      %lt3A_180 = arith.cmpi slt, %sub3A_178, %lt3A_179 : i32
      %and3A_181 = arith.andi %ge3A_176, %lt3A_180 : i1
      %convert_element_type3A_182 = arith.extui %and3A_181 : i1 to i32
      %cond3A_183 = arith.constant 0 : i32
      %cond3A_184 = arith.cmpi ne, %convert_element_type3A_182, %cond3A_183 : i32
      scf.if %cond3A_184 {
        %dma_wait3A = arith.constant 1 : i32
        %dma_wait3A_210 = arith.constant 0 : i32
        %dma_wait3A_211 = tpu.memref_slice %arg10[%dma_wait3A, %dma_wait3A_210] : memref<2x80xi32, #tpu.memory_space<vmem>> -> memref<1x80xi32, #tpu.memory_space<vmem>>
        %dma_wait3A_212 = tpu.memref_squeeze %dma_wait3A_211 : memref<1x80xi32, #tpu.memory_space<vmem>> -> memref<80xi32, #tpu.memory_space<vmem>>
        %dma_wait3A_213 = arith.constant 0 : i32
        %dma_wait3A_214 = arith.constant 0 : i32
        %dma_wait3A_215 = tpu.memref_slice %arg15[%dma_wait3A_213, %dma_wait3A_214] : memref<10016x128xf32, #tpu.memory_space<vmem_shared>> -> memref<10016x128xf32, #tpu.memory_space<vmem_shared>>
        tpu.wait_indirect_dma semaphore(%arg27 : memref<!tpu.dma_semaphore, #tpu.memory_space<semaphore_mem>>) src(%arg14 : memref<80x128xf32, #tpu.memory_space<vmem>>) dst(%dma_wait3A_215 : memref<10016x128xf32, #tpu.memory_space<vmem_shared>>)
      } else {
      }
      %lt3A_185 = arith.constant 250 : i32
      %lt3A_186 = arith.cmpi slt, %add3A_174, %lt3A_185 : i32
      %convert_element_type3A_187 = arith.extui %lt3A_186 : i1 to i32
      %cond3A_188 = arith.constant 0 : i32
      %cond3A_189 = arith.cmpi ne, %convert_element_type3A_187, %cond3A_188 : i32
      scf.if %cond3A_189 {
        %add3A_210 = arith.addi %mul3A_6, %add3A_174 : i32
        %dma_start3A = arith.constant 0 : i32
        %dma_start3A_211 = arith.constant 0 : i32
        %dma_start3A_212 = tpu.memref_slice %arg3[%add3A_210, %dma_start3A, %dma_start3A_211] : memref<8000x2x80xi32, #tpu.memory_space<hbm>> -> memref<1x2x80xi32, #tpu.memory_space<hbm>>
        %dma_start3A_213 = tpu.memref_squeeze %dma_start3A_212 : memref<1x2x80xi32, #tpu.memory_space<hbm>> -> memref<2x80xi32, #tpu.memory_space<hbm>>
        %dma_start3A_214 = arith.constant 0 : i32
        %dma_start3A_215 = arith.constant 0 : i32
        %dma_start3A_216 = tpu.memref_slice %arg3[%add3A_210, %dma_start3A_214, %dma_start3A_215] : memref<8000x2x80xi32, #tpu.memory_space<hbm>> -> memref<1x2x80xi32, #tpu.memory_space<hbm>>
        %dma_start3A_217 = tpu.memref_squeeze %dma_start3A_216 : memref<1x2x80xi32, #tpu.memory_space<hbm>> -> memref<2x80xi32, #tpu.memory_space<hbm>>
        tpu.enqueue_dma source(%dma_start3A_217 : memref<2x80xi32, #tpu.memory_space<hbm>>) target(%arg10 : memref<2x80xi32, #tpu.memory_space<vmem>>) target_semaphore(%arg19 : memref<!tpu.dma_semaphore, #tpu.memory_space<semaphore_mem>>)
      } else {
      }
      %ge3A_190 = arith.constant 1 : i32
      %ge3A_191 = arith.cmpi sge, %add3A_174, %ge3A_190 : i32
      %sub3A_192 = arith.constant 1 : i32
      %sub3A_193 = arith.subi %add3A_174, %sub3A_192 : i32
      %lt3A_194 = arith.constant 250 : i32
      %lt3A_195 = arith.cmpi slt, %sub3A_193, %lt3A_194 : i32
      %and3A_196 = arith.andi %ge3A_191, %lt3A_195 : i1
      %convert_element_type3A_197 = arith.extui %and3A_196 : i1 to i32
      %cond3A_198 = arith.constant 0 : i32
      %cond3A_199 = arith.cmpi ne, %convert_element_type3A_197, %cond3A_198 : i32
      scf.if %cond3A_199 {
        %dma_wait3A = arith.constant 0 : i32
        %dma_wait3A_210 = arith.constant 0 : i32
        %dma_wait3A_211 = tpu.memref_slice %arg3[%mul3A_6, %dma_wait3A, %dma_wait3A_210] : memref<8000x2x80xi32, #tpu.memory_space<hbm>> -> memref<1x2x80xi32, #tpu.memory_space<hbm>>
        %dma_wait3A_212 = tpu.memref_squeeze %dma_wait3A_211 : memref<1x2x80xi32, #tpu.memory_space<hbm>> -> memref<2x80xi32, #tpu.memory_space<hbm>>
        %dma_wait3A_213 = arith.constant 0 : i32
        %dma_wait3A_214 = arith.constant 0 : i32
        %dma_wait3A_215 = tpu.memref_slice %arg3[%mul3A_6, %dma_wait3A_213, %dma_wait3A_214] : memref<8000x2x80xi32, #tpu.memory_space<hbm>> -> memref<1x2x80xi32, #tpu.memory_space<hbm>>
        %dma_wait3A_216 = tpu.memref_squeeze %dma_wait3A_215 : memref<1x2x80xi32, #tpu.memory_space<hbm>> -> memref<2x80xi32, #tpu.memory_space<hbm>>
        tpu.wait_dma2 semaphore(%arg18 : memref<!tpu.dma_semaphore, #tpu.memory_space<semaphore_mem>>) src(%dma_wait3A_216 : memref<2x80xi32, #tpu.memory_space<hbm>>) dst(%arg9 : memref<2x80xi32, #tpu.memory_space<vmem>>)
        %dma_start3A = arith.constant 0 : i32
        %dma_start3A_217 = arith.constant 0 : i32
        %dma_start3A_218 = tpu.memref_slice %arg9[%dma_start3A, %dma_start3A_217] : memref<2x80xi32, #tpu.memory_space<vmem>> -> memref<1x80xi32, #tpu.memory_space<vmem>>
        %dma_start3A_219 = tpu.memref_squeeze %dma_start3A_218 : memref<1x80xi32, #tpu.memory_space<vmem>> -> memref<80xi32, #tpu.memory_space<vmem>>
        %dma_start3A_220 = arith.constant 0 : i32
        %dma_start3A_221 = arith.constant 0 : i32
        %dma_start3A_222 = tpu.memref_slice %arg2[%dma_start3A_220, %dma_start3A_221] : memref<20000x128xf32, #tpu.memory_space<hbm>> -> memref<20000x128xf32, #tpu.memory_space<hbm>>
        tpu.enqueue_indirect_dma source(%dma_start3A_222 : memref<20000x128xf32, #tpu.memory_space<hbm>>) target(%arg13 : memref<80x128xf32, #tpu.memory_space<vmem>>) offsets(%dma_start3A_219 : memref<80xi32, #tpu.memory_space<vmem>>) semaphore(%arg22 : memref<!tpu.dma_semaphore, #tpu.memory_space<semaphore_mem>>)
      } else {
      }
      %ge3A_200 = arith.constant 3 : i32
      %ge3A_201 = arith.cmpi sge, %add3A_174, %ge3A_200 : i32
      %sub3A_202 = arith.constant 3 : i32
      %sub3A_203 = arith.subi %add3A_174, %sub3A_202 : i32
      %lt3A_204 = arith.constant 250 : i32
      %lt3A_205 = arith.cmpi slt, %sub3A_203, %lt3A_204 : i32
      %and3A_206 = arith.andi %ge3A_201, %lt3A_205 : i1
      %convert_element_type3A_207 = arith.extui %and3A_206 : i1 to i32
      %cond3A_208 = arith.constant 0 : i32
      %cond3A_209 = arith.cmpi ne, %convert_element_type3A_207, %cond3A_208 : i32
      scf.if %cond3A_209 {
        %dma_wait3A = arith.constant 0 : i32
        %dma_wait3A_210 = arith.constant 0 : i32
        %dma_wait3A_211 = tpu.memref_slice %arg7[%dma_wait3A, %dma_wait3A_210] : memref<2x80xi32, #tpu.memory_space<vmem>> -> memref<1x80xi32, #tpu.memory_space<vmem>>
        %dma_wait3A_212 = tpu.memref_squeeze %dma_wait3A_211 : memref<1x80xi32, #tpu.memory_space<vmem>> -> memref<80xi32, #tpu.memory_space<vmem>>
        %dma_wait3A_213 = arith.constant 0 : i32
        %dma_wait3A_214 = arith.constant 0 : i32
        %dma_wait3A_215 = tpu.memref_slice %arg2[%dma_wait3A_213, %dma_wait3A_214] : memref<20000x128xf32, #tpu.memory_space<hbm>> -> memref<20000x128xf32, #tpu.memory_space<hbm>>
        tpu.wait_indirect_dma semaphore(%arg20 : memref<!tpu.dma_semaphore, #tpu.memory_space<semaphore_mem>>) src(%dma_wait3A_215 : memref<20000x128xf32, #tpu.memory_space<hbm>>) dst(%arg11 : memref<80x128xf32, #tpu.memory_space<vmem>>)
        %dma_start3A = arith.constant 1 : i32
        %dma_start3A_216 = arith.constant 0 : i32
        %dma_start3A_217 = tpu.memref_slice %arg7[%dma_start3A, %dma_start3A_216] : memref<2x80xi32, #tpu.memory_space<vmem>> -> memref<1x80xi32, #tpu.memory_space<vmem>>
        %dma_start3A_218 = tpu.memref_squeeze %dma_start3A_217 : memref<1x80xi32, #tpu.memory_space<vmem>> -> memref<80xi32, #tpu.memory_space<vmem>>
        %dma_start3A_219 = arith.constant 0 : i32
        %dma_start3A_220 = arith.constant 0 : i32
        %dma_start3A_221 = tpu.memref_slice %arg15[%dma_start3A_219, %dma_start3A_220] : memref<10016x128xf32, #tpu.memory_space<vmem_shared>> -> memref<10016x128xf32, #tpu.memory_space<vmem_shared>>
        tpu.enqueue_indirect_dma source(%arg11 : memref<80x128xf32, #tpu.memory_space<vmem>>) target(%dma_start3A_221 : memref<10016x128xf32, #tpu.memory_space<vmem_shared>>) offsets(%dma_start3A_218 : memref<80xi32, #tpu.memory_space<vmem>>) semaphore(%arg24 : memref<!tpu.dma_semaphore, #tpu.memory_space<semaphore_mem>>) {add = true}
      } else {
      }
    }
    %scan3A_43 = arith.constant 64 : i32
    %barrier3A_44 = arith.constant 0 : index
    tpu.barrier barrier_id(%barrier3A_44)
    %sub3A_45 = arith.constant 1 : i32
    %sub3A_46 = arith.subi %sub3A_45, %arg0 : i32
    %mul3A_47 = arith.constant 624 : i32
    %mul3A_48 = arith.muli %arg1, %mul3A_47 : i32
    %mul3A_49 = arith.constant 624 : i32
    %mul3A_50 = arith.muli %arg1, %mul3A_49 : i32
    "tpu.region"() ({
      %run_scoped3A = tpu.sem_alloc : memref<!tpu.dma_semaphore, #tpu.memory_space<semaphore_mem>>
      %dma_start3A = arith.constant 0 : i32
      %dma_start3A_56 = tpu.memref_slice %arg5[%sub3A_46, %mul3A_50, %dma_start3A] : memref<2x10000x128xf32, #tpu.memory_space<hbm>> -> memref<1x624x128xf32, #tpu.memory_space<hbm>>
      %dma_start3A_57 = tpu.memref_squeeze %dma_start3A_56 : memref<1x624x128xf32, #tpu.memory_space<hbm>> -> memref<624x128xf32, #tpu.memory_space<hbm>>
      %dma_start3A_58 = arith.constant 0 : i32
      %dma_start3A_59 = tpu.memref_slice %arg15[%mul3A_48, %dma_start3A_58] : memref<10016x128xf32, #tpu.memory_space<vmem_shared>> -> memref<624x128xf32, #tpu.memory_space<vmem_shared>>
      tpu.enqueue_dma source(%dma_start3A_59 : memref<624x128xf32, #tpu.memory_space<vmem_shared>>) target(%dma_start3A_57 : memref<624x128xf32, #tpu.memory_space<hbm>>) target_semaphore(%run_scoped3A : memref<!tpu.dma_semaphore, #tpu.memory_space<semaphore_mem>>)
      %dma_wait3A = arith.constant 0 : i32
      %dma_wait3A_60 = tpu.memref_slice %arg5[%sub3A_46, %mul3A_50, %dma_wait3A] : memref<2x10000x128xf32, #tpu.memory_space<hbm>> -> memref<1x624x128xf32, #tpu.memory_space<hbm>>
      %dma_wait3A_61 = tpu.memref_squeeze %dma_wait3A_60 : memref<1x624x128xf32, #tpu.memory_space<hbm>> -> memref<624x128xf32, #tpu.memory_space<hbm>>
      %dma_wait3A_62 = arith.constant 0 : i32
      %dma_wait3A_63 = tpu.memref_slice %arg15[%mul3A_48, %dma_wait3A_62] : memref<10016x128xf32, #tpu.memory_space<vmem_shared>> -> memref<624x128xf32, #tpu.memory_space<vmem_shared>>
      tpu.wait_dma2 semaphore(%run_scoped3A : memref<!tpu.dma_semaphore, #tpu.memory_space<semaphore_mem>>) src(%dma_wait3A_63 : memref<624x128xf32, #tpu.memory_space<vmem_shared>>) dst(%dma_wait3A_61 : memref<624x128xf32, #tpu.memory_space<hbm>>)
      tpu.yield
    }) : () -> ()
    %eq3A_51 = arith.constant 15 : i32
    %eq3A_52 = arith.cmpi eq, %arg1, %eq3A_51 : i32
    %convert_element_type3A_53 = arith.extui %eq3A_52 : i1 to i32
    %cond3A_54 = arith.constant 0 : i32
    %cond3A_55 = arith.cmpi ne, %convert_element_type3A_53, %cond3A_54 : i32
    scf.if %cond3A_55 {
      "tpu.region"() ({
        %run_scoped3A = tpu.sem_alloc : memref<!tpu.dma_semaphore, #tpu.memory_space<semaphore_mem>>
        %dma_start3A = arith.constant 9984 : i32
        %dma_start3A_56 = arith.constant 0 : i32
        %dma_start3A_57 = tpu.memref_slice %arg5[%sub3A_46, %dma_start3A, %dma_start3A_56] : memref<2x10000x128xf32, #tpu.memory_space<hbm>> -> memref<1x16x128xf32, #tpu.memory_space<hbm>>
        %dma_start3A_58 = tpu.memref_squeeze %dma_start3A_57 : memref<1x16x128xf32, #tpu.memory_space<hbm>> -> memref<16x128xf32, #tpu.memory_space<hbm>>
        %dma_start3A_59 = arith.constant 9984 : i32
        %dma_start3A_60 = arith.constant 0 : i32
        %dma_start3A_61 = tpu.memref_slice %arg15[%dma_start3A_59, %dma_start3A_60] : memref<10016x128xf32, #tpu.memory_space<vmem_shared>> -> memref<16x128xf32, #tpu.memory_space<vmem_shared>>
        tpu.enqueue_dma source(%dma_start3A_61 : memref<16x128xf32, #tpu.memory_space<vmem_shared>>) target(%dma_start3A_58 : memref<16x128xf32, #tpu.memory_space<hbm>>) target_semaphore(%run_scoped3A : memref<!tpu.dma_semaphore, #tpu.memory_space<semaphore_mem>>)
        %dma_wait3A = arith.constant 9984 : i32
        %dma_wait3A_62 = arith.constant 0 : i32
        %dma_wait3A_63 = tpu.memref_slice %arg5[%sub3A_46, %dma_wait3A, %dma_wait3A_62] : memref<2x10000x128xf32, #tpu.memory_space<hbm>> -> memref<1x16x128xf32, #tpu.memory_space<hbm>>
        %dma_wait3A_64 = tpu.memref_squeeze %dma_wait3A_63 : memref<1x16x128xf32, #tpu.memory_space<hbm>> -> memref<16x128xf32, #tpu.memory_space<hbm>>
        %dma_wait3A_65 = arith.constant 9984 : i32
        %dma_wait3A_66 = arith.constant 0 : i32
        %dma_wait3A_67 = tpu.memref_slice %arg15[%dma_wait3A_65, %dma_wait3A_66] : memref<10016x128xf32, #tpu.memory_space<vmem_shared>> -> memref<16x128xf32, #tpu.memory_space<vmem_shared>>
        tpu.wait_dma2 semaphore(%run_scoped3A : memref<!tpu.dma_semaphore, #tpu.memory_space<semaphore_mem>>) src(%dma_wait3A_67 : memref<16x128xf32, #tpu.memory_space<vmem_shared>>) dst(%dma_wait3A_64 : memref<16x128xf32, #tpu.memory_space<hbm>>)
        tpu.yield
      }) : () -> ()
    } else {
    }
    return
  }
}

#map = affine_map<(d0, d1) -> (0, 0)>
#map1 = affine_map<(d0, d1) -> (0, 0, 0)>
module attributes {stable_mosaic.version = 14 : i64} {
  func.func @body(%arg0: i32, %arg1: i32, %arg2: memref<20000x128xf32, #tpu.memory_space<hbm>>, %arg3: memref<8000x2x80xi32, #tpu.memory_space<hbm>>, %arg4: memref<624x128xf32, #tpu.memory_space<hbm>>, %arg5: memref<2x10000x128xf32, #tpu.memory_space<hbm>>, %arg6: memref<2x80xi32, #tpu.memory_space<vmem>>, %arg7: memref<2x80xi32, #tpu.memory_space<vmem>>, %arg8: memref<2x80xi32, #tpu.memory_space<vmem>>, %arg9: memref<2x80xi32, #tpu.memory_space<vmem>>, %arg10: memref<80x128xf32, #tpu.memory_space<vmem>>, %arg11: memref<80x128xf32, #tpu.memory_space<vmem>>, %arg12: memref<80x128xf32, #tpu.memory_space<vmem>>, %arg13: memref<80x128xf32, #tpu.memory_space<vmem>>, %arg14: memref<10016x128xf32, #tpu.memory_space<vmem_shared>>, %arg15: memref<!tpu.dma_semaphore, #tpu.memory_space<semaphore_mem>>, %arg16: memref<!tpu.dma_semaphore, #tpu.memory_space<semaphore_mem>>, %arg17: memref<!tpu.dma_semaphore, #tpu.memory_space<semaphore_mem>>, %arg18: memref<!tpu.dma_semaphore, #tpu.memory_space<semaphore_mem>>, %arg19: memref<!tpu.dma_semaphore, #tpu.memory_space<semaphore_mem>>, %arg20: memref<!tpu.dma_semaphore, #tpu.memory_space<semaphore_mem>>, %arg21: memref<!tpu.dma_semaphore, #tpu.memory_space<semaphore_mem>>, %arg22: memref<!tpu.dma_semaphore, #tpu.memory_space<semaphore_mem>>, %arg23: memref<!tpu.dma_semaphore, #tpu.memory_space<semaphore_mem>>, %arg24: memref<!tpu.dma_semaphore, #tpu.memory_space<semaphore_mem>>, %arg25: memref<!tpu.dma_semaphore, #tpu.memory_space<semaphore_mem>>, %arg26: memref<!tpu.dma_semaphore, #tpu.memory_space<semaphore_mem>>) attributes {dimension_semantics = [#tpu.dimension_semantics<core_parallel>, #tpu.dimension_semantics<subcore_parallel>], iteration_bounds = array<i64: 2, 16>, scalar_prefetch = 0 : i64, scratch_operands = 21 : i64, tpu.core_type = #tpu.core_type<sc_vector_subcore>, window_params = [{transform_indices = #map}, {transform_indices = #map1}, {transform_indices = #map}, {transform_indices = #map1}]} {
    %mul3A = arith.constant 624 : i32
    %mul3A_0 = arith.muli %arg1, %mul3A : i32
    "tpu.region"() ({
      %run_scoped3A = tpu.sem_alloc : memref<!tpu.dma_semaphore, #tpu.memory_space<semaphore_mem>>
      %dma_start3A = arith.constant 0 : i32
      %dma_start3A_23 = tpu.memref_slice %arg14[%mul3A_0, %dma_start3A] : memref<10016x128xf32, #tpu.memory_space<vmem_shared>> -> memref<624x128xf32, #tpu.memory_space<vmem_shared>>
      tpu.enqueue_dma source(%arg4 : memref<624x128xf32, #tpu.memory_space<hbm>>) target(%dma_start3A_23 : memref<624x128xf32, #tpu.memory_space<vmem_shared>>) target_semaphore(%run_scoped3A : memref<!tpu.dma_semaphore, #tpu.memory_space<semaphore_mem>>)
      %dma_wait3A = arith.constant 0 : i32
      %dma_wait3A_24 = tpu.memref_slice %arg14[%mul3A_0, %dma_wait3A] : memref<10016x128xf32, #tpu.memory_space<vmem_shared>> -> memref<624x128xf32, #tpu.memory_space<vmem_shared>>
      tpu.wait_dma2 semaphore(%run_scoped3A : memref<!tpu.dma_semaphore, #tpu.memory_space<semaphore_mem>>) src(%arg4 : memref<624x128xf32, #tpu.memory_space<hbm>>) dst(%dma_wait3A_24 : memref<624x128xf32, #tpu.memory_space<vmem_shared>>)
      tpu.yield
    }) : () -> ()
    %eq3A = arith.constant 15 : i32
    %eq3A_1 = arith.cmpi eq, %arg1, %eq3A : i32
    %convert_element_type3A = arith.extui %eq3A_1 : i1 to i32
    %cond3A = arith.constant 0 : i32
    %cond3A_2 = arith.cmpi ne, %convert_element_type3A, %cond3A : i32
    scf.if %cond3A_2 {
      "tpu.region"() ({
        %run_scoped3A = tpu.sem_alloc : memref<!tpu.dma_semaphore, #tpu.memory_space<semaphore_mem>>
        %dma_start3A = arith.constant 9984 : i32
        %dma_start3A_23 = arith.constant 0 : i32
        %dma_start3A_24 = tpu.memref_slice %arg14[%dma_start3A, %dma_start3A_23] : memref<10016x128xf32, #tpu.memory_space<vmem_shared>> -> memref<16x128xf32, #tpu.memory_space<vmem_shared>>
        %dma_start3A_25 = arith.constant 0 : i32
        %dma_start3A_26 = arith.constant 0 : i32
        %dma_start3A_27 = tpu.memref_slice %arg4[%dma_start3A_25, %dma_start3A_26] : memref<624x128xf32, #tpu.memory_space<hbm>> -> memref<16x128xf32, #tpu.memory_space<hbm>>
        tpu.enqueue_dma source(%dma_start3A_27 : memref<16x128xf32, #tpu.memory_space<hbm>>) target(%dma_start3A_24 : memref<16x128xf32, #tpu.memory_space<vmem_shared>>) target_semaphore(%run_scoped3A : memref<!tpu.dma_semaphore, #tpu.memory_space<semaphore_mem>>)
        %dma_wait3A = arith.constant 9984 : i32
        %dma_wait3A_28 = arith.constant 0 : i32
        %dma_wait3A_29 = tpu.memref_slice %arg14[%dma_wait3A, %dma_wait3A_28] : memref<10016x128xf32, #tpu.memory_space<vmem_shared>> -> memref<16x128xf32, #tpu.memory_space<vmem_shared>>
        %dma_wait3A_30 = arith.constant 0 : i32
        %dma_wait3A_31 = arith.constant 0 : i32
        %dma_wait3A_32 = tpu.memref_slice %arg4[%dma_wait3A_30, %dma_wait3A_31] : memref<624x128xf32, #tpu.memory_space<hbm>> -> memref<16x128xf32, #tpu.memory_space<hbm>>
        tpu.wait_dma2 semaphore(%run_scoped3A : memref<!tpu.dma_semaphore, #tpu.memory_space<semaphore_mem>>) src(%dma_wait3A_32 : memref<16x128xf32, #tpu.memory_space<hbm>>) dst(%dma_wait3A_29 : memref<16x128xf32, #tpu.memory_space<vmem_shared>>)
        tpu.yield
      }) : () -> ()
    } else {
    }
    %mul3A_3 = arith.constant 16 : i32
    %mul3A_4 = arith.muli %arg0, %mul3A_3 : i32
    %add3A = arith.addi %mul3A_4, %arg1 : i32
    %mul3A_5 = arith.constant 250 : i32
    %mul3A_6 = arith.muli %add3A, %mul3A_5 : i32
    %barrier3A = arith.constant 0 : index
    tpu.barrier barrier_id(%barrier3A)
    %scan3A = arith.constant 0 : i32
    %scan3A_7 = arith.constant 0 : i32
    %scan3A_8 = arith.constant 64 : i32
    %scan3A_9 = arith.addi %scan3A_7, %scan3A_8 : i32
    %scan3A_10 = arith.constant 1 : i32
    scf.for %scan3A_23 = %scan3A_7 to %scan3A_9 step %scan3A_10  : i32 {
      %mul3A_24 = arith.constant 4 : i32
      %mul3A_25 = arith.muli %scan3A_23, %mul3A_24 : i32
      %add3A_26 = arith.constant 0 : i32
      %add3A_27 = arith.addi %mul3A_25, %add3A_26 : i32
      %ge3A = arith.constant 4 : i32
      %ge3A_28 = arith.cmpi sge, %add3A_27, %ge3A : i32
      %sub3A_29 = arith.constant 4 : i32
      %sub3A_30 = arith.subi %add3A_27, %sub3A_29 : i32
      %lt3A = arith.constant 250 : i32
      %lt3A_31 = arith.cmpi slt, %sub3A_30, %lt3A : i32
      %and3A = arith.andi %ge3A_28, %lt3A_31 : i1
      %convert_element_type3A_32 = arith.extui %and3A : i1 to i32
      %cond3A_33 = arith.constant 0 : i32
      %cond3A_34 = arith.cmpi ne, %convert_element_type3A_32, %cond3A_33 : i32
      scf.if %cond3A_34 {
        %dma_wait3A = arith.constant 1 : i32
        %dma_wait3A_177 = arith.constant 0 : i32
        %dma_wait3A_178 = tpu.memref_slice %arg6[%dma_wait3A, %dma_wait3A_177] : memref<2x80xi32, #tpu.memory_space<vmem>> -> memref<1x80xi32, #tpu.memory_space<vmem>>
        %dma_wait3A_179 = tpu.memref_squeeze %dma_wait3A_178 : memref<1x80xi32, #tpu.memory_space<vmem>> -> memref<80xi32, #tpu.memory_space<vmem>>
        %dma_wait3A_180 = arith.constant 0 : i32
        %dma_wait3A_181 = arith.constant 0 : i32
        %dma_wait3A_182 = tpu.memref_slice %arg14[%dma_wait3A_180, %dma_wait3A_181] : memref<10016x128xf32, #tpu.memory_space<vmem_shared>> -> memref<10016x128xf32, #tpu.memory_space<vmem_shared>>
        tpu.wait_indirect_dma semaphore(%arg23 : memref<!tpu.dma_semaphore, #tpu.memory_space<semaphore_mem>>) src(%arg10 : memref<80x128xf32, #tpu.memory_space<vmem>>) dst(%dma_wait3A_182 : memref<10016x128xf32, #tpu.memory_space<vmem_shared>>)
      } else {
      }
      %lt3A_35 = arith.constant 250 : i32
      %lt3A_36 = arith.cmpi slt, %add3A_27, %lt3A_35 : i32
      %convert_element_type3A_37 = arith.extui %lt3A_36 : i1 to i32
      %cond3A_38 = arith.constant 0 : i32
      %cond3A_39 = arith.cmpi ne, %convert_element_type3A_37, %cond3A_38 : i32
      scf.if %cond3A_39 {
        %add3A_177 = arith.addi %mul3A_6, %add3A_27 : i32
        %dma_start3A = arith.constant 0 : i32
        %dma_start3A_178 = arith.constant 0 : i32
        %dma_start3A_179 = tpu.memref_slice %arg3[%add3A_177, %dma_start3A, %dma_start3A_178] : memref<8000x2x80xi32, #tpu.memory_space<hbm>> -> memref<1x2x80xi32, #tpu.memory_space<hbm>>
        %dma_start3A_180 = tpu.memref_squeeze %dma_start3A_179 : memref<1x2x80xi32, #tpu.memory_space<hbm>> -> memref<2x80xi32, #tpu.memory_space<hbm>>
        %dma_start3A_181 = arith.constant 0 : i32
        %dma_start3A_182 = arith.constant 0 : i32
        %dma_start3A_183 = tpu.memref_slice %arg3[%add3A_177, %dma_start3A_181, %dma_start3A_182] : memref<8000x2x80xi32, #tpu.memory_space<hbm>> -> memref<1x2x80xi32, #tpu.memory_space<hbm>>
        %dma_start3A_184 = tpu.memref_squeeze %dma_start3A_183 : memref<1x2x80xi32, #tpu.memory_space<hbm>> -> memref<2x80xi32, #tpu.memory_space<hbm>>
        tpu.enqueue_dma source(%dma_start3A_184 : memref<2x80xi32, #tpu.memory_space<hbm>>) target(%arg6 : memref<2x80xi32, #tpu.memory_space<vmem>>) target_semaphore(%arg15 : memref<!tpu.dma_semaphore, #tpu.memory_space<semaphore_mem>>)
      } else {
      }
      %ge3A_40 = arith.constant 1 : i32
      %ge3A_41 = arith.cmpi sge, %add3A_27, %ge3A_40 : i32
      %sub3A_42 = arith.constant 1 : i32
      %sub3A_43 = arith.subi %add3A_27, %sub3A_42 : i32
      %lt3A_44 = arith.constant 250 : i32
      %lt3A_45 = arith.cmpi slt, %sub3A_43, %lt3A_44 : i32
      %and3A_46 = arith.andi %ge3A_41, %lt3A_45 : i1
      %convert_element_type3A_47 = arith.extui %and3A_46 : i1 to i32
      %cond3A_48 = arith.constant 0 : i32
      %cond3A_49 = arith.cmpi ne, %convert_element_type3A_47, %cond3A_48 : i32
      scf.if %cond3A_49 {
        %dma_wait3A = arith.constant 0 : i32
        %dma_wait3A_177 = arith.constant 0 : i32
        %dma_wait3A_178 = tpu.memref_slice %arg3[%mul3A_6, %dma_wait3A, %dma_wait3A_177] : memref<8000x2x80xi32, #tpu.memory_space<hbm>> -> memref<1x2x80xi32, #tpu.memory_space<hbm>>
        %dma_wait3A_179 = tpu.memref_squeeze %dma_wait3A_178 : memref<1x2x80xi32, #tpu.memory_space<hbm>> -> memref<2x80xi32, #tpu.memory_space<hbm>>
        %dma_wait3A_180 = arith.constant 0 : i32
        %dma_wait3A_181 = arith.constant 0 : i32
        %dma_wait3A_182 = tpu.memref_slice %arg3[%mul3A_6, %dma_wait3A_180, %dma_wait3A_181] : memref<8000x2x80xi32, #tpu.memory_space<hbm>> -> memref<1x2x80xi32, #tpu.memory_space<hbm>>
        %dma_wait3A_183 = tpu.memref_squeeze %dma_wait3A_182 : memref<1x2x80xi32, #tpu.memory_space<hbm>> -> memref<2x80xi32, #tpu.memory_space<hbm>>
        tpu.wait_dma2 semaphore(%arg18 : memref<!tpu.dma_semaphore, #tpu.memory_space<semaphore_mem>>) src(%dma_wait3A_183 : memref<2x80xi32, #tpu.memory_space<hbm>>) dst(%arg9 : memref<2x80xi32, #tpu.memory_space<vmem>>)
        %dma_start3A = arith.constant 0 : i32
        %dma_start3A_184 = arith.constant 0 : i32
        %dma_start3A_185 = tpu.memref_slice %arg9[%dma_start3A, %dma_start3A_184] : memref<2x80xi32, #tpu.memory_space<vmem>> -> memref<1x80xi32, #tpu.memory_space<vmem>>
        %dma_start3A_186 = tpu.memref_squeeze %dma_start3A_185 : memref<1x80xi32, #tpu.memory_space<vmem>> -> memref<80xi32, #tpu.memory_space<vmem>>
        %dma_start3A_187 = arith.constant 0 : i32
        %dma_start3A_188 = arith.constant 0 : i32
        %dma_start3A_189 = tpu.memref_slice %arg2[%dma_start3A_187, %dma_start3A_188] : memref<20000x128xf32, #tpu.memory_space<hbm>> -> memref<20000x128xf32, #tpu.memory_space<hbm>>
        tpu.enqueue_indirect_dma source(%dma_start3A_189 : memref<20000x128xf32, #tpu.memory_space<hbm>>) target(%arg13 : memref<80x128xf32, #tpu.memory_space<vmem>>) offsets(%dma_start3A_186 : memref<80xi32, #tpu.memory_space<vmem>>) semaphore(%arg22 : memref<!tpu.dma_semaphore, #tpu.memory_space<semaphore_mem>>)
      } else {
      }
      %ge3A_50 = arith.constant 3 : i32
      %ge3A_51 = arith.cmpi sge, %add3A_27, %ge3A_50 : i32
      %sub3A_52 = arith.constant 3 : i32
      %sub3A_53 = arith.subi %add3A_27, %sub3A_52 : i32
      %lt3A_54 = arith.constant 250 : i32
      %lt3A_55 = arith.cmpi slt, %sub3A_53, %lt3A_54 : i32
      %and3A_56 = arith.andi %ge3A_51, %lt3A_55 : i1
      %convert_element_type3A_57 = arith.extui %and3A_56 : i1 to i32
      %cond3A_58 = arith.constant 0 : i32
      %cond3A_59 = arith.cmpi ne, %convert_element_type3A_57, %cond3A_58 : i32
      scf.if %cond3A_59 {
        %dma_wait3A = arith.constant 0 : i32
        %dma_wait3A_177 = arith.constant 0 : i32
        %dma_wait3A_178 = tpu.memref_slice %arg7[%dma_wait3A, %dma_wait3A_177] : memref<2x80xi32, #tpu.memory_space<vmem>> -> memref<1x80xi32, #tpu.memory_space<vmem>>
        %dma_wait3A_179 = tpu.memref_squeeze %dma_wait3A_178 : memref<1x80xi32, #tpu.memory_space<vmem>> -> memref<80xi32, #tpu.memory_space<vmem>>
        %dma_wait3A_180 = arith.constant 0 : i32
        %dma_wait3A_181 = arith.constant 0 : i32
        %dma_wait3A_182 = tpu.memref_slice %arg2[%dma_wait3A_180, %dma_wait3A_181] : memref<20000x128xf32, #tpu.memory_space<hbm>> -> memref<20000x128xf32, #tpu.memory_space<hbm>>
        tpu.wait_indirect_dma semaphore(%arg20 : memref<!tpu.dma_semaphore, #tpu.memory_space<semaphore_mem>>) src(%dma_wait3A_182 : memref<20000x128xf32, #tpu.memory_space<hbm>>) dst(%arg11 : memref<80x128xf32, #tpu.memory_space<vmem>>)
        %dma_start3A = arith.constant 1 : i32
        %dma_start3A_183 = arith.constant 0 : i32
        %dma_start3A_184 = tpu.memref_slice %arg7[%dma_start3A, %dma_start3A_183] : memref<2x80xi32, #tpu.memory_space<vmem>> -> memref<1x80xi32, #tpu.memory_space<vmem>>
        %dma_start3A_185 = tpu.memref_squeeze %dma_start3A_184 : memref<1x80xi32, #tpu.memory_space<vmem>> -> memref<80xi32, #tpu.memory_space<vmem>>
        %dma_start3A_186 = arith.constant 0 : i32
        %dma_start3A_187 = arith.constant 0 : i32
        %dma_start3A_188 = tpu.memref_slice %arg14[%dma_start3A_186, %dma_start3A_187] : memref<10016x128xf32, #tpu.memory_space<vmem_shared>> -> memref<10016x128xf32, #tpu.memory_space<vmem_shared>>
        tpu.enqueue_indirect_dma source(%arg11 : memref<80x128xf32, #tpu.memory_space<vmem>>) target(%dma_start3A_188 : memref<10016x128xf32, #tpu.memory_space<vmem_shared>>) offsets(%dma_start3A_185 : memref<80xi32, #tpu.memory_space<vmem>>) semaphore(%arg24 : memref<!tpu.dma_semaphore, #tpu.memory_space<semaphore_mem>>) {add = true}
      } else {
      }
      %mul3A_60 = arith.constant 4 : i32
      %mul3A_61 = arith.muli %scan3A_23, %mul3A_60 : i32
      %add3A_62 = arith.constant 1 : i32
      %add3A_63 = arith.addi %mul3A_61, %add3A_62 : i32
      %ge3A_64 = arith.constant 4 : i32
      %ge3A_65 = arith.cmpi sge, %add3A_63, %ge3A_64 : i32
      %sub3A_66 = arith.constant 4 : i32
      %sub3A_67 = arith.subi %add3A_63, %sub3A_66 : i32
      %lt3A_68 = arith.constant 250 : i32
      %lt3A_69 = arith.cmpi slt, %sub3A_67, %lt3A_68 : i32
      %and3A_70 = arith.andi %ge3A_65, %lt3A_69 : i1
      %convert_element_type3A_71 = arith.extui %and3A_70 : i1 to i32
      %cond3A_72 = arith.constant 0 : i32
      %cond3A_73 = arith.cmpi ne, %convert_element_type3A_71, %cond3A_72 : i32
      scf.if %cond3A_73 {
        %dma_wait3A = arith.constant 1 : i32
        %dma_wait3A_177 = arith.constant 0 : i32
        %dma_wait3A_178 = tpu.memref_slice %arg7[%dma_wait3A, %dma_wait3A_177] : memref<2x80xi32, #tpu.memory_space<vmem>> -> memref<1x80xi32, #tpu.memory_space<vmem>>
        %dma_wait3A_179 = tpu.memref_squeeze %dma_wait3A_178 : memref<1x80xi32, #tpu.memory_space<vmem>> -> memref<80xi32, #tpu.memory_space<vmem>>
        %dma_wait3A_180 = arith.constant 0 : i32
        %dma_wait3A_181 = arith.constant 0 : i32
        %dma_wait3A_182 = tpu.memref_slice %arg14[%dma_wait3A_180, %dma_wait3A_181] : memref<10016x128xf32, #tpu.memory_space<vmem_shared>> -> memref<10016x128xf32, #tpu.memory_space<vmem_shared>>
        tpu.wait_indirect_dma semaphore(%arg24 : memref<!tpu.dma_semaphore, #tpu.memory_space<semaphore_mem>>) src(%arg11 : memref<80x128xf32, #tpu.memory_space<vmem>>) dst(%dma_wait3A_182 : memref<10016x128xf32, #tpu.memory_space<vmem_shared>>)
      } else {
      }
      %lt3A_74 = arith.constant 250 : i32
      %lt3A_75 = arith.cmpi slt, %add3A_63, %lt3A_74 : i32
      %convert_element_type3A_76 = arith.extui %lt3A_75 : i1 to i32
      %cond3A_77 = arith.constant 0 : i32
      %cond3A_78 = arith.cmpi ne, %convert_element_type3A_76, %cond3A_77 : i32
      scf.if %cond3A_78 {
        %add3A_177 = arith.addi %mul3A_6, %add3A_63 : i32
        %dma_start3A = arith.constant 0 : i32
        %dma_start3A_178 = arith.constant 0 : i32
        %dma_start3A_179 = tpu.memref_slice %arg3[%add3A_177, %dma_start3A, %dma_start3A_178] : memref<8000x2x80xi32, #tpu.memory_space<hbm>> -> memref<1x2x80xi32, #tpu.memory_space<hbm>>
        %dma_start3A_180 = tpu.memref_squeeze %dma_start3A_179 : memref<1x2x80xi32, #tpu.memory_space<hbm>> -> memref<2x80xi32, #tpu.memory_space<hbm>>
        %dma_start3A_181 = arith.constant 0 : i32
        %dma_start3A_182 = arith.constant 0 : i32
        %dma_start3A_183 = tpu.memref_slice %arg3[%add3A_177, %dma_start3A_181, %dma_start3A_182] : memref<8000x2x80xi32, #tpu.memory_space<hbm>> -> memref<1x2x80xi32, #tpu.memory_space<hbm>>
        %dma_start3A_184 = tpu.memref_squeeze %dma_start3A_183 : memref<1x2x80xi32, #tpu.memory_space<hbm>> -> memref<2x80xi32, #tpu.memory_space<hbm>>
        tpu.enqueue_dma source(%dma_start3A_184 : memref<2x80xi32, #tpu.memory_space<hbm>>) target(%arg7 : memref<2x80xi32, #tpu.memory_space<vmem>>) target_semaphore(%arg16 : memref<!tpu.dma_semaphore, #tpu.memory_space<semaphore_mem>>)
      } else {
      }
      %ge3A_79 = arith.constant 1 : i32
      %ge3A_80 = arith.cmpi sge, %add3A_63, %ge3A_79 : i32
      %sub3A_81 = arith.constant 1 : i32
      %sub3A_82 = arith.subi %add3A_63, %sub3A_81 : i32
      %lt3A_83 = arith.constant 250 : i32
      %lt3A_84 = arith.cmpi slt, %sub3A_82, %lt3A_83 : i32
      %and3A_85 = arith.andi %ge3A_80, %lt3A_84 : i1
      %convert_element_type3A_86 = arith.extui %and3A_85 : i1 to i32
      %cond3A_87 = arith.constant 0 : i32
      %cond3A_88 = arith.cmpi ne, %convert_element_type3A_86, %cond3A_87 : i32
      scf.if %cond3A_88 {
        %dma_wait3A = arith.constant 0 : i32
        %dma_wait3A_177 = arith.constant 0 : i32
        %dma_wait3A_178 = tpu.memref_slice %arg3[%mul3A_6, %dma_wait3A, %dma_wait3A_177] : memref<8000x2x80xi32, #tpu.memory_space<hbm>> -> memref<1x2x80xi32, #tpu.memory_space<hbm>>
        %dma_wait3A_179 = tpu.memref_squeeze %dma_wait3A_178 : memref<1x2x80xi32, #tpu.memory_space<hbm>> -> memref<2x80xi32, #tpu.memory_space<hbm>>
        %dma_wait3A_180 = arith.constant 0 : i32
        %dma_wait3A_181 = arith.constant 0 : i32
        %dma_wait3A_182 = tpu.memref_slice %arg3[%mul3A_6, %dma_wait3A_180, %dma_wait3A_181] : memref<8000x2x80xi32, #tpu.memory_space<hbm>> -> memref<1x2x80xi32, #tpu.memory_space<hbm>>
        %dma_wait3A_183 = tpu.memref_squeeze %dma_wait3A_182 : memref<1x2x80xi32, #tpu.memory_space<hbm>> -> memref<2x80xi32, #tpu.memory_space<hbm>>
        tpu.wait_dma2 semaphore(%arg15 : memref<!tpu.dma_semaphore, #tpu.memory_space<semaphore_mem>>) src(%dma_wait3A_183 : memref<2x80xi32, #tpu.memory_space<hbm>>) dst(%arg6 : memref<2x80xi32, #tpu.memory_space<vmem>>)
        %dma_start3A = arith.constant 0 : i32
        %dma_start3A_184 = arith.constant 0 : i32
        %dma_start3A_185 = tpu.memref_slice %arg6[%dma_start3A, %dma_start3A_184] : memref<2x80xi32, #tpu.memory_space<vmem>> -> memref<1x80xi32, #tpu.memory_space<vmem>>
        %dma_start3A_186 = tpu.memref_squeeze %dma_start3A_185 : memref<1x80xi32, #tpu.memory_space<vmem>> -> memref<80xi32, #tpu.memory_space<vmem>>
        %dma_start3A_187 = arith.constant 0 : i32
        %dma_start3A_188 = arith.constant 0 : i32
        %dma_start3A_189 = tpu.memref_slice %arg2[%dma_start3A_187, %dma_start3A_188] : memref<20000x128xf32, #tpu.memory_space<hbm>> -> memref<20000x128xf32, #tpu.memory_space<hbm>>
        tpu.enqueue_indirect_dma source(%dma_start3A_189 : memref<20000x128xf32, #tpu.memory_space<hbm>>) target(%arg10 : memref<80x128xf32, #tpu.memory_space<vmem>>) offsets(%dma_start3A_186 : memref<80xi32, #tpu.memory_space<vmem>>) semaphore(%arg19 : memref<!tpu.dma_semaphore, #tpu.memory_space<semaphore_mem>>)
      } else {
      }
      %ge3A_89 = arith.constant 3 : i32
      %ge3A_90 = arith.cmpi sge, %add3A_63, %ge3A_89 : i32
      %sub3A_91 = arith.constant 3 : i32
      %sub3A_92 = arith.subi %add3A_63, %sub3A_91 : i32
      %lt3A_93 = arith.constant 250 : i32
      %lt3A_94 = arith.cmpi slt, %sub3A_92, %lt3A_93 : i32
      %and3A_95 = arith.andi %ge3A_90, %lt3A_94 : i1
      %convert_element_type3A_96 = arith.extui %and3A_95 : i1 to i32
      %cond3A_97 = arith.constant 0 : i32
      %cond3A_98 = arith.cmpi ne, %convert_element_type3A_96, %cond3A_97 : i32
      scf.if %cond3A_98 {
        %dma_wait3A = arith.constant 0 : i32
        %dma_wait3A_177 = arith.constant 0 : i32
        %dma_wait3A_178 = tpu.memref_slice %arg8[%dma_wait3A, %dma_wait3A_177] : memref<2x80xi32, #tpu.memory_space<vmem>> -> memref<1x80xi32, #tpu.memory_space<vmem>>
        %dma_wait3A_179 = tpu.memref_squeeze %dma_wait3A_178 : memref<1x80xi32, #tpu.memory_space<vmem>> -> memref<80xi32, #tpu.memory_space<vmem>>
        %dma_wait3A_180 = arith.constant 0 : i32
        %dma_wait3A_181 = arith.constant 0 : i32
        %dma_wait3A_182 = tpu.memref_slice %arg2[%dma_wait3A_180, %dma_wait3A_181] : memref<20000x128xf32, #tpu.memory_space<hbm>> -> memref<20000x128xf32, #tpu.memory_space<hbm>>
        tpu.wait_indirect_dma semaphore(%arg21 : memref<!tpu.dma_semaphore, #tpu.memory_space<semaphore_mem>>) src(%dma_wait3A_182 : memref<20000x128xf32, #tpu.memory_space<hbm>>) dst(%arg12 : memref<80x128xf32, #tpu.memory_space<vmem>>)
        %dma_start3A = arith.constant 1 : i32
        %dma_start3A_183 = arith.constant 0 : i32
        %dma_start3A_184 = tpu.memref_slice %arg8[%dma_start3A, %dma_start3A_183] : memref<2x80xi32, #tpu.memory_space<vmem>> -> memref<1x80xi32, #tpu.memory_space<vmem>>
        %dma_start3A_185 = tpu.memref_squeeze %dma_start3A_184 : memref<1x80xi32, #tpu.memory_space<vmem>> -> memref<80xi32, #tpu.memory_space<vmem>>
        %dma_start3A_186 = arith.constant 0 : i32
        %dma_start3A_187 = arith.constant 0 : i32
        %dma_start3A_188 = tpu.memref_slice %arg14[%dma_start3A_186, %dma_start3A_187] : memref<10016x128xf32, #tpu.memory_space<vmem_shared>> -> memref<10016x128xf32, #tpu.memory_space<vmem_shared>>
        tpu.enqueue_indirect_dma source(%arg12 : memref<80x128xf32, #tpu.memory_space<vmem>>) target(%dma_start3A_188 : memref<10016x128xf32, #tpu.memory_space<vmem_shared>>) offsets(%dma_start3A_185 : memref<80xi32, #tpu.memory_space<vmem>>) semaphore(%arg25 : memref<!tpu.dma_semaphore, #tpu.memory_space<semaphore_mem>>) {add = true}
      } else {
      }
      %mul3A_99 = arith.constant 4 : i32
      %mul3A_100 = arith.muli %scan3A_23, %mul3A_99 : i32
      %add3A_101 = arith.constant 2 : i32
      %add3A_102 = arith.addi %mul3A_100, %add3A_101 : i32
      %ge3A_103 = arith.constant 4 : i32
      %ge3A_104 = arith.cmpi sge, %add3A_102, %ge3A_103 : i32
      %sub3A_105 = arith.constant 4 : i32
      %sub3A_106 = arith.subi %add3A_102, %sub3A_105 : i32
      %lt3A_107 = arith.constant 250 : i32
      %lt3A_108 = arith.cmpi slt, %sub3A_106, %lt3A_107 : i32
      %and3A_109 = arith.andi %ge3A_104, %lt3A_108 : i1
      %convert_element_type3A_110 = arith.extui %and3A_109 : i1 to i32
      %cond3A_111 = arith.constant 0 : i32
      %cond3A_112 = arith.cmpi ne, %convert_element_type3A_110, %cond3A_111 : i32
      scf.if %cond3A_112 {
        %dma_wait3A = arith.constant 1 : i32
        %dma_wait3A_177 = arith.constant 0 : i32
        %dma_wait3A_178 = tpu.memref_slice %arg8[%dma_wait3A, %dma_wait3A_177] : memref<2x80xi32, #tpu.memory_space<vmem>> -> memref<1x80xi32, #tpu.memory_space<vmem>>
        %dma_wait3A_179 = tpu.memref_squeeze %dma_wait3A_178 : memref<1x80xi32, #tpu.memory_space<vmem>> -> memref<80xi32, #tpu.memory_space<vmem>>
        %dma_wait3A_180 = arith.constant 0 : i32
        %dma_wait3A_181 = arith.constant 0 : i32
        %dma_wait3A_182 = tpu.memref_slice %arg14[%dma_wait3A_180, %dma_wait3A_181] : memref<10016x128xf32, #tpu.memory_space<vmem_shared>> -> memref<10016x128xf32, #tpu.memory_space<vmem_shared>>
        tpu.wait_indirect_dma semaphore(%arg25 : memref<!tpu.dma_semaphore, #tpu.memory_space<semaphore_mem>>) src(%arg12 : memref<80x128xf32, #tpu.memory_space<vmem>>) dst(%dma_wait3A_182 : memref<10016x128xf32, #tpu.memory_space<vmem_shared>>)
      } else {
      }
      %lt3A_113 = arith.constant 250 : i32
      %lt3A_114 = arith.cmpi slt, %add3A_102, %lt3A_113 : i32
      %convert_element_type3A_115 = arith.extui %lt3A_114 : i1 to i32
      %cond3A_116 = arith.constant 0 : i32
      %cond3A_117 = arith.cmpi ne, %convert_element_type3A_115, %cond3A_116 : i32
      scf.if %cond3A_117 {
        %add3A_177 = arith.addi %mul3A_6, %add3A_102 : i32
        %dma_start3A = arith.constant 0 : i32
        %dma_start3A_178 = arith.constant 0 : i32
        %dma_start3A_179 = tpu.memref_slice %arg3[%add3A_177, %dma_start3A, %dma_start3A_178] : memref<8000x2x80xi32, #tpu.memory_space<hbm>> -> memref<1x2x80xi32, #tpu.memory_space<hbm>>
        %dma_start3A_180 = tpu.memref_squeeze %dma_start3A_179 : memref<1x2x80xi32, #tpu.memory_space<hbm>> -> memref<2x80xi32, #tpu.memory_space<hbm>>
        %dma_start3A_181 = arith.constant 0 : i32
        %dma_start3A_182 = arith.constant 0 : i32
        %dma_start3A_183 = tpu.memref_slice %arg3[%add3A_177, %dma_start3A_181, %dma_start3A_182] : memref<8000x2x80xi32, #tpu.memory_space<hbm>> -> memref<1x2x80xi32, #tpu.memory_space<hbm>>
        %dma_start3A_184 = tpu.memref_squeeze %dma_start3A_183 : memref<1x2x80xi32, #tpu.memory_space<hbm>> -> memref<2x80xi32, #tpu.memory_space<hbm>>
        tpu.enqueue_dma source(%dma_start3A_184 : memref<2x80xi32, #tpu.memory_space<hbm>>) target(%arg8 : memref<2x80xi32, #tpu.memory_space<vmem>>) target_semaphore(%arg17 : memref<!tpu.dma_semaphore, #tpu.memory_space<semaphore_mem>>)
      } else {
      }
      %ge3A_118 = arith.constant 1 : i32
      %ge3A_119 = arith.cmpi sge, %add3A_102, %ge3A_118 : i32
      %sub3A_120 = arith.constant 1 : i32
      %sub3A_121 = arith.subi %add3A_102, %sub3A_120 : i32
      %lt3A_122 = arith.constant 250 : i32
      %lt3A_123 = arith.cmpi slt, %sub3A_121, %lt3A_122 : i32
      %and3A_124 = arith.andi %ge3A_119, %lt3A_123 : i1
      %convert_element_type3A_125 = arith.extui %and3A_124 : i1 to i32
      %cond3A_126 = arith.constant 0 : i32
      %cond3A_127 = arith.cmpi ne, %convert_element_type3A_125, %cond3A_126 : i32
      scf.if %cond3A_127 {
        %dma_wait3A = arith.constant 0 : i32
        %dma_wait3A_177 = arith.constant 0 : i32
        %dma_wait3A_178 = tpu.memref_slice %arg3[%mul3A_6, %dma_wait3A, %dma_wait3A_177] : memref<8000x2x80xi32, #tpu.memory_space<hbm>> -> memref<1x2x80xi32, #tpu.memory_space<hbm>>
        %dma_wait3A_179 = tpu.memref_squeeze %dma_wait3A_178 : memref<1x2x80xi32, #tpu.memory_space<hbm>> -> memref<2x80xi32, #tpu.memory_space<hbm>>
        %dma_wait3A_180 = arith.constant 0 : i32
        %dma_wait3A_181 = arith.constant 0 : i32
        %dma_wait3A_182 = tpu.memref_slice %arg3[%mul3A_6, %dma_wait3A_180, %dma_wait3A_181] : memref<8000x2x80xi32, #tpu.memory_space<hbm>> -> memref<1x2x80xi32, #tpu.memory_space<hbm>>
        %dma_wait3A_183 = tpu.memref_squeeze %dma_wait3A_182 : memref<1x2x80xi32, #tpu.memory_space<hbm>> -> memref<2x80xi32, #tpu.memory_space<hbm>>
        tpu.wait_dma2 semaphore(%arg16 : memref<!tpu.dma_semaphore, #tpu.memory_space<semaphore_mem>>) src(%dma_wait3A_183 : memref<2x80xi32, #tpu.memory_space<hbm>>) dst(%arg7 : memref<2x80xi32, #tpu.memory_space<vmem>>)
        %dma_start3A = arith.constant 0 : i32
        %dma_start3A_184 = arith.constant 0 : i32
        %dma_start3A_185 = tpu.memref_slice %arg7[%dma_start3A, %dma_start3A_184] : memref<2x80xi32, #tpu.memory_space<vmem>> -> memref<1x80xi32, #tpu.memory_space<vmem>>
        %dma_start3A_186 = tpu.memref_squeeze %dma_start3A_185 : memref<1x80xi32, #tpu.memory_space<vmem>> -> memref<80xi32, #tpu.memory_space<vmem>>
        %dma_start3A_187 = arith.constant 0 : i32
        %dma_start3A_188 = arith.constant 0 : i32
        %dma_start3A_189 = tpu.memref_slice %arg2[%dma_start3A_187, %dma_start3A_188] : memref<20000x128xf32, #tpu.memory_space<hbm>> -> memref<20000x128xf32, #tpu.memory_space<hbm>>
        tpu.enqueue_indirect_dma source(%dma_start3A_189 : memref<20000x128xf32, #tpu.memory_space<hbm>>) target(%arg11 : memref<80x128xf32, #tpu.memory_space<vmem>>) offsets(%dma_start3A_186 : memref<80xi32, #tpu.memory_space<vmem>>) semaphore(%arg20 : memref<!tpu.dma_semaphore, #tpu.memory_space<semaphore_mem>>)
      } else {
      }
      %ge3A_128 = arith.constant 3 : i32
      %ge3A_129 = arith.cmpi sge, %add3A_102, %ge3A_128 : i32
      %sub3A_130 = arith.constant 3 : i32
      %sub3A_131 = arith.subi %add3A_102, %sub3A_130 : i32
      %lt3A_132 = arith.constant 250 : i32
      %lt3A_133 = arith.cmpi slt, %sub3A_131, %lt3A_132 : i32
      %and3A_134 = arith.andi %ge3A_129, %lt3A_133 : i1
      %convert_element_type3A_135 = arith.extui %and3A_134 : i1 to i32
      %cond3A_136 = arith.constant 0 : i32
      %cond3A_137 = arith.cmpi ne, %convert_element_type3A_135, %cond3A_136 : i32
      scf.if %cond3A_137 {
        %dma_wait3A = arith.constant 0 : i32
        %dma_wait3A_177 = arith.constant 0 : i32
        %dma_wait3A_178 = tpu.memref_slice %arg9[%dma_wait3A, %dma_wait3A_177] : memref<2x80xi32, #tpu.memory_space<vmem>> -> memref<1x80xi32, #tpu.memory_space<vmem>>
        %dma_wait3A_179 = tpu.memref_squeeze %dma_wait3A_178 : memref<1x80xi32, #tpu.memory_space<vmem>> -> memref<80xi32, #tpu.memory_space<vmem>>
        %dma_wait3A_180 = arith.constant 0 : i32
        %dma_wait3A_181 = arith.constant 0 : i32
        %dma_wait3A_182 = tpu.memref_slice %arg2[%dma_wait3A_180, %dma_wait3A_181] : memref<20000x128xf32, #tpu.memory_space<hbm>> -> memref<20000x128xf32, #tpu.memory_space<hbm>>
        tpu.wait_indirect_dma semaphore(%arg22 : memref<!tpu.dma_semaphore, #tpu.memory_space<semaphore_mem>>) src(%dma_wait3A_182 : memref<20000x128xf32, #tpu.memory_space<hbm>>) dst(%arg13 : memref<80x128xf32, #tpu.memory_space<vmem>>)
        %dma_start3A = arith.constant 1 : i32
        %dma_start3A_183 = arith.constant 0 : i32
        %dma_start3A_184 = tpu.memref_slice %arg9[%dma_start3A, %dma_start3A_183] : memref<2x80xi32, #tpu.memory_space<vmem>> -> memref<1x80xi32, #tpu.memory_space<vmem>>
        %dma_start3A_185 = tpu.memref_squeeze %dma_start3A_184 : memref<1x80xi32, #tpu.memory_space<vmem>> -> memref<80xi32, #tpu.memory_space<vmem>>
        %dma_start3A_186 = arith.constant 0 : i32
        %dma_start3A_187 = arith.constant 0 : i32
        %dma_start3A_188 = tpu.memref_slice %arg14[%dma_start3A_186, %dma_start3A_187] : memref<10016x128xf32, #tpu.memory_space<vmem_shared>> -> memref<10016x128xf32, #tpu.memory_space<vmem_shared>>
        tpu.enqueue_indirect_dma source(%arg13 : memref<80x128xf32, #tpu.memory_space<vmem>>) target(%dma_start3A_188 : memref<10016x128xf32, #tpu.memory_space<vmem_shared>>) offsets(%dma_start3A_185 : memref<80xi32, #tpu.memory_space<vmem>>) semaphore(%arg26 : memref<!tpu.dma_semaphore, #tpu.memory_space<semaphore_mem>>) {add = true}
      } else {
      }
      %mul3A_138 = arith.constant 4 : i32
      %mul3A_139 = arith.muli %scan3A_23, %mul3A_138 : i32
      %add3A_140 = arith.constant 3 : i32
      %add3A_141 = arith.addi %mul3A_139, %add3A_140 : i32
      %ge3A_142 = arith.constant 4 : i32
      %ge3A_143 = arith.cmpi sge, %add3A_141, %ge3A_142 : i32
      %sub3A_144 = arith.constant 4 : i32
      %sub3A_145 = arith.subi %add3A_141, %sub3A_144 : i32
      %lt3A_146 = arith.constant 250 : i32
      %lt3A_147 = arith.cmpi slt, %sub3A_145, %lt3A_146 : i32
      %and3A_148 = arith.andi %ge3A_143, %lt3A_147 : i1
      %convert_element_type3A_149 = arith.extui %and3A_148 : i1 to i32
      %cond3A_150 = arith.constant 0 : i32
      %cond3A_151 = arith.cmpi ne, %convert_element_type3A_149, %cond3A_150 : i32
      scf.if %cond3A_151 {
        %dma_wait3A = arith.constant 1 : i32
        %dma_wait3A_177 = arith.constant 0 : i32
        %dma_wait3A_178 = tpu.memref_slice %arg9[%dma_wait3A, %dma_wait3A_177] : memref<2x80xi32, #tpu.memory_space<vmem>> -> memref<1x80xi32, #tpu.memory_space<vmem>>
        %dma_wait3A_179 = tpu.memref_squeeze %dma_wait3A_178 : memref<1x80xi32, #tpu.memory_space<vmem>> -> memref<80xi32, #tpu.memory_space<vmem>>
        %dma_wait3A_180 = arith.constant 0 : i32
        %dma_wait3A_181 = arith.constant 0 : i32
        %dma_wait3A_182 = tpu.memref_slice %arg14[%dma_wait3A_180, %dma_wait3A_181] : memref<10016x128xf32, #tpu.memory_space<vmem_shared>> -> memref<10016x128xf32, #tpu.memory_space<vmem_shared>>
        tpu.wait_indirect_dma semaphore(%arg26 : memref<!tpu.dma_semaphore, #tpu.memory_space<semaphore_mem>>) src(%arg13 : memref<80x128xf32, #tpu.memory_space<vmem>>) dst(%dma_wait3A_182 : memref<10016x128xf32, #tpu.memory_space<vmem_shared>>)
      } else {
      }
      %lt3A_152 = arith.constant 250 : i32
      %lt3A_153 = arith.cmpi slt, %add3A_141, %lt3A_152 : i32
      %convert_element_type3A_154 = arith.extui %lt3A_153 : i1 to i32
      %cond3A_155 = arith.constant 0 : i32
      %cond3A_156 = arith.cmpi ne, %convert_element_type3A_154, %cond3A_155 : i32
      scf.if %cond3A_156 {
        %add3A_177 = arith.addi %mul3A_6, %add3A_141 : i32
        %dma_start3A = arith.constant 0 : i32
        %dma_start3A_178 = arith.constant 0 : i32
        %dma_start3A_179 = tpu.memref_slice %arg3[%add3A_177, %dma_start3A, %dma_start3A_178] : memref<8000x2x80xi32, #tpu.memory_space<hbm>> -> memref<1x2x80xi32, #tpu.memory_space<hbm>>
        %dma_start3A_180 = tpu.memref_squeeze %dma_start3A_179 : memref<1x2x80xi32, #tpu.memory_space<hbm>> -> memref<2x80xi32, #tpu.memory_space<hbm>>
        %dma_start3A_181 = arith.constant 0 : i32
        %dma_start3A_182 = arith.constant 0 : i32
        %dma_start3A_183 = tpu.memref_slice %arg3[%add3A_177, %dma_start3A_181, %dma_start3A_182] : memref<8000x2x80xi32, #tpu.memory_space<hbm>> -> memref<1x2x80xi32, #tpu.memory_space<hbm>>
        %dma_start3A_184 = tpu.memref_squeeze %dma_start3A_183 : memref<1x2x80xi32, #tpu.memory_space<hbm>> -> memref<2x80xi32, #tpu.memory_space<hbm>>
        tpu.enqueue_dma source(%dma_start3A_184 : memref<2x80xi32, #tpu.memory_space<hbm>>) target(%arg9 : memref<2x80xi32, #tpu.memory_space<vmem>>) target_semaphore(%arg18 : memref<!tpu.dma_semaphore, #tpu.memory_space<semaphore_mem>>)
      } else {
      }
      %ge3A_157 = arith.constant 1 : i32
      %ge3A_158 = arith.cmpi sge, %add3A_141, %ge3A_157 : i32
      %sub3A_159 = arith.constant 1 : i32
      %sub3A_160 = arith.subi %add3A_141, %sub3A_159 : i32
      %lt3A_161 = arith.constant 250 : i32
      %lt3A_162 = arith.cmpi slt, %sub3A_160, %lt3A_161 : i32
      %and3A_163 = arith.andi %ge3A_158, %lt3A_162 : i1
      %convert_element_type3A_164 = arith.extui %and3A_163 : i1 to i32
      %cond3A_165 = arith.constant 0 : i32
      %cond3A_166 = arith.cmpi ne, %convert_element_type3A_164, %cond3A_165 : i32
      scf.if %cond3A_166 {
        %dma_wait3A = arith.constant 0 : i32
        %dma_wait3A_177 = arith.constant 0 : i32
        %dma_wait3A_178 = tpu.memref_slice %arg3[%mul3A_6, %dma_wait3A, %dma_wait3A_177] : memref<8000x2x80xi32, #tpu.memory_space<hbm>> -> memref<1x2x80xi32, #tpu.memory_space<hbm>>
        %dma_wait3A_179 = tpu.memref_squeeze %dma_wait3A_178 : memref<1x2x80xi32, #tpu.memory_space<hbm>> -> memref<2x80xi32, #tpu.memory_space<hbm>>
        %dma_wait3A_180 = arith.constant 0 : i32
        %dma_wait3A_181 = arith.constant 0 : i32
        %dma_wait3A_182 = tpu.memref_slice %arg3[%mul3A_6, %dma_wait3A_180, %dma_wait3A_181] : memref<8000x2x80xi32, #tpu.memory_space<hbm>> -> memref<1x2x80xi32, #tpu.memory_space<hbm>>
        %dma_wait3A_183 = tpu.memref_squeeze %dma_wait3A_182 : memref<1x2x80xi32, #tpu.memory_space<hbm>> -> memref<2x80xi32, #tpu.memory_space<hbm>>
        tpu.wait_dma2 semaphore(%arg17 : memref<!tpu.dma_semaphore, #tpu.memory_space<semaphore_mem>>) src(%dma_wait3A_183 : memref<2x80xi32, #tpu.memory_space<hbm>>) dst(%arg8 : memref<2x80xi32, #tpu.memory_space<vmem>>)
        %dma_start3A = arith.constant 0 : i32
        %dma_start3A_184 = arith.constant 0 : i32
        %dma_start3A_185 = tpu.memref_slice %arg8[%dma_start3A, %dma_start3A_184] : memref<2x80xi32, #tpu.memory_space<vmem>> -> memref<1x80xi32, #tpu.memory_space<vmem>>
        %dma_start3A_186 = tpu.memref_squeeze %dma_start3A_185 : memref<1x80xi32, #tpu.memory_space<vmem>> -> memref<80xi32, #tpu.memory_space<vmem>>
        %dma_start3A_187 = arith.constant 0 : i32
        %dma_start3A_188 = arith.constant 0 : i32
        %dma_start3A_189 = tpu.memref_slice %arg2[%dma_start3A_187, %dma_start3A_188] : memref<20000x128xf32, #tpu.memory_space<hbm>> -> memref<20000x128xf32, #tpu.memory_space<hbm>>
        tpu.enqueue_indirect_dma source(%dma_start3A_189 : memref<20000x128xf32, #tpu.memory_space<hbm>>) target(%arg12 : memref<80x128xf32, #tpu.memory_space<vmem>>) offsets(%dma_start3A_186 : memref<80xi32, #tpu.memory_space<vmem>>) semaphore(%arg21 : memref<!tpu.dma_semaphore, #tpu.memory_space<semaphore_mem>>)
      } else {
      }
      %ge3A_167 = arith.constant 3 : i32
      %ge3A_168 = arith.cmpi sge, %add3A_141, %ge3A_167 : i32
      %sub3A_169 = arith.constant 3 : i32
      %sub3A_170 = arith.subi %add3A_141, %sub3A_169 : i32
      %lt3A_171 = arith.constant 250 : i32
      %lt3A_172 = arith.cmpi slt, %sub3A_170, %lt3A_171 : i32
      %and3A_173 = arith.andi %ge3A_168, %lt3A_172 : i1
      %convert_element_type3A_174 = arith.extui %and3A_173 : i1 to i32
      %cond3A_175 = arith.constant 0 : i32
      %cond3A_176 = arith.cmpi ne, %convert_element_type3A_174, %cond3A_175 : i32
      scf.if %cond3A_176 {
        %dma_wait3A = arith.constant 0 : i32
        %dma_wait3A_177 = arith.constant 0 : i32
        %dma_wait3A_178 = tpu.memref_slice %arg6[%dma_wait3A, %dma_wait3A_177] : memref<2x80xi32, #tpu.memory_space<vmem>> -> memref<1x80xi32, #tpu.memory_space<vmem>>
        %dma_wait3A_179 = tpu.memref_squeeze %dma_wait3A_178 : memref<1x80xi32, #tpu.memory_space<vmem>> -> memref<80xi32, #tpu.memory_space<vmem>>
        %dma_wait3A_180 = arith.constant 0 : i32
        %dma_wait3A_181 = arith.constant 0 : i32
        %dma_wait3A_182 = tpu.memref_slice %arg2[%dma_wait3A_180, %dma_wait3A_181] : memref<20000x128xf32, #tpu.memory_space<hbm>> -> memref<20000x128xf32, #tpu.memory_space<hbm>>
        tpu.wait_indirect_dma semaphore(%arg19 : memref<!tpu.dma_semaphore, #tpu.memory_space<semaphore_mem>>) src(%dma_wait3A_182 : memref<20000x128xf32, #tpu.memory_space<hbm>>) dst(%arg10 : memref<80x128xf32, #tpu.memory_space<vmem>>)
        %dma_start3A = arith.constant 1 : i32
        %dma_start3A_183 = arith.constant 0 : i32
        %dma_start3A_184 = tpu.memref_slice %arg6[%dma_start3A, %dma_start3A_183] : memref<2x80xi32, #tpu.memory_space<vmem>> -> memref<1x80xi32, #tpu.memory_space<vmem>>
        %dma_start3A_185 = tpu.memref_squeeze %dma_start3A_184 : memref<1x80xi32, #tpu.memory_space<vmem>> -> memref<80xi32, #tpu.memory_space<vmem>>
        %dma_start3A_186 = arith.constant 0 : i32
        %dma_start3A_187 = arith.constant 0 : i32
        %dma_start3A_188 = tpu.memref_slice %arg14[%dma_start3A_186, %dma_start3A_187] : memref<10016x128xf32, #tpu.memory_space<vmem_shared>> -> memref<10016x128xf32, #tpu.memory_space<vmem_shared>>
        tpu.enqueue_indirect_dma source(%arg10 : memref<80x128xf32, #tpu.memory_space<vmem>>) target(%dma_start3A_188 : memref<10016x128xf32, #tpu.memory_space<vmem_shared>>) offsets(%dma_start3A_185 : memref<80xi32, #tpu.memory_space<vmem>>) semaphore(%arg23 : memref<!tpu.dma_semaphore, #tpu.memory_space<semaphore_mem>>) {add = true}
      } else {
      }
    }
    %scan3A_11 = arith.constant 64 : i32
    %barrier3A_12 = arith.constant 0 : index
    tpu.barrier barrier_id(%barrier3A_12)
    %sub3A = arith.constant 1 : i32
    %sub3A_13 = arith.subi %sub3A, %arg0 : i32
    %mul3A_14 = arith.constant 624 : i32
    %mul3A_15 = arith.muli %arg1, %mul3A_14 : i32
    %mul3A_16 = arith.constant 624 : i32
    %mul3A_17 = arith.muli %arg1, %mul3A_16 : i32
    "tpu.region"() ({
      %run_scoped3A = tpu.sem_alloc : memref<!tpu.dma_semaphore, #tpu.memory_space<semaphore_mem>>
      %dma_start3A = arith.constant 0 : i32
      %dma_start3A_23 = tpu.memref_slice %arg5[%sub3A_13, %mul3A_17, %dma_start3A] : memref<2x10000x128xf32, #tpu.memory_space<hbm>> -> memref<1x624x128xf32, #tpu.memory_space<hbm>>
      %dma_start3A_24 = tpu.memref_squeeze %dma_start3A_23 : memref<1x624x128xf32, #tpu.memory_space<hbm>> -> memref<624x128xf32, #tpu.memory_space<hbm>>
      %dma_start3A_25 = arith.constant 0 : i32
      %dma_start3A_26 = tpu.memref_slice %arg14[%mul3A_15, %dma_start3A_25] : memref<10016x128xf32, #tpu.memory_space<vmem_shared>> -> memref<624x128xf32, #tpu.memory_space<vmem_shared>>
      tpu.enqueue_dma source(%dma_start3A_26 : memref<624x128xf32, #tpu.memory_space<vmem_shared>>) target(%dma_start3A_24 : memref<624x128xf32, #tpu.memory_space<hbm>>) target_semaphore(%run_scoped3A : memref<!tpu.dma_semaphore, #tpu.memory_space<semaphore_mem>>)
      %dma_wait3A = arith.constant 0 : i32
      %dma_wait3A_27 = tpu.memref_slice %arg5[%sub3A_13, %mul3A_17, %dma_wait3A] : memref<2x10000x128xf32, #tpu.memory_space<hbm>> -> memref<1x624x128xf32, #tpu.memory_space<hbm>>
      %dma_wait3A_28 = tpu.memref_squeeze %dma_wait3A_27 : memref<1x624x128xf32, #tpu.memory_space<hbm>> -> memref<624x128xf32, #tpu.memory_space<hbm>>
      %dma_wait3A_29 = arith.constant 0 : i32
      %dma_wait3A_30 = tpu.memref_slice %arg14[%mul3A_15, %dma_wait3A_29] : memref<10016x128xf32, #tpu.memory_space<vmem_shared>> -> memref<624x128xf32, #tpu.memory_space<vmem_shared>>
      tpu.wait_dma2 semaphore(%run_scoped3A : memref<!tpu.dma_semaphore, #tpu.memory_space<semaphore_mem>>) src(%dma_wait3A_30 : memref<624x128xf32, #tpu.memory_space<vmem_shared>>) dst(%dma_wait3A_28 : memref<624x128xf32, #tpu.memory_space<hbm>>)
      tpu.yield
    }) : () -> ()
    %eq3A_18 = arith.constant 15 : i32
    %eq3A_19 = arith.cmpi eq, %arg1, %eq3A_18 : i32
    %convert_element_type3A_20 = arith.extui %eq3A_19 : i1 to i32
    %cond3A_21 = arith.constant 0 : i32
    %cond3A_22 = arith.cmpi ne, %convert_element_type3A_20, %cond3A_21 : i32
    scf.if %cond3A_22 {
      "tpu.region"() ({
        %run_scoped3A = tpu.sem_alloc : memref<!tpu.dma_semaphore, #tpu.memory_space<semaphore_mem>>
        %dma_start3A = arith.constant 9984 : i32
        %dma_start3A_23 = arith.constant 0 : i32
        %dma_start3A_24 = tpu.memref_slice %arg5[%sub3A_13, %dma_start3A, %dma_start3A_23] : memref<2x10000x128xf32, #tpu.memory_space<hbm>> -> memref<1x16x128xf32, #tpu.memory_space<hbm>>
        %dma_start3A_25 = tpu.memref_squeeze %dma_start3A_24 : memref<1x16x128xf32, #tpu.memory_space<hbm>> -> memref<16x128xf32, #tpu.memory_space<hbm>>
        %dma_start3A_26 = arith.constant 9984 : i32
        %dma_start3A_27 = arith.constant 0 : i32
        %dma_start3A_28 = tpu.memref_slice %arg14[%dma_start3A_26, %dma_start3A_27] : memref<10016x128xf32, #tpu.memory_space<vmem_shared>> -> memref<16x128xf32, #tpu.memory_space<vmem_shared>>
        tpu.enqueue_dma source(%dma_start3A_28 : memref<16x128xf32, #tpu.memory_space<vmem_shared>>) target(%dma_start3A_25 : memref<16x128xf32, #tpu.memory_space<hbm>>) target_semaphore(%run_scoped3A : memref<!tpu.dma_semaphore, #tpu.memory_space<semaphore_mem>>)
        %dma_wait3A = arith.constant 9984 : i32
        %dma_wait3A_29 = arith.constant 0 : i32
        %dma_wait3A_30 = tpu.memref_slice %arg5[%sub3A_13, %dma_wait3A, %dma_wait3A_29] : memref<2x10000x128xf32, #tpu.memory_space<hbm>> -> memref<1x16x128xf32, #tpu.memory_space<hbm>>
        %dma_wait3A_31 = tpu.memref_squeeze %dma_wait3A_30 : memref<1x16x128xf32, #tpu.memory_space<hbm>> -> memref<16x128xf32, #tpu.memory_space<hbm>>
        %dma_wait3A_32 = arith.constant 9984 : i32
        %dma_wait3A_33 = arith.constant 0 : i32
        %dma_wait3A_34 = tpu.memref_slice %arg14[%dma_wait3A_32, %dma_wait3A_33] : memref<10016x128xf32, #tpu.memory_space<vmem_shared>> -> memref<16x128xf32, #tpu.memory_space<vmem_shared>>
        tpu.wait_dma2 semaphore(%run_scoped3A : memref<!tpu.dma_semaphore, #tpu.memory_space<semaphore_mem>>) src(%dma_wait3A_34 : memref<16x128xf32, #tpu.memory_space<vmem_shared>>) dst(%dma_wait3A_31 : memref<16x128xf32, #tpu.memory_space<hbm>>)
        tpu.yield
      }) : () -> ()
    } else {
    }
    return
  }
}

module attributes {stable_mosaic.version = 14 : i64} {
  func.func @_proj_body(%arg0: i32, %arg1: i32, %arg2: memref<1x2000x128xf32, #tpu.memory_space<vmem>>, %arg3: memref<1x128x128xf32, #tpu.memory_space<vmem>>, %arg4: memref<1x1x128xf32, #tpu.memory_space<vmem>>, %arg5: memref<1x128x128xf32, #tpu.memory_space<vmem>>, %arg6: memref<1x128x128xf32, #tpu.memory_space<vmem>>, %arg7: memref<1x1x128xf32, #tpu.memory_space<vmem>>, %arg8: memref<1x2000x128xf32, #tpu.memory_space<vmem>>, %arg9: memref<1x2000x128xf32, #tpu.memory_space<vmem>>) attributes {dimension_semantics = [#tpu.dimension_semantics<arbitrary>, #tpu.dimension_semantics<arbitrary>], iteration_bounds = array<i64: 2, 5>, scalar_prefetch = 0 : i64, scratch_operands = 0 : i64, tpu.core_type = #tpu.core_type<tc>, window_params = [{transform_indices = @transform_0, window_bounds = array<i64: 1, 2000, 128>}, {transform_indices = @transform_1, window_bounds = array<i64: 1, 128, 128>}, {transform_indices = @transform_2, window_bounds = array<i64: 1, 1, 128>}, {transform_indices = @transform_3, window_bounds = array<i64: 1, 128, 128>}, {transform_indices = @transform_4, window_bounds = array<i64: 1, 128, 128>}, {transform_indices = @transform_5, window_bounds = array<i64: 1, 1, 128>}, {transform_indices = @transform_6, window_bounds = array<i64: 1, 2000, 128>}, {transform_indices = @transform_7, window_bounds = array<i64: 1, 2000, 128>}]} {
    %get3A = arith.constant 0 : index
    %get3A_0 = arith.constant 0 : index
    %get3A_1 = arith.constant 0 : index
    %get3A_2 = vector.load %arg2[%get3A, %get3A_0, %get3A_1] : memref<1x2000x128xf32, #tpu.memory_space<vmem>>, vector<1x2000x128xf32>
    %get3A_3 = vector.shape_cast %get3A_2 : vector<1x2000x128xf32> to vector<2000x128xf32>
    %get3A_4 = arith.constant 0 : index
    %get3A_5 = arith.constant 0 : index
    %get3A_6 = arith.constant 0 : index
    %get3A_7 = vector.load %arg3[%get3A_4, %get3A_5, %get3A_6] : memref<1x128x128xf32, #tpu.memory_space<vmem>>, vector<1x128x128xf32>
    %get3A_8 = vector.shape_cast %get3A_7 : vector<1x128x128xf32> to vector<128x128xf32>
    %dot_general3A = arith.constant dense<0.000000e+00> : vector<2000x128xf32>
    %dot_general3A_9 = tpu.matmul %get3A_3, %get3A_8, %dot_general3A {dimension_numbers = #tpu.dot_dimension_numbers<[1], [1], [0], [0], [0, 0, 1, 0], [], []>, transpose_lhs_hint = false} : vector<2000x128xf32>, vector<128x128xf32>, vector<2000x128xf32> -> vector<2000x128xf32>
    %get3A_10 = arith.constant 0 : index
    %get3A_11 = arith.constant 0 : index
    %get3A_12 = arith.constant 0 : index
    %get3A_13 = vector.load %arg4[%get3A_10, %get3A_11, %get3A_12] : memref<1x1x128xf32, #tpu.memory_space<vmem>>, vector<1x1x128xf32>
    %get3A_14 = vector.shape_cast %get3A_13 : vector<1x1x128xf32> to vector<128xf32>
    %broadcast_in_dim3A = vector.shape_cast %get3A_14 : vector<128xf32> to vector<1x128xf32>
    %add3A = vector.broadcast %broadcast_in_dim3A : vector<1x128xf32> to vector<2000x128xf32>
    %add3A_15 = arith.addf %dot_general3A_9, %add3A : vector<2000x128xf32>
    %max3A = arith.constant 0.000000e+00 : f32
    %max3A_16 = vector.broadcast %max3A : f32 to vector<2000x128xf32>
    %max3A_17 = arith.maximumf %add3A_15, %max3A_16 : vector<2000x128xf32>
    %ne3A = arith.cmpf one, %max3A_17, %max3A_17 : vector<2000x128xf32>
    %jit3A = arith.constant 0.000000e+00 : f32
    %broadcast_in_dim3A_18 = vector.broadcast %jit3A : f32 to vector<2000x128xf32>
    %select_n3A = arith.select %ne3A, %broadcast_in_dim3A_18, %max3A_17 : vector<2000x128xi1>, vector<2000x128xf32>
    %get3A_19 = arith.constant 0 : index
    %get3A_20 = arith.constant 0 : index
    %get3A_21 = arith.constant 0 : index
    %get3A_22 = vector.load %arg5[%get3A_19, %get3A_20, %get3A_21] : memref<1x128x128xf32, #tpu.memory_space<vmem>>, vector<1x128x128xf32>
    %get3A_23 = vector.shape_cast %get3A_22 : vector<1x128x128xf32> to vector<128x128xf32>
    %dot_general3A_24 = arith.constant dense<0.000000e+00> : vector<2000x128xf32>
    %dot_general3A_25 = tpu.matmul %select_n3A, %get3A_23, %dot_general3A_24 {dimension_numbers = #tpu.dot_dimension_numbers<[1], [1], [0], [0], [0, 0, 1, 0], [], []>, transpose_lhs_hint = false} : vector<2000x128xf32>, vector<128x128xf32>, vector<2000x128xf32> -> vector<2000x128xf32>
    %swap3A = arith.constant 0 : index
    %swap3A_26 = arith.constant 0 : index
    %swap3A_27 = arith.constant 0 : index
    %swap3A_28 = vector.load %arg8[%swap3A, %swap3A_26, %swap3A_27] : memref<1x2000x128xf32, #tpu.memory_space<vmem>>, vector<1x2000x128xf32>
    %swap3A_29 = vector.shape_cast %swap3A_28 : vector<1x2000x128xf32> to vector<2000x128xf32>
    %swap3A_30 = vector.shape_cast %dot_general3A_25 : vector<2000x128xf32> to vector<1x2000x128xf32>
    tpu.vector_store %arg8[%swap3A, %swap3A_26, %swap3A_27], %swap3A_30 {strides = array<i32>} : memref<1x2000x128xf32, #tpu.memory_space<vmem>>, vector<1x2000x128xf32>,
    %get3A_31 = arith.constant 0 : index
    %get3A_32 = arith.constant 0 : index
    %get3A_33 = arith.constant 0 : index
    %get3A_34 = vector.load %arg6[%get3A_31, %get3A_32, %get3A_33] : memref<1x128x128xf32, #tpu.memory_space<vmem>>, vector<1x128x128xf32>
    %get3A_35 = vector.shape_cast %get3A_34 : vector<1x128x128xf32> to vector<128x128xf32>
    %dot_general3A_36 = arith.constant dense<0.000000e+00> : vector<2000x128xf32>
    %dot_general3A_37 = tpu.matmul %select_n3A, %get3A_35, %dot_general3A_36 {dimension_numbers = #tpu.dot_dimension_numbers<[1], [1], [0], [0], [0, 0, 1, 0], [], []>, transpose_lhs_hint = false} : vector<2000x128xf32>, vector<128x128xf32>, vector<2000x128xf32> -> vector<2000x128xf32>
    %get3A_38 = arith.constant 0 : index
    %get3A_39 = arith.constant 0 : index
    %get3A_40 = arith.constant 0 : index
    %get3A_41 = vector.load %arg7[%get3A_38, %get3A_39, %get3A_40] : memref<1x1x128xf32, #tpu.memory_space<vmem>>, vector<1x1x128xf32>
    %get3A_42 = vector.shape_cast %get3A_41 : vector<1x1x128xf32> to vector<128xf32>
    %broadcast_in_dim3A_43 = vector.shape_cast %get3A_42 : vector<128xf32> to vector<1x128xf32>
    %add3A_44 = vector.broadcast %broadcast_in_dim3A_43 : vector<1x128xf32> to vector<2000x128xf32>
    %add3A_45 = arith.addf %dot_general3A_37, %add3A_44 : vector<2000x128xf32>
    %swap3A_46 = arith.constant 0 : index
    %swap3A_47 = arith.constant 0 : index
    %swap3A_48 = arith.constant 0 : index
    %swap3A_49 = vector.load %arg9[%swap3A_46, %swap3A_47, %swap3A_48] : memref<1x2000x128xf32, #tpu.memory_space<vmem>>, vector<1x2000x128xf32>
    %swap3A_50 = vector.shape_cast %swap3A_49 : vector<1x2000x128xf32> to vector<2000x128xf32>
    %swap3A_51 = vector.shape_cast %add3A_45 : vector<2000x128xf32> to vector<1x2000x128xf32>
    tpu.vector_store %arg9[%swap3A_46, %swap3A_47, %swap3A_48], %swap3A_51 {strides = array<i32>} : memref<1x2000x128xf32, #tpu.memory_space<vmem>>, vector<1x2000x128xf32>,
    return
  }
  func.func @transform_0(%arg0: i32, %arg1: i32) -> (i32, i32, i32) {
    %c0_i32 = arith.constant 0 : i32
    %c0_i32_0 = arith.constant 0 : i32
    return %arg0, %arg1, %c0_i32 : i32, i32, i32
  }
  func.func @transform_1(%arg0: i32, %arg1: i32) -> (i32, i32, i32) {
    %c0_i32 = arith.constant 0 : i32
    %c0_i32_0 = arith.constant 0 : i32
    %c0_i32_1 = arith.constant 0 : i32
    return %arg0, %c0_i32, %c0_i32_0 : i32, i32, i32
  }
  func.func @transform_2(%arg0: i32, %arg1: i32) -> (i32, i32, i32) {
    %c0_i32 = arith.constant 0 : i32
    %c0_i32_0 = arith.constant 0 : i32
    %c0_i32_1 = arith.constant 0 : i32
    return %arg0, %c0_i32, %c0_i32_0 : i32, i32, i32
  }
  func.func @transform_3(%arg0: i32, %arg1: i32) -> (i32, i32, i32) {
    %c0_i32 = arith.constant 0 : i32
    %c0_i32_0 = arith.constant 0 : i32
    %c0_i32_1 = arith.constant 0 : i32
    return %arg0, %c0_i32, %c0_i32_0 : i32, i32, i32
  }
  func.func @transform_4(%arg0: i32, %arg1: i32) -> (i32, i32, i32) {
    %c0_i32 = arith.constant 0 : i32
    %c0_i32_0 = arith.constant 0 : i32
    %c0_i32_1 = arith.constant 0 : i32
    return %arg0, %c0_i32, %c0_i32_0 : i32, i32, i32
  }
  func.func @transform_5(%arg0: i32, %arg1: i32) -> (i32, i32, i32) {
    %c0_i32 = arith.constant 0 : i32
    %c0_i32_0 = arith.constant 0 : i32
    %c0_i32_1 = arith.constant 0 : i32
    return %arg0, %c0_i32, %c0_i32_0 : i32, i32, i32
  }
  func.func @transform_6(%arg0: i32, %arg1: i32) -> (i32, i32, i32) {
    %c0_i32 = arith.constant 0 : i32
    %c0_i32_0 = arith.constant 0 : i32
    return %arg0, %arg1, %c0_i32 : i32, i32, i32
  }
  func.func @transform_7(%arg0: i32, %arg1: i32) -> (i32, i32, i32) {
    %c0_i32 = arith.constant 0 : i32
    %c0_i32_0 = arith.constant 0 : i32
    return %arg0, %arg1, %c0_i32 : i32, i32, i32
  }
}

module attributes {stable_mosaic.version = 14 : i64} {
  func.func @_mid_body(%arg0: i32, %arg1: i32, %arg2: memref<1x2000x128xf32, #tpu.memory_space<vmem>>, %arg3: memref<1x2000x128xf32, #tpu.memory_space<vmem>>, %arg4: memref<1x2000x128xf32, #tpu.memory_space<vmem>>, %arg5: memref<1x128x128xf32, #tpu.memory_space<vmem>>, %arg6: memref<1x128x128xf32, #tpu.memory_space<vmem>>, %arg7: memref<1x1x128xf32, #tpu.memory_space<vmem>>, %arg8: memref<1x2000x128xf32, #tpu.memory_space<vmem>>, %arg9: memref<1x2000x128xf32, #tpu.memory_space<vmem>>) attributes {dimension_semantics = [#tpu.dimension_semantics<arbitrary>, #tpu.dimension_semantics<arbitrary>], iteration_bounds = array<i64: 2, 5>, scalar_prefetch = 0 : i64, scratch_operands = 0 : i64, tpu.core_type = #tpu.core_type<tc>, window_params = [{transform_indices = @transform_0, window_bounds = array<i64: 1, 2000, 128>}, {transform_indices = @transform_1, window_bounds = array<i64: 1, 2000, 128>}, {transform_indices = @transform_2, window_bounds = array<i64: 1, 2000, 128>}, {transform_indices = @transform_3, window_bounds = array<i64: 1, 128, 128>}, {transform_indices = @transform_4, window_bounds = array<i64: 1, 128, 128>}, {transform_indices = @transform_5, window_bounds = array<i64: 1, 1, 128>}, {transform_indices = @transform_6, window_bounds = array<i64: 1, 2000, 128>}, {transform_indices = @transform_7, window_bounds = array<i64: 1, 2000, 128>}]} {
    %get3A = arith.constant 0 : index
    %get3A_0 = arith.constant 0 : index
    %get3A_1 = arith.constant 0 : index
    %get3A_2 = vector.load %arg4[%get3A, %get3A_0, %get3A_1] : memref<1x2000x128xf32, #tpu.memory_space<vmem>>, vector<1x2000x128xf32>
    %get3A_3 = vector.shape_cast %get3A_2 : vector<1x2000x128xf32> to vector<2000x128xf32>
    %slice3A = vector.extract_strided_slice %get3A_3 {offsets = [0, 0], sizes = [2000, 1], strides = [1, 1]} : vector<2000x128xf32> to vector<2000x1xf32>
    %max3A = arith.constant 1.000000e+00 : f32
    %max3A_4 = vector.broadcast %max3A : f32 to vector<2000x1xf32>
    %max3A_5 = arith.maximumf %slice3A, %max3A_4 : vector<2000x1xf32>
    %get3A_6 = arith.constant 0 : index
    %get3A_7 = arith.constant 0 : index
    %get3A_8 = arith.constant 0 : index
    %get3A_9 = vector.load %arg2[%get3A_6, %get3A_7, %get3A_8] : memref<1x2000x128xf32, #tpu.memory_space<vmem>>, vector<1x2000x128xf32>
    %get3A_10 = vector.shape_cast %get3A_9 : vector<1x2000x128xf32> to vector<2000x128xf32>
    %get3A_11 = arith.constant 0 : index
    %get3A_12 = arith.constant 0 : index
    %get3A_13 = arith.constant 0 : index
    %get3A_14 = vector.load %arg3[%get3A_11, %get3A_12, %get3A_13] : memref<1x2000x128xf32, #tpu.memory_space<vmem>>, vector<1x2000x128xf32>
    %get3A_15 = vector.shape_cast %get3A_14 : vector<1x2000x128xf32> to vector<2000x128xf32>
    %div3A = vector.broadcast %max3A_5 : vector<2000x1xf32> to vector<2000x128xf32>
    %div3A_16 = arith.divf %get3A_15, %div3A : vector<2000x128xf32>
    %add3A = arith.addf %get3A_10, %div3A_16 : vector<2000x128xf32>
    %max3A_17 = arith.constant 0.000000e+00 : f32
    %max3A_18 = vector.broadcast %max3A_17 : f32 to vector<2000x128xf32>
    %max3A_19 = arith.maximumf %add3A, %max3A_18 : vector<2000x128xf32>
    %get3A_20 = arith.constant 0 : index
    %get3A_21 = arith.constant 0 : index
    %get3A_22 = arith.constant 0 : index
    %get3A_23 = vector.load %arg5[%get3A_20, %get3A_21, %get3A_22] : memref<1x128x128xf32, #tpu.memory_space<vmem>>, vector<1x128x128xf32>
    %get3A_24 = vector.shape_cast %get3A_23 : vector<1x128x128xf32> to vector<128x128xf32>
    %dot_general3A = arith.constant dense<0.000000e+00> : vector<2000x128xf32>
    %dot_general3A_25 = tpu.matmul %max3A_19, %get3A_24, %dot_general3A {dimension_numbers = #tpu.dot_dimension_numbers<[1], [1], [0], [0], [0, 0, 1, 0], [], []>, transpose_lhs_hint = false} : vector<2000x128xf32>, vector<128x128xf32>, vector<2000x128xf32> -> vector<2000x128xf32>
    %swap3A = arith.constant 0 : index
    %swap3A_26 = arith.constant 0 : index
    %swap3A_27 = arith.constant 0 : index
    %swap3A_28 = vector.load %arg8[%swap3A, %swap3A_26, %swap3A_27] : memref<1x2000x128xf32, #tpu.memory_space<vmem>>, vector<1x2000x128xf32>
    %swap3A_29 = vector.shape_cast %swap3A_28 : vector<1x2000x128xf32> to vector<2000x128xf32>
    %swap3A_30 = vector.shape_cast %dot_general3A_25 : vector<2000x128xf32> to vector<1x2000x128xf32>
    tpu.vector_store %arg8[%swap3A, %swap3A_26, %swap3A_27], %swap3A_30 {strides = array<i32>} : memref<1x2000x128xf32, #tpu.memory_space<vmem>>, vector<1x2000x128xf32>,
    %get3A_31 = arith.constant 0 : index
    %get3A_32 = arith.constant 0 : index
    %get3A_33 = arith.constant 0 : index
    %get3A_34 = vector.load %arg6[%get3A_31, %get3A_32, %get3A_33] : memref<1x128x128xf32, #tpu.memory_space<vmem>>, vector<1x128x128xf32>
    %get3A_35 = vector.shape_cast %get3A_34 : vector<1x128x128xf32> to vector<128x128xf32>
    %dot_general3A_36 = arith.constant dense<0.000000e+00> : vector<2000x128xf32>
    %dot_general3A_37 = tpu.matmul %max3A_19, %get3A_35, %dot_general3A_36 {dimension_numbers = #tpu.dot_dimension_numbers<[1], [1], [0], [0], [0, 0, 1, 0], [], []>, transpose_lhs_hint = false} : vector<2000x128xf32>, vector<128x128xf32>, vector<2000x128xf32> -> vector<2000x128xf32>
    %get3A_38 = arith.constant 0 : index
    %get3A_39 = arith.constant 0 : index
    %get3A_40 = arith.constant 0 : index
    %get3A_41 = vector.load %arg7[%get3A_38, %get3A_39, %get3A_40] : memref<1x1x128xf32, #tpu.memory_space<vmem>>, vector<1x1x128xf32>
    %get3A_42 = vector.shape_cast %get3A_41 : vector<1x1x128xf32> to vector<128xf32>
    %broadcast_in_dim3A = vector.shape_cast %get3A_42 : vector<128xf32> to vector<1x128xf32>
    %add3A_43 = vector.broadcast %broadcast_in_dim3A : vector<1x128xf32> to vector<2000x128xf32>
    %add3A_44 = arith.addf %dot_general3A_37, %add3A_43 : vector<2000x128xf32>
    %swap3A_45 = arith.constant 0 : index
    %swap3A_46 = arith.constant 0 : index
    %swap3A_47 = arith.constant 0 : index
    %swap3A_48 = vector.load %arg9[%swap3A_45, %swap3A_46, %swap3A_47] : memref<1x2000x128xf32, #tpu.memory_space<vmem>>, vector<1x2000x128xf32>
    %swap3A_49 = vector.shape_cast %swap3A_48 : vector<1x2000x128xf32> to vector<2000x128xf32>
    %swap3A_50 = vector.shape_cast %add3A_44 : vector<2000x128xf32> to vector<1x2000x128xf32>
    tpu.vector_store %arg9[%swap3A_45, %swap3A_46, %swap3A_47], %swap3A_50 {strides = array<i32>} : memref<1x2000x128xf32, #tpu.memory_space<vmem>>, vector<1x2000x128xf32>,
    return
  }
  func.func @transform_0(%arg0: i32, %arg1: i32) -> (i32, i32, i32) {
    %c0_i32 = arith.constant 0 : i32
    %c0_i32_0 = arith.constant 0 : i32
    return %arg0, %arg1, %c0_i32 : i32, i32, i32
  }
  func.func @transform_1(%arg0: i32, %arg1: i32) -> (i32, i32, i32) {
    %c0_i32 = arith.constant 0 : i32
    %c0_i32_0 = arith.constant 0 : i32
    return %arg0, %arg1, %c0_i32 : i32, i32, i32
  }
  func.func @transform_2(%arg0: i32, %arg1: i32) -> (i32, i32, i32) {
    %c0_i32 = arith.constant 0 : i32
    %c0_i32_0 = arith.constant 0 : i32
    return %arg0, %arg1, %c0_i32 : i32, i32, i32
  }
  func.func @transform_3(%arg0: i32, %arg1: i32) -> (i32, i32, i32) {
    %c0_i32 = arith.constant 0 : i32
    %c0_i32_0 = arith.constant 0 : i32
    %c0_i32_1 = arith.constant 0 : i32
    return %arg0, %c0_i32, %c0_i32_0 : i32, i32, i32
  }
  func.func @transform_4(%arg0: i32, %arg1: i32) -> (i32, i32, i32) {
    %c0_i32 = arith.constant 0 : i32
    %c0_i32_0 = arith.constant 0 : i32
    %c0_i32_1 = arith.constant 0 : i32
    return %arg0, %c0_i32, %c0_i32_0 : i32, i32, i32
  }
  func.func @transform_5(%arg0: i32, %arg1: i32) -> (i32, i32, i32) {
    %c0_i32 = arith.constant 0 : i32
    %c0_i32_0 = arith.constant 0 : i32
    %c0_i32_1 = arith.constant 0 : i32
    return %arg0, %c0_i32, %c0_i32_0 : i32, i32, i32
  }
  func.func @transform_6(%arg0: i32, %arg1: i32) -> (i32, i32, i32) {
    %c0_i32 = arith.constant 0 : i32
    %c0_i32_0 = arith.constant 0 : i32
    return %arg0, %arg1, %c0_i32 : i32, i32, i32
  }
  func.func @transform_7(%arg0: i32, %arg1: i32) -> (i32, i32, i32) {
    %c0_i32 = arith.constant 0 : i32
    %c0_i32_0 = arith.constant 0 : i32
    return %arg0, %arg1, %c0_i32 : i32, i32, i32
  }
}

module attributes {stable_mosaic.version = 14 : i64} {
  func.func @_fin_body(%arg0: i32, %arg1: i32, %arg2: memref<1x2000x128xf32, #tpu.memory_space<vmem>>, %arg3: memref<1x2000x128xf32, #tpu.memory_space<vmem>>, %arg4: memref<1x2000x128xf32, #tpu.memory_space<vmem>>, %arg5: memref<1x2000x128xf32, #tpu.memory_space<vmem>>) attributes {dimension_semantics = [#tpu.dimension_semantics<arbitrary>, #tpu.dimension_semantics<arbitrary>], iteration_bounds = array<i64: 2, 5>, scalar_prefetch = 0 : i64, scratch_operands = 0 : i64, tpu.core_type = #tpu.core_type<tc>, window_params = [{transform_indices = @transform_0, window_bounds = array<i64: 1, 2000, 128>}, {transform_indices = @transform_1, window_bounds = array<i64: 1, 2000, 128>}, {transform_indices = @transform_2, window_bounds = array<i64: 1, 2000, 128>}, {transform_indices = @transform_3, window_bounds = array<i64: 1, 2000, 128>}]} {
    %get3A = arith.constant 0 : index
    %get3A_0 = arith.constant 0 : index
    %get3A_1 = arith.constant 0 : index
    %get3A_2 = vector.load %arg4[%get3A, %get3A_0, %get3A_1] : memref<1x2000x128xf32, #tpu.memory_space<vmem>>, vector<1x2000x128xf32>
    %get3A_3 = vector.shape_cast %get3A_2 : vector<1x2000x128xf32> to vector<2000x128xf32>
    %slice3A = vector.extract_strided_slice %get3A_3 {offsets = [0, 0], sizes = [2000, 1], strides = [1, 1]} : vector<2000x128xf32> to vector<2000x1xf32>
    %max3A = arith.constant 1.000000e+00 : f32
    %max3A_4 = vector.broadcast %max3A : f32 to vector<2000x1xf32>
    %max3A_5 = arith.maximumf %slice3A, %max3A_4 : vector<2000x1xf32>
    %get3A_6 = arith.constant 0 : index
    %get3A_7 = arith.constant 0 : index
    %get3A_8 = arith.constant 0 : index
    %get3A_9 = vector.load %arg2[%get3A_6, %get3A_7, %get3A_8] : memref<1x2000x128xf32, #tpu.memory_space<vmem>>, vector<1x2000x128xf32>
    %get3A_10 = vector.shape_cast %get3A_9 : vector<1x2000x128xf32> to vector<2000x128xf32>
    %get3A_11 = arith.constant 0 : index
    %get3A_12 = arith.constant 0 : index
    %get3A_13 = arith.constant 0 : index
    %get3A_14 = vector.load %arg3[%get3A_11, %get3A_12, %get3A_13] : memref<1x2000x128xf32, #tpu.memory_space<vmem>>, vector<1x2000x128xf32>
    %get3A_15 = vector.shape_cast %get3A_14 : vector<1x2000x128xf32> to vector<2000x128xf32>
    %div3A = vector.broadcast %max3A_5 : vector<2000x1xf32> to vector<2000x128xf32>
    %div3A_16 = arith.divf %get3A_15, %div3A : vector<2000x128xf32>
    %add3A = arith.addf %get3A_10, %div3A_16 : vector<2000x128xf32>
    %max3A_17 = arith.constant 0.000000e+00 : f32
    %max3A_18 = vector.broadcast %max3A_17 : f32 to vector<2000x128xf32>
    %max3A_19 = arith.maximumf %add3A, %max3A_18 : vector<2000x128xf32>
    %swap3A = arith.constant 0 : index
    %swap3A_20 = arith.constant 0 : index
    %swap3A_21 = arith.constant 0 : index
    %swap3A_22 = vector.load %arg5[%swap3A, %swap3A_20, %swap3A_21] : memref<1x2000x128xf32, #tpu.memory_space<vmem>>, vector<1x2000x128xf32>
    %swap3A_23 = vector.shape_cast %swap3A_22 : vector<1x2000x128xf32> to vector<2000x128xf32>
    %swap3A_24 = vector.shape_cast %max3A_19 : vector<2000x128xf32> to vector<1x2000x128xf32>
    tpu.vector_store %arg5[%swap3A, %swap3A_20, %swap3A_21], %swap3A_24 {strides = array<i32>} : memref<1x2000x128xf32, #tpu.memory_space<vmem>>, vector<1x2000x128xf32>,
    return
  }
  func.func @transform_0(%arg0: i32, %arg1: i32) -> (i32, i32, i32) {
    %c0_i32 = arith.constant 0 : i32
    %c0_i32_0 = arith.constant 0 : i32
    return %arg0, %arg1, %c0_i32 : i32, i32, i32
  }
  func.func @transform_1(%arg0: i32, %arg1: i32) -> (i32, i32, i32) {
    %c0_i32 = arith.constant 0 : i32
    %c0_i32_0 = arith.constant 0 : i32
    return %arg0, %arg1, %c0_i32 : i32, i32, i32
  }
  func.func @transform_2(%arg0: i32, %arg1: i32) -> (i32, i32, i32) {
    %c0_i32 = arith.constant 0 : i32
    %c0_i32_0 = arith.constant 0 : i32
    return %arg0, %arg1, %c0_i32 : i32, i32, i32
  }
  func.func @transform_3(%arg0: i32, %arg1: i32) -> (i32, i32, i32) {
    %c0_i32 = arith.constant 0 : i32
    %c0_i32_0 = arith.constant 0 : i32
    return %arg0, %arg1, %c0_i32 : i32, i32, i32
  }
}

</mosaic_0001>

<sc_bundles>
// kernel: kernel.10.cloned.1.call-start
scs
__scs_entry_jumppad:
0x0: {  	(pc) =	sbr.rel $0x88, $3  }
0x1: {  	(tag) =	ssettag $0x0;
	lr =	simm.s32 $0x1  }
0x2: {  	[smem:$0x3F8D] =	sst lr;
	_ =	strace $0xD0000000  }
0x3: {  	_ = 	snop  }
0x4: {  	_ = 	snop  }
0x5: {  	_ = 	snop  }
0x6: {  	_ = 	snop  }
0x7: {  	_ = 	snop  }
__scs_overlays_trampoline_lowered:
0x8: {  	[smem:$0x3F9C] =	sst s0  }
0x9: {  	[smem:$0x3F9D] =	sst s1  }
0xa: {  	[smem:$0x3F9E] =	sst s2  }
0xb: {  	[smem:$0x3F9F] =	sst s3  }
0xc: {  	[smem:$0x3FA0] =	sst s4  }
0xd: {  	[smem:$0x3FA1] =	sst s5  }
0xe: {  	[smem:$0x3FA2] =	sst s6  }
0xf: {  	[smem:$0x3FA3] =	sst s7  }
0x10: {  	[smem:$0x3FA4] =	sst s8  }
0x11: {  	[smem:$0x3FA5] =	sst s9;
	s0 =	simm.s32 @!p0 $0x0  }
0x12: {  	s1 =	sld [smem:$0x3F8B];
	s0 =	simm.s32 @p0 $0x1  }
0x13: {  	[smem:$0x3FA6] =	sst s0;
	s0 =	simm.s32 @!p1 $0x0  }
0x14: {  	s2 =	sld [smem:$0x3F8A];
	s0 =	simm.s32 @p1 $0x1  }
0x15: {  	[smem:$0x3FA7] =	sst s0;
	s0 =	simm.s32 @!p2 $0x0  }
0x16: {  	s3 =	sld [smem:$0x3FDB];
	s0 =	simm.s32 @p2 $0x1  }
0x17: {  	s4 =	simm.s32 $0x1BF5;
	[smem:$0x3FA9] =	sst s0  }
0x18: {  	s0 =	sld [smem:$0x3F8C];
	_ =	swait.ge [sflag:s4], $0x0  }
0x19: {  	s7 =	sld [smem:$0x3F8D]  }
0x1a: {  	s8 =	sadd.s32 $0xFFFFE003, lr  }
0x1b: {  	s9 =	sadd.s32 $0xFFFFFEF7, lr;
	s5 =	simm.s32 $0xFFFFFFFF;
	p2 =	slt.u32 s8, $0xFFFFF086  }
0x1c: {  	p1 =	slt.u32 s9, $0xF7A;
	s5 =	simm.s32 @!p2 $0x0  }
0x1d: {  	s5 =	simm.s32 @p1 $0x1;
	p0 =	seq.s32 s7, s2  }
0x1e: {  	s7 =	smul.u32 @!p0 $0xF7A, s2;
	p2 =	seq.s32 @!p0 s5, $0x0  }
0x1f: {  	s9 =	smul.u32 $0xF7A, s1;
	s8 =	simm.s32 @!p0 $0x1BF5;
	p2 =	por !p2, p0  }
0x20: {  	[sflag:s8] =	ssyncset.s32 @!p0 $0xFFFFF086;
	s6 =	sadd.s32 @!p0 s3, s7;
	s7 =	simm.s32 @!p0 $0x108  }
0x21: {  	s3 =	sadd.s32 s3, s9;
	s6 =	sadd.s32 @!p0 $0x88, s6;
	s7 =	simm.s32 @p2 $0x1082  }
0x22: {  	[simem:s7], [sflag:s8] =	dma.local @!p0 [hbm:s6], $0xF7A  }
0x23: {  	s9 =	sor.u32 $0xD0000000, s2;
	s6 =	simm.s32 $0x108;
	_ =	swait.ge @!p0 [sflag:s8], $0x0  }
0x24: {  	s3 =	sadd.s32 $0x88, s3;
	s6 =	simm.s32 @!p1 $0x1082;
	[sflag:s4] =	ssyncset.s32 $0xFFFFF086  }
0x25: {  	[simem:s6], [sflag:s4] =	dma.local [hbm:s3], $0xF7A  }
0x26: {  	[smem:$0x3F8D] =	sst s1;
	(tag) =	ssettag s2;
	_ =	strace s9  }
0x27: {  	s1 =	sld [smem:$0x3F9D]  }
0x28: {  	s2 =	sld [smem:$0x3F9E]  }
0x29: {  	s4 =	sld [smem:$0x3FA0]  }
0x2a: {  	p0 =	seq.s32 s5, $0x0;
	s5 =	sld [smem:$0x3FA1]  }
0x2b: {  	s6 =	sld [smem:$0x3FA2]  }
0x2c: {  	s7 =	sld [smem:$0x3FA3]  }
0x2d: {  	s3 =	simm.s32 $0x108;
	s8 =	sld [smem:$0x3FA4]  }
0x2e: {  	s3 =	simm.s32 @!p0 $0x1082;
	s9 =	sld [smem:$0x3FA5]  }
0x2f: {  	lr =	sadd.s32 s0, s3;
	s0 =	sld [smem:$0x3F9C]  }
0x30: {  	s3 =	sld [smem:$0x3F9F]  }
0x31: {  	[smem:$0x3FA8] =	sst s10  }
0x32: {  	s10 =	sld [smem:$0x3FA6];
	_ =	sdelay $0x3  }
0x33: {  	p0 =	seq.s32 s10, $0x1;
	s10 =	sld [smem:$0x3FA8];
	_ =	sdelay $0x3  }
0x34: {  	[smem:$0x3FA8] =	sst s10  }
0x35: {  	s10 =	sld [smem:$0x3FA7];
	_ =	sdelay $0x3  }
0x36: {  	p1 =	seq.s32 s10, $0x1;
	s10 =	sld [smem:$0x3FA8];
	_ =	sdelay $0x3  }
0x37: {  	[smem:$0x3FA8] =	sst s10  }
0x38: {  	s10 =	sld [smem:$0x3FA9]  }
0x39: {  	_ = 	snop;
	(pc) =	sbr.ind lr, $3  }
0x3a: {  	_ = 	snop  }
0x3b: {  	_ = 	snop  }
0x3c: {  	p2 =	seq.s32 s10, $0x1;
	s10 =	sld [smem:$0x3FA8]  }
0x3d: {  	_ =	shalt  }
0x3e: {  	_ =	shalt  }
0x3f: {  	_ =	shalt  }
0x40: {  	_ =	shalt  }
0x41: {  	_ =	shalt  }
0x42: {  	_ =	shalt  }
0x43: {  	_ =	shalt  }
0x44: {  	_ =	shalt  }
0x45: {  	_ =	shalt  }
0x46: {  	_ =	shalt  }
0x47: {  	_ =	shalt  }
0x48: {  	_ =	shalt  }
0x49: {  	_ =	shalt  }
0x4a: {  	_ =	shalt  }
0x4b: {  	_ =	shalt  }
0x4c: {  	_ =	shalt  }
0x4d: {  	_ =	shalt  }
0x4e: {  	_ =	shalt  }
0x4f: {  	_ =	shalt  }
0x50: {  	_ =	shalt  }
0x51: {  	_ =	shalt  }
0x52: {  	_ =	shalt  }
0x53: {  	_ =	shalt  }
0x54: {  	_ =	shalt  }
0x55: {  	_ =	shalt  }
0x56: {  	_ =	shalt  }
0x57: {  	_ =	shalt  }
0x58: {  	_ =	shalt  }
0x59: {  	_ =	shalt  }
0x5a: {  	_ =	shalt  }
0x5b: {  	_ =	shalt  }
0x5c: {  	_ =	shalt  }
0x5d: {  	_ =	shalt  }
0x5e: {  	_ =	shalt  }
0x5f: {  	_ =	shalt  }
0x60: {  	_ =	shalt  }
0x61: {  	_ =	shalt  }
0x62: {  	_ =	shalt  }
0x63: {  	_ =	shalt  }
0x64: {  	_ =	shalt  }
0x65: {  	_ =	shalt  }
0x66: {  	_ =	shalt  }
0x67: {  	_ =	shalt  }
0x68: {  	_ =	shalt  }
0x69: {  	_ =	shalt  }
0x6a: {  	_ =	shalt  }
0x6b: {  	_ =	shalt  }
0x6c: {  	_ =	shalt  }
0x6d: {  	_ =	shalt  }
0x6e: {  	_ =	shalt  }
0x6f: {  	_ =	shalt  }
0x70: {  	_ =	shalt  }
0x71: {  	_ =	shalt  }
0x72: {  	_ =	shalt  }
0x73: {  	_ =	shalt  }
0x74: {  	_ =	shalt  }
0x75: {  	_ =	shalt  }
0x76: {  	_ =	shalt  }
0x77: {  	_ =	shalt  }
0x78: {  	_ =	shalt  }
0x79: {  	_ =	shalt  }
0x7a: {  	_ =	shalt  }
0x7b: {  	_ =	shalt  }
0x7c: {  	_ =	shalt  }
0x7d: {  	_ =	shalt  }
0x7e: {  	_ =	shalt  }
0x7f: {  	_ =	shalt  }
0x80: {  	_ =	shalt  }
0x81: {  	_ =	shalt  }
0x82: {  	_ =	shalt  }
0x83: {  	_ =	shalt  }
0x84: {  	_ =	shalt  }
0x85: {  	_ =	shalt  }
0x86: {  	_ =	shalt  }
0x87: {  	_ =	shalt  }
.Lfunc_end0:
.L_simem_size_0:
called_computation.1_lowered:
.L_overlay_start_0:
0x88: {  	s2 =	sld [smem:$0x3FD9]  }
0x89: {  	s3 =	sld [smem:$0x3FFE];
	_ =	sdelay $0x1  }
0x8a: {  	s1 =	srdreg.scid  }
0x8b: {  	s0 =	sand.u32 $0x1, s1  }
0x8c: {  	s14 =	sshll.u32 s0, $0xA;
	s2 =	sadd.s32 s3, s2  }
0x8d: {  	s2 =	sadd.s32 s2, s14  }
0x8e: {  	[smem:$0x3FB4] =	sst s2  }
0x8f: {  	_ = 	snop  }
0x90: {  	s2 =	sld [smem:$0x3FD0];
	_ =	sdelay $0x2  }
0x91: {  	s15 =	simm.s32 $0xA;
	s4 =	simm.s32 $0x10  }
0x92: {  	[smem:s4], [sflag:s15] =	dma.local [hbm:s2], $0x1  }
0x93: {  	_ =	swait.eq [sflag:s15], $0x1  }
0x94: {  	[sflag:s15] =	ssyncset.done $0x0  }
0x95: {  	[sflag:s15] =	ssyncadd.s32 $0xFFFFFFFF  }
0x96: {  	s16 =	sld [smem:$0x10];
	(tm) =	ssettm $0x1  }
0x97: {  	s17 =	sld [smem:$0x3FFB];
	_ =	sdelay $0x3  }
0x98: {  	_ =	strace s17  }
0x99: {  	s3 =	sld [smem:$0x3FFC];
	_ =	sdelay $0x3  }
0x9a: {  	_ =	strace s3  }
0x9b: {  	s3 =	sld [smem:$0x3FFD];
	_ =	sdelay $0x3  }
0x9c: {  	_ =	strace s3  }
0x9d: {  	_ =	strace $0x8FFFFFFF  }
0x9e: {  	s18 =	sld [smem:$0x3FDB];
	_ =	sdelay $0x1  }
0x9f: {  	s19 =	simm.s32 $_scs_section_size  }
0xa0: {  	s5 =	simm.s32 $_size__tile_overlayer_lowered;
	s6 =	simm.s32 $_tile_overlayer_lowered  }
0xa1: {  	s22 =	simm.s32 $0x1BFF;
	s21 =	sshll.u32 s6, $0x1;
	s3 =	sadd.s32 s19, s18  }
0xa2: {  	s7 =	simm.s32 $0x0;
	s20 =	sshll.u32 s5, $0x1;
	s5 =	sadd.s32 s21, s3  }
0xa3: {  	[timem:s7], [sflag:s22] =	dma.local [hbm:s5], s20  }
0xa4: {  	_ =	swait.ge [sflag:s22], s20  }
0xa5: {  	s4 =	ssub.s32 $0x0, s20;
	[sflag:s22] =	ssyncset.done $0x0  }
0xa6: {  	[sflag:s22] =	ssyncadd.s32 s4;
	_ =	sdelay $0x1  }
0xa7: {  	s23 =	simm.s32 $0x1B8B  }
0xa8: {  	_ =	swait.ge [sflag:s23], $0x1  }
0xa9: {  	[sflag:s23] =	ssyncset.done $0x0  }
0xaa: {  	s25 =	simm.s32 $0x1B8E;
	s24 =	sld [smem:$0x3FFE];
	[sflag:s23] =	ssyncadd.s32 $0xFFFFFFFF  }
0xab: {  	s26 =	simm.s32 $execute0_lowered;
	[smem:$0x3FD2] =	sst s25  }
0xac: {  	s5 =	sshll.u32 s26, $0x1;
	_ =	strace $0x80000049;
	[dreg:$0x1] =	wrdreg $0xFFFFFFFF  }
0xad: {  	s28 =	simm.s32 $_size_execute0_lowered;
	s3 =	sadd.s32 s3, s5;
	[dreg:$0x0] =	wrdreg $0x0  }
0xae: {  	s5 =	sshll.u32 s28, $0x1;
	[dreg:$0x2] =	wrdreg s3  }
0xaf: {  	[dreg:$0x3] =	wrdreg s5  }
0xb0: {  	[dreg:$0x4] =	wrdreg $0xC0  }
0xb1: {  	_ =	task [dreg:s7], $0x5FFFF  }
0xb2: {  	[dreg:$0x1] =	wrdreg $0xFFFFFFFF  }
0xb3: {  	[dreg:$0x0] =	wrdreg $0x60  }
0xb4: {  	[dreg:$0x2] =	wrdreg s24  }
0xb5: {  	[dreg:$0x3] =	wrdreg s16  }
0xb6: {  	[dreg:$0x4] =	wrdreg $0xA4000  }
0xb7: {  	[dreg:$0x5] =	wrdreg $0x9  }
0xb8: {  	_ =	task.clear_ibuf [dreg:s7], $0x6FFFF;
	_ =	strace $0x90000049  }
0xb9: {  	s29 =	simm.s32 $0x9;
	_ =	strace $0x8000004B  }
0xba: {  	_ =	swait.ge [sflag:s29], $0x1  }
0xbb: {  	[sflag:s29] =	ssyncadd.s32 $0xFFFFFFFF  }
0xbc: {  	_ =	strace $0x9000004B  }
0xbd: {  	_ =	sfence  }
0xbe: {  	s30 =	sld [smem:$0x0];
	_ =	sdelay $0x2  }
0xbf: {  	s31 =	sshll.u32 s1, $0xD;
	s1 =	sshrl.u32 s1, $0x2  }
0xc0: {  	s3 =	sand.u32 $0x4000, s31;
	s1 =	sadd.s32 s1, s30  }
0xc1: {  	s0 =	sor.u32 s3, s0;
	s1 =	sshll.u32 s1, $0x11  }
0xc2: {  	s0 =	sor.u32 s1, s0  }
0xc3: {  	s0 =	sadd.s32 $0x8F2B, s0  }
0xc4: {  	[sflag:s0] =	ssyncadd.remote.s32 $0x1  }
0xc5: {  	_ =	sfence.sel $0xFFFF  }
0xc6: {  	[dreg:$0x0] =	wrdreg $0xFFFFFFFF;
	(pc) =	sbr.abs _section_cstart, $3  }
0xc7: {  	[dreg:$0x1] =	wrdreg $0xFFFFFFFF  }
0xc8: {  	_ =	task.clear_ibuf [dreg:s7], $0x2FFFF;
	_ =	strace $0x9FFFFFFF  }
0xc9: {  	(tm) =	ssettm $0x7FFFFFFF  }
tec
execute0_lowered:
.L_overlay_start_1:
0x0: {  	(tag) =	ssettag $0x1  }
0x1: {  	s6 =	rddreg [dreg:$0x0]  }
0x2: {  	s1 =	rddreg [dreg:$0x1]  }
0x3: {  	s2 =	rddreg [dreg:$0x2]  }
0x4: {  	s0 =	rddreg [dreg:$0x3];
	s4 =	simm.s32 $0x0  }
0x5: {  	s5 =	srdreg.scid;
	s3 =	stileid.u32;
	s18 =	simm.s32 $0x50  }
0x6: {  	s19 =	simm.s32 $0x80;
	s20 =	simm.s32 $0x400;
	[smem:$0x7FF] =	sst s4  }
0x7: {  	s9 =	sand.u32 $0x1, s5;
	s5 =	sadd.s32 $0x3C00, s6;
	s7 =	smul.u32 $0x4E000, s3  }
0x8: {  	s13 =	sadd.s32 $0x51E00, s6;
	s11 =	sadd.s32 $0x90600, s6;
	s12 =	smul.u32 $0x13800, s3  }
0x9: {  	s28 =	sshll.u32 s3, $0x6;
	s15 =	smul.u32 $0xFA, s3;
	s16 =	sadd.s32 $0x138000, s2  }
0xa: {  	s17 =	smul.u32 $0x1F40, s3;
	p0 =	sne.s32 s3, $0xF;
	_ =	strace $0x8000004A  }
0xb: {  	s8 =	sxor.u32 $0x1, s9;
	s10 =	ssub.s32 $0x2, s9;
	s26 =	smul.u32 $0xFA0, s9  }
0xc: {  	s6 =	sor.u32 $0x1C0D, s28;
	s31 =	smul.u32 $0x1F400, s9;
	s16 =	sshrl.u32 @!p0 s16, $0x3  }
0xd: {  	s8 =	smul.u32 $0x138800, s8;
	s24 =	sshrl.u32 s10, $0x1;
	s25 =	sshrl.u32 s7, $0x2  }
0xe: {  	s10 =	ssub.s32 s10, s24;
	s14 =	sadd.s32 s25, s2;
	s15 =	sadd.s32 s15, s26  }
0xf: {  	s12 =	sadd.s32 s12, s8;
	s8 =	sshrl.u32 s8, $0x3;
	s29 =	sshll.u32 s15, $0x5  }
.Ltmp0:
0x10: {  	s9 =	smax.u32 s10, $0x1;
	s14 =	sshrl.u32 s14, $0x3;
	(pc) =	sbr.rel .LBB2_1-.Ltmp0, $4  }
0x11: {  	s15 =	simm.s32 $0xD;
	s12 =	sshrl.u32 s12, $0x3;
	s8 =	sadd.s32 s11, s8  }
0x12: {  	s30 =	sadd.s32 s29, s13;
	s13 =	sadd.s32 s31, s13;
	s7 =	sadd.s32 s11, s12  }
0x13: {  	s8 =	sadd.s32 $0x27000, s8;
	s10 =	sadd.s32 $0x20, s30;
	s11 =	sadd.s32 $0x40, s30  }
0x14: {  	s12 =	sadd.s32 $0x60, s30;
	s13 =	sadd.s32 s17, s13;
	s17 =	simm.s32 $0x5  }
.LBB2_4:
0x15: {  	[bflag:$0x0] =	sbarrier.arrive $0xFFFF  }
0x16: {  	[hbm:s7], [sflag:s6] =	dma.local [spmem:s14], $0x2700  }
0x17: {  	s4 =	sadd.s32 $0x1, s4;
	_ =	swait.ge [sflag:s15], $0x2700  }
0x18: {  	p1 =	sne.s32 s4, s9;
	[sflag:s15] =	ssyncset.done $0x0  }
.Ltmp1:
0x19: {  	s21 =	simm.s32 @!p0 $0xD;
	[sflag:s15] =	ssyncadd.s32 $0xFFFFD900;
	(pc) =	sbr.rel @!p1 .LBB2_5-.Ltmp1, $4  }
0x1a: {  	[hbm:s8], [sflag:s6] =	dma.local @!p0 [spmem:s16], $0x100  }
0x1b: {  	_ =	swait.ge @!p0 [sflag:s21], $0x100  }
0x1c: {  	[sflag:s21] =	ssyncset.done @!p0 $0x0  }
0x1d: {  	[sflag:s21] =	ssyncadd.s32 @!p0 $0xFFFFFF00  }
.LBB2_1:
0x1e: {  	[spmem:s14], [sflag:s6] =	dma.local [hbm:s1], $0x2700  }
0x1f: {  	_ =	swait.ge [sflag:s15], $0x2700  }
0x20: {  	[sflag:s15] =	ssyncset.done $0x0  }
0x21: {  	s21 =	simm.s32 @!p0 $0xD;
	[sflag:s15] =	ssyncadd.s32 $0xFFFFD900  }
0x22: {  	[spmem:s16], [sflag:s6] =	dma.local @!p0 [hbm:s1], $0x100  }
0x23: {  	_ =	swait.ge @!p0 [sflag:s21], $0x100  }
0x24: {  	s22 =	smov.u32 s13;
	[sflag:s21] =	ssyncset.done @!p0 $0x0  }
0x25: {  	s23 =	smov.u32 s11;
	s24 =	smov.u32 s12;
	[sflag:s21] =	ssyncadd.s32 @!p0 $0xFFFFFF00  }
0x26: {  	s25 =	smov.u32 s10;
	s21 =	simm.s32 $0x3;
	[bflag:$0x0] =	sbarrier.arrive $0xFFFF  }
.LBB2_2:
0x27: {  	s26 =	sadd.s32 $0xFFFFFFF9, s21  }
0x28: {  	p1 =	seq.s32 s21, $0xFF;
	p2 =	sgt.u32 s26, $0xF9  }
0x29: {  	s28 =	sadd.s32 @!p1 $0xFFFFFFFB, s21;
	s26 =	simm.s32 @!p2 $0x9  }
0x2a: {  	p3 =	sgt.u32 @!p1 s28, $0xF9;
	_ =	swait.ge @!p2 [sflag:s26], $0x2800  }
0x2b: {  	p4 =	por p3, p1;
	[sflag:s26] =	ssyncset.done @!p2 $0x0  }
0x2c: {  	s28 =	simm.s32 @!p4 $0x4;
	[sflag:s26] =	ssyncadd.s32 @!p2 $0xFFFFD800;
	s26 =	simm.s32 @!p1 $0x0  }
0x2d: {  	[tilespmem:s26], [sflag:$0x1] =	stream.linear.gather @!p1 [hbm4b:s22+s26], $0x100, $0x38;
	[tilespmem:$0x1DD00] =	vst v63  }
0x2e: {  	_ =	swait.ge @!p4 [sflag:s28], $0x100  }
0x2f: {  	s29 =	simm.s32 @!p4 $0x300;
	[sflag:s28] =	ssyncset.done @!p4 $0x0  }
0x30: {  	s30 =	simm.s32 @!p4 $0x7C00;
	[sflag:s28] =	ssyncadd.s32 @!p4 $0xFFFFFF00;
	s28 =	simm.s32 @!p4 $0x50  }
0x31: {  	[tilespmem:s30], [sflag:$0x8] =	stream.indirect.gather @!p4 [hbm4b:s5+s28], $0x80, s29, s28, $0xb8;
	[tilespmem:$0x1DD00] =	vst v63  }
0x32: {  	s28 =	simm.s32 @!p2 $0x6  }
0x33: {  	_ =	swait.ge @!p2 [sflag:s28], $0x2800  }
0x34: {  	s29 =	simm.s32 @!p2 $0x180;
	[sflag:s28] =	ssyncset.done @!p2 $0x0  }
0x35: {  	s30 =	simm.s32 @!p2 $0x2C00;
	[sflag:s28] =	ssyncadd.s32 @!p2 $0xFFFFD800;
	s28 =	simm.s32 @!p2 $0x50  }
0x36: {  	[spmem:s2] =	stream.indirect.scatter.add.f32 @!p2 [tilespmem:s30], [sflag:$0xA], $0x80, s29, s28, $0xb8;
	[tilespmem:$0x1DD00] =	vst v63  }
0x37: {  	s28 =	simm.s32 @!p2 $0xA  }
0x38: {  	_ =	swait.ge @!p2 [sflag:s28], $0x2800  }
0x39: {  	p5 =	por @!p1 $0x0, $0x0;
	p4 =	por @!p4 $0x1, $0x1;
	[sflag:s28] =	ssyncset.done @!p2 $0x0  }
0x3a: {  	s29 =	simm.s32 @!p1 $0x1;
	[sflag:s28] =	ssyncadd.s32 @!p2 $0xFFFFD800;
	s28 =	simm.s32 @!p1 $0x100  }
0x3b: {  	[tilespmem:s28], [sflag:$0x2] =	stream.linear.gather @!p1 [hbm4b:s25+s26], $0x100, $0x38;
	[tilespmem:$0x1DD00] =	vst v63  }
0x3c: {  	s30 =	simm.s32 @!p1 $0x400;
	p2 =	por !p3, p1;
	_ =	swait.ge @!p1 [sflag:s29], $0x100  }
0x3d: {  	p4 =	por @!p2 p5, p5;
	p2 =	por $0x0, $0x0;
	[sflag:s29] =	ssyncset.done @!p1 $0x0  }
0x3e: {  	p2 =	por @!p1 p4, p4;
	[sflag:s29] =	ssyncadd.s32 @!p1 $0xFFFFFF00;
	s29 =	simm.s32 @!p1 $0x50  }
0x3f: {  	[tilespmem:s30], [sflag:$0x5] =	stream.indirect.gather @!p1 [hbm4b:s5+s29], $0x80, s26, s29, $0xb8;
	[tilespmem:$0x1DD00] =	vst v63  }
0x40: {  	s26 =	simm.s32 @p2 $0x7  }
0x41: {  	_ =	swait.ge @p2 [sflag:s26], $0x2800  }
0x42: {  	s31 =	simm.s32 @p2 $0x5400;
	[sflag:s26] =	ssyncset.done @p2 $0x0  }
0x43: {  	s30 =	simm.s32 @p2 $0x280;
	[sflag:s26] =	ssyncadd.s32 @p2 $0xFFFFD800;
	s26 =	simm.s32 @p2 $0x50  }
0x44: {  	[spmem:s2] =	stream.indirect.scatter.add.f32 @p2 [tilespmem:s31], [sflag:$0xB], $0x80, s30, s26, $0xb8;
	[tilespmem:$0x1DD00] =	vst v63  }
0x45: {  	s30 =	simm.s32 @p2 $0xB  }
0x46: {  	s31 =	sadd.s32 $0xFFFFFFFF, s21;
	_ =	swait.ge @p2 [sflag:s30], $0x2800  }
0x47: {  	p3 =	sgt.u32 s31, $0xF9;
	[sflag:s30] =	ssyncset.done @p2 $0x0  }
0x48: {  	s31 =	simm.s32 @!p3 $0x200;
	[sflag:s30] =	ssyncadd.s32 @p2 $0xFFFFD800;
	s30 =	simm.s32 @!p3 $0x0  }
0x49: {  	[tilespmem:s31], [sflag:$0x3] =	stream.linear.gather @!p3 [hbm4b:s23+s30], $0x100, $0x38;
	[tilespmem:$0x1DD00] =	vst v63  }
0x4a: {  	s30 =	simm.s32 @!p1 $0x2  }
0x4b: {  	_ =	swait.ge @!p1 [sflag:s30], $0x100  }
0x4c: {  	[sflag:s30] =	ssyncset.done @!p1 $0x0  }
0x4d: {  	[sflag:s30] =	ssyncadd.s32 @!p1 $0xFFFFFF00;
	s30 =	simm.s32 @!p1 $0x2C00  }
0x4e: {  	[tilespmem:s30], [sflag:$0x6] =	stream.indirect.gather @!p1 [hbm4b:s5+s29], $0x80, s28, s29, $0xb8;
	[tilespmem:$0x1DD00] =	vst v63  }
0x4f: {  	s28 =	simm.s32 @p2 $0x8  }
0x50: {  	_ =	swait.ge @p2 [sflag:s28], $0x2800  }
0x51: {  	[sflag:s28] =	ssyncset.done @p2 $0x0  }
0x52: {  	s29 =	simm.s32 @p2 $0x7C00;
	[sflag:s28] =	ssyncadd.s32 @p2 $0xFFFFD800;
	s28 =	simm.s32 @p2 $0x380  }
0x53: {  	[spmem:s2] =	stream.indirect.scatter.add.f32 @p2 [tilespmem:s29], [sflag:$0xC], $0x80, s28, s26, $0xb8;
	[tilespmem:$0x1DD00] =	vst v63  }
0x54: {  	s26 =	simm.s32 @p2 $0xC  }
0x55: {  	_ =	swait.ge @p2 [sflag:s26], $0x2800  }
0x56: {  	p4 =	sgt.u32 s21, $0xF9;
	[sflag:s26] =	ssyncset.done @p2 $0x0  }
0x57: {  	s28 =	simm.s32 @!p4 $0x300;
	[sflag:s26] =	ssyncadd.s32 @p2 $0xFFFFD800;
	s26 =	simm.s32 @!p4 $0x0  }
0x58: {  	[tilespmem:s28], [sflag:$0x4] =	stream.linear.gather @!p4 [hbm4b:s24+s26], $0x100, $0x38;
	[tilespmem:$0x1DD00] =	vst v63  }
.Ltmp2:
0x59: {  	s26 =	simm.s32 @!p3 $0x3;
	(pc) =	sbr.rel @p1 .LBB2_4-.Ltmp2, $4  }
0x5a: {  	_ =	swait.ge @!p3 [sflag:s26], $0x100  }
0x5b: {  	[sflag:s26] =	ssyncset.done @!p3 $0x0  }
0x5c: {  	s28 =	simm.s32 @!p3 $0x5400;
	[sflag:s26] =	ssyncadd.s32 @!p3 $0xFFFFFF00;
	s26 =	simm.s32 @!p3 $0x50  }
0x5d: {  	[tilespmem:s28], [sflag:$0x7] =	stream.indirect.gather @!p3 [hbm4b:s5+s26], $0x80, s31, s26, $0xb8;
	[tilespmem:$0x1DD00] =	vst v63  }
.Ltmp3:
0x5e: {  	(pc) =	sbr.rel .LBB2_2-.Ltmp3, $4  }
0x5f: {  	_ =	swait.ge [sflag:s17], $0x2800;
	s25 =	sadd.s32 $0x80, s25  }
0x60: {  	s24 =	sadd.s32 $0x80, s24;
	s21 =	sadd.s32 $0x4, s21;
	[sflag:s17] =	ssyncset.done $0x0  }
0x61: {  	s23 =	sadd.s32 $0x80, s23;
	s22 =	sadd.s32 $0x80, s22;
	[sflag:s17] =	ssyncadd.s32 $0xFFFFD800  }
0x62: {  	[spmem:s2] =	stream.indirect.scatter.add.f32 [tilespmem:s20], [sflag:$0x9], $0x80, s19, s18, $0xb8;
	[tilespmem:$0x1DD00] =	vst v63  }
.LBB2_5:
0x63: {  	_ =	sfence.sel $0x180000  }
0x64: {  	[bflag:$0x0] =	sbarrier.arrive $0xFFFF  }
0x65: {  	p0 =	sne.s32 s3, $0x0;
	_ =	strace $0x9000004A  }
0x66: {  	s0 =	sadd.s32 @!p0 $0x100000, s0;
	[bflag:$0x2] =	sbarrier.arrive $0xFFFF  }
0x67: {  	[sflag:s0] =	ssyncadd.tile.s32 @!p0 $0x1;
	_ =	shalt  }
.Lfunc_end2:
_tile_overlayer_lowered:
.L_overlay_start_2:
0x68: {  	(tag) =	ssettag $0x2  }
0x69: {  	s0 =	rddreg [dreg:$0x0];
	s2 =	stileid.u32  }
0x6a: {  	s1 =	rddreg [dreg:$0x1];
	p0 =	sne.s32 s2, $0x0  }
0x6b: {  	s3 =	rddreg [dreg:$0x2];
	[bflag:$0x3] =	sbarrier.arrive $0xFFFF;
	s2 =	simm.s32 @!p0 $0x1C0D  }
0x6c: {  	[timem:s3], [sflag:s2] =	dma.local @!p0 [hbm:s0], s1  }
0x6d: {  	s0 =	simm.s32 @!p0 $0xD  }
0x6e: {  	_ =	swait.ge @!p0 [sflag:s0], s1  }
0x6f: {  	s1 =	ssub.s32 @!p0 $0x0, s1;
	[sflag:s0] =	ssyncset.done @!p0 $0x0  }
0x70: {  	[sflag:s0] =	ssyncadd.s32 @!p0 s1  }
0x71: {  	[bflag:$0x3] =	sbarrier.arrive $0xFFFF  }
0x72: {  	_ =	shalt  }

// kernel: kernel.7.cloned.1.call-start
scs
__scs_entry_jumppad:
0x0: {  	(pc) =	sbr.rel $0x88, $3  }
0x1: {  	(tag) =	ssettag $0x0;
	lr =	simm.s32 $0x1  }
0x2: {  	[smem:$0x3F8D] =	sst lr;
	_ =	strace $0xD0000000  }
0x3: {  	_ = 	snop  }
0x4: {  	_ = 	snop  }
0x5: {  	_ = 	snop  }
0x6: {  	_ = 	snop  }
0x7: {  	_ = 	snop  }
__scs_overlays_trampoline_lowered:
0x8: {  	[smem:$0x3F9C] =	sst s0  }
0x9: {  	[smem:$0x3F9D] =	sst s1  }
0xa: {  	[smem:$0x3F9E] =	sst s2  }
0xb: {  	[smem:$0x3F9F] =	sst s3  }
0xc: {  	[smem:$0x3FA0] =	sst s4  }
0xd: {  	[smem:$0x3FA1] =	sst s5  }
0xe: {  	[smem:$0x3FA2] =	sst s6  }
0xf: {  	[smem:$0x3FA3] =	sst s7  }
0x10: {  	[smem:$0x3FA4] =	sst s8  }
0x11: {  	[smem:$0x3FA5] =	sst s9;
	s0 =	simm.s32 @!p0 $0x0  }
0x12: {  	s1 =	sld [smem:$0x3F8B];
	s0 =	simm.s32 @p0 $0x1  }
0x13: {  	[smem:$0x3FA6] =	sst s0;
	s0 =	simm.s32 @!p1 $0x0  }
0x14: {  	s2 =	sld [smem:$0x3F8A];
	s0 =	simm.s32 @p1 $0x1  }
0x15: {  	[smem:$0x3FA7] =	sst s0;
	s0 =	simm.s32 @!p2 $0x0  }
0x16: {  	s3 =	sld [smem:$0x3FDB];
	s0 =	simm.s32 @p2 $0x1  }
0x17: {  	s4 =	simm.s32 $0x1BF5;
	[smem:$0x3FA9] =	sst s0  }
0x18: {  	s0 =	sld [smem:$0x3F8C];
	_ =	swait.ge [sflag:s4], $0x0  }
0x19: {  	s7 =	sld [smem:$0x3F8D]  }
0x1a: {  	s8 =	sadd.s32 $0xFFFFE003, lr  }
0x1b: {  	s9 =	sadd.s32 $0xFFFFFEF7, lr;
	s5 =	simm.s32 $0xFFFFFFFF;
	p2 =	slt.u32 s8, $0xFFFFF086  }
0x1c: {  	p1 =	slt.u32 s9, $0xF7A;
	s5 =	simm.s32 @!p2 $0x0  }
0x1d: {  	s5 =	simm.s32 @p1 $0x1;
	p0 =	seq.s32 s7, s2  }
0x1e: {  	s7 =	smul.u32 @!p0 $0xF7A, s2;
	p2 =	seq.s32 @!p0 s5, $0x0  }
0x1f: {  	s9 =	smul.u32 $0xF7A, s1;
	s8 =	simm.s32 @!p0 $0x1BF5;
	p2 =	por !p2, p0  }
0x20: {  	[sflag:s8] =	ssyncset.s32 @!p0 $0xFFFFF086;
	s6 =	sadd.s32 @!p0 s3, s7;
	s7 =	simm.s32 @!p0 $0x108  }
0x21: {  	s3 =	sadd.s32 s3, s9;
	s6 =	sadd.s32 @!p0 $0x88, s6;
	s7 =	simm.s32 @p2 $0x1082  }
0x22: {  	[simem:s7], [sflag:s8] =	dma.local @!p0 [hbm:s6], $0xF7A  }
0x23: {  	s9 =	sor.u32 $0xD0000000, s2;
	s6 =	simm.s32 $0x108;
	_ =	swait.ge @!p0 [sflag:s8], $0x0  }
0x24: {  	s3 =	sadd.s32 $0x88, s3;
	s6 =	simm.s32 @!p1 $0x1082;
	[sflag:s4] =	ssyncset.s32 $0xFFFFF086  }
0x25: {  	[simem:s6], [sflag:s4] =	dma.local [hbm:s3], $0xF7A  }
0x26: {  	[smem:$0x3F8D] =	sst s1;
	(tag) =	ssettag s2;
	_ =	strace s9  }
0x27: {  	s1 =	sld [smem:$0x3F9D]  }
0x28: {  	s2 =	sld [smem:$0x3F9E]  }
0x29: {  	s4 =	sld [smem:$0x3FA0]  }
0x2a: {  	p0 =	seq.s32 s5, $0x0;
	s5 =	sld [smem:$0x3FA1]  }
0x2b: {  	s6 =	sld [smem:$0x3FA2]  }
0x2c: {  	s7 =	sld [smem:$0x3FA3]  }
0x2d: {  	s3 =	simm.s32 $0x108;
	s8 =	sld [smem:$0x3FA4]  }
0x2e: {  	s3 =	simm.s32 @!p0 $0x1082;
	s9 =	sld [smem:$0x3FA5]  }
0x2f: {  	lr =	sadd.s32 s0, s3;
	s0 =	sld [smem:$0x3F9C]  }
0x30: {  	s3 =	sld [smem:$0x3F9F]  }
0x31: {  	[smem:$0x3FA8] =	sst s10  }
0x32: {  	s10 =	sld [smem:$0x3FA6];
	_ =	sdelay $0x3  }
0x33: {  	p0 =	seq.s32 s10, $0x1;
	s10 =	sld [smem:$0x3FA8];
	_ =	sdelay $0x3  }
0x34: {  	[smem:$0x3FA8] =	sst s10  }
0x35: {  	s10 =	sld [smem:$0x3FA7];
	_ =	sdelay $0x3  }
0x36: {  	p1 =	seq.s32 s10, $0x1;
	s10 =	sld [smem:$0x3FA8];
	_ =	sdelay $0x3  }
0x37: {  	[smem:$0x3FA8] =	sst s10  }
0x38: {  	s10 =	sld [smem:$0x3FA9]  }
0x39: {  	_ = 	snop;
	(pc) =	sbr.ind lr, $3  }
0x3a: {  	_ = 	snop  }
0x3b: {  	_ = 	snop  }
0x3c: {  	p2 =	seq.s32 s10, $0x1;
	s10 =	sld [smem:$0x3FA8]  }
0x3d: {  	_ =	shalt  }
0x3e: {  	_ =	shalt  }
0x3f: {  	_ =	shalt  }
0x40: {  	_ =	shalt  }
0x41: {  	_ =	shalt  }
0x42: {  	_ =	shalt  }
0x43: {  	_ =	shalt  }
0x44: {  	_ =	shalt  }
0x45: {  	_ =	shalt  }
0x46: {  	_ =	shalt  }
0x47: {  	_ =	shalt  }
0x48: {  	_ =	shalt  }
0x49: {  	_ =	shalt  }
0x4a: {  	_ =	shalt  }
0x4b: {  	_ =	shalt  }
0x4c: {  	_ =	shalt  }
0x4d: {  	_ =	shalt  }
0x4e: {  	_ =	shalt  }
0x4f: {  	_ =	shalt  }
0x50: {  	_ =	shalt  }
0x51: {  	_ =	shalt  }
0x52: {  	_ =	shalt  }
0x53: {  	_ =	shalt  }
0x54: {  	_ =	shalt  }
0x55: {  	_ =	shalt  }
0x56: {  	_ =	shalt  }
0x57: {  	_ =	shalt  }
0x58: {  	_ =	shalt  }
0x59: {  	_ =	shalt  }
0x5a: {  	_ =	shalt  }
0x5b: {  	_ =	shalt  }
0x5c: {  	_ =	shalt  }
0x5d: {  	_ =	shalt  }
0x5e: {  	_ =	shalt  }
0x5f: {  	_ =	shalt  }
0x60: {  	_ =	shalt  }
0x61: {  	_ =	shalt  }
0x62: {  	_ =	shalt  }
0x63: {  	_ =	shalt  }
0x64: {  	_ =	shalt  }
0x65: {  	_ =	shalt  }
0x66: {  	_ =	shalt  }
0x67: {  	_ =	shalt  }
0x68: {  	_ =	shalt  }
0x69: {  	_ =	shalt  }
0x6a: {  	_ =	shalt  }
0x6b: {  	_ =	shalt  }
0x6c: {  	_ =	shalt  }
0x6d: {  	_ =	shalt  }
0x6e: {  	_ =	shalt  }
0x6f: {  	_ =	shalt  }
0x70: {  	_ =	shalt  }
0x71: {  	_ =	shalt  }
0x72: {  	_ =	shalt  }
0x73: {  	_ =	shalt  }
0x74: {  	_ =	shalt  }
0x75: {  	_ =	shalt  }
0x76: {  	_ =	shalt  }
0x77: {  	_ =	shalt  }
0x78: {  	_ =	shalt  }
0x79: {  	_ =	shalt  }
0x7a: {  	_ =	shalt  }
0x7b: {  	_ =	shalt  }
0x7c: {  	_ =	shalt  }
0x7d: {  	_ =	shalt  }
0x7e: {  	_ =	shalt  }
0x7f: {  	_ =	shalt  }
0x80: {  	_ =	shalt  }
0x81: {  	_ =	shalt  }
0x82: {  	_ =	shalt  }
0x83: {  	_ =	shalt  }
0x84: {  	_ =	shalt  }
0x85: {  	_ =	shalt  }
0x86: {  	_ =	shalt  }
0x87: {  	_ =	shalt  }
.Lfunc_end0:
.L_simem_size_0:
called_computation_lowered:
.L_overlay_start_0:
0x88: {  	s2 =	sld [smem:$0x3FD9]  }
0x89: {  	s3 =	sld [smem:$0x3FFE];
	_ =	sdelay $0x1  }
0x8a: {  	s1 =	srdreg.scid  }
0x8b: {  	s0 =	sand.u32 $0x1, s1  }
0x8c: {  	s14 =	sshll.u32 s0, $0xA;
	s2 =	sadd.s32 s3, s2  }
0x8d: {  	s2 =	sadd.s32 s2, s14  }
0x8e: {  	[smem:$0x3FB4] =	sst s2  }
0x8f: {  	_ = 	snop  }
0x90: {  	s2 =	sld [smem:$0x3FD0];
	_ =	sdelay $0x2  }
0x91: {  	s15 =	simm.s32 $0xA;
	s4 =	simm.s32 $0x10  }
0x92: {  	[smem:s4], [sflag:s15] =	dma.local [hbm:s2], $0x1  }
0x93: {  	_ =	swait.eq [sflag:s15], $0x1  }
0x94: {  	[sflag:s15] =	ssyncset.done $0x0  }
0x95: {  	[sflag:s15] =	ssyncadd.s32 $0xFFFFFFFF  }
0x96: {  	s16 =	sld [smem:$0x10];
	(tm) =	ssettm $0x1  }
0x97: {  	s17 =	sld [smem:$0x3FFB];
	_ =	sdelay $0x3  }
0x98: {  	_ =	strace s17  }
0x99: {  	s3 =	sld [smem:$0x3FFC];
	_ =	sdelay $0x3  }
0x9a: {  	_ =	strace s3  }
0x9b: {  	s3 =	sld [smem:$0x3FFD];
	_ =	sdelay $0x3  }
0x9c: {  	_ =	strace s3  }
0x9d: {  	_ =	strace $0x8FFFFFFF  }
0x9e: {  	s18 =	sld [smem:$0x3FDB];
	_ =	sdelay $0x1  }
0x9f: {  	s19 =	simm.s32 $_scs_section_size  }
0xa0: {  	s5 =	simm.s32 $_size__tile_overlayer_lowered;
	s6 =	simm.s32 $_tile_overlayer_lowered  }
0xa1: {  	s22 =	simm.s32 $0x1BFF;
	s21 =	sshll.u32 s6, $0x1;
	s3 =	sadd.s32 s19, s18  }
0xa2: {  	s7 =	simm.s32 $0x0;
	s20 =	sshll.u32 s5, $0x1;
	s5 =	sadd.s32 s21, s3  }
0xa3: {  	[timem:s7], [sflag:s22] =	dma.local [hbm:s5], s20  }
0xa4: {  	_ =	swait.ge [sflag:s22], s20  }
0xa5: {  	s4 =	ssub.s32 $0x0, s20;
	[sflag:s22] =	ssyncset.done $0x0  }
0xa6: {  	[sflag:s22] =	ssyncadd.s32 s4;
	_ =	sdelay $0x1  }
0xa7: {  	s23 =	simm.s32 $0x1B8B  }
0xa8: {  	_ =	swait.ge [sflag:s23], $0x1  }
0xa9: {  	[sflag:s23] =	ssyncset.done $0x0  }
0xaa: {  	s25 =	simm.s32 $0x1B8E;
	s24 =	sld [smem:$0x3FFE];
	[sflag:s23] =	ssyncadd.s32 $0xFFFFFFFF  }
0xab: {  	s26 =	simm.s32 $execute0_lowered;
	[smem:$0x3FD2] =	sst s25  }
0xac: {  	s5 =	sshll.u32 s26, $0x1;
	_ =	strace $0x80000046;
	[dreg:$0x1] =	wrdreg $0xFFFFFFFF  }
0xad: {  	s28 =	simm.s32 $_size_execute0_lowered;
	s3 =	sadd.s32 s3, s5;
	[dreg:$0x0] =	wrdreg $0x0  }
0xae: {  	s5 =	sshll.u32 s28, $0x1;
	[dreg:$0x2] =	wrdreg s3  }
0xaf: {  	[dreg:$0x3] =	wrdreg s5  }
0xb0: {  	[dreg:$0x4] =	wrdreg $0xC0  }
0xb1: {  	_ =	task [dreg:s7], $0x5FFFF  }
0xb2: {  	[dreg:$0x1] =	wrdreg $0xFFFFFFFF  }
0xb3: {  	[dreg:$0x0] =	wrdreg $0x60  }
0xb4: {  	[dreg:$0x2] =	wrdreg s24  }
0xb5: {  	[dreg:$0x3] =	wrdreg s16  }
0xb6: {  	[dreg:$0x4] =	wrdreg $0xA4000  }
0xb7: {  	[dreg:$0x5] =	wrdreg $0x9  }
0xb8: {  	_ =	task.clear_ibuf [dreg:s7], $0x6FFFF;
	_ =	strace $0x90000046  }
0xb9: {  	s29 =	simm.s32 $0x9;
	_ =	strace $0x80000048  }
0xba: {  	_ =	swait.ge [sflag:s29], $0x1  }
0xbb: {  	[sflag:s29] =	ssyncadd.s32 $0xFFFFFFFF  }
0xbc: {  	_ =	strace $0x90000048  }
0xbd: {  	_ =	sfence  }
0xbe: {  	s30 =	sld [smem:$0x0];
	_ =	sdelay $0x2  }
0xbf: {  	s31 =	sshll.u32 s1, $0xD;
	s1 =	sshrl.u32 s1, $0x2  }
0xc0: {  	s3 =	sand.u32 $0x4000, s31;
	s1 =	sadd.s32 s1, s30  }
0xc1: {  	s0 =	sor.u32 s3, s0;
	s1 =	sshll.u32 s1, $0x11  }
0xc2: {  	s0 =	sor.u32 s1, s0  }
0xc3: {  	s0 =	sadd.s32 $0x8F2B, s0  }
0xc4: {  	[sflag:s0] =	ssyncadd.remote.s32 $0x1  }
0xc5: {  	_ =	sfence.sel $0xFFFF  }
0xc6: {  	[dreg:$0x0] =	wrdreg $0xFFFFFFFF;
	(pc) =	sbr.abs _section_cstart, $3  }
0xc7: {  	[dreg:$0x1] =	wrdreg $0xFFFFFFFF  }
0xc8: {  	_ =	task.clear_ibuf [dreg:s7], $0x2FFFF;
	_ =	strace $0x9FFFFFFF  }
0xc9: {  	(tm) =	ssettm $0x7FFFFFFF  }
tec
execute0_lowered:
.L_overlay_start_1:
0x0: {  	(tag) =	ssettag $0x1  }
0x1: {  	s0 =	rddreg [dreg:$0x0]  }
0x2: {  	s30 =	rddreg [dreg:$0x1]  }
0x3: {  	s2 =	rddreg [dreg:$0x2];
	s3 =	simm.s32 $0x0  }
0x4: {  	s6 =	srdreg.scid;
	s1 =	stileid.u32;
	s18 =	simm.s32 $0xD  }
0x5: {  	s20 =	simm.s32 $0x5;
	s21 =	simm.s32 $0x50;
	s22 =	simm.s32 $0x80  }
0x6: {  	[smem:$0x7FF] =	sst s3;
	s5 =	sadd.s32 $0x3C00, s0;
	s7 =	smul.u32 $0x4E000, s1  }
0x7: {  	s4 =	sadd.s32 $0x51E00, s0;
	s8 =	sadd.s32 $0xDE800, s0;
	s13 =	smul.u32 $0x13800, s1  }
0x8: {  	s9 =	sand.u32 $0x1, s6;
	s0 =	sadd.s32 $0x12CA00, s0;
	s14 =	smul.u32 $0xFA, s1  }
0x9: {  	s12 =	sshll.u32 s1, $0x6;
	s19 =	sadd.s32 $0x138000, s2;
	s29 =	smul.u32 $0x1F40, s1  }
0xa: {  	p0 =	sne.s32 s1, $0xF;
	_ =	strace $0x80000047;
	s25 =	smul.u32 $0xFA0, s9  }
0xb: {  	s6 =	ssub.s32 $0x2, s9;
	s10 =	sxor.u32 $0x1, s9;
	s9 =	smul.u32 $0x1F400, s9  }
0xc: {  	s11 =	sshrl.u32 s6, $0x1;
	s10 =	smul.u32 $0x138800, s10;
	s7 =	sshrl.u32 s7, $0x2  }
0xd: {  	s19 =	sshrl.u32 @!p0 s19, $0x3;
	s11 =	ssub.s32 s6, s11;
	s23 =	sadd.s32 s7, s2  }
0xe: {  	s7 =	sor.u32 $0x1C0D, s12;
	s28 =	sadd.s32 s14, s25;
	s24 =	sadd.s32 s13, s10  }
0xf: {  	s10 =	sshrl.u32 s10, $0x3;
	s31 =	smax.u32 s11, $0x1;
	[dreg:$0x4] =	wrdreg s23  }
0x10: {  	s17 =	sshrl.u32 s23, $0x3;
	s23 =	simm.s32 $0x400;
	s12 =	sshrl.u32 s24, $0x3  }
0x11: {  	s10 =	sadd.s32 $0x27000, s10;
	[dreg:$0x9] =	wrdreg s31;
	s15 =	sadd.s32 s0, s12  }
.Ltmp0:
0x12: {  	s0 =	sadd.s32 s0, s10;
	[dreg:$0x5] =	wrdreg s15;
	(pc) =	sbr.rel .LBB2_1-.Ltmp0, $4  }
0x13: {  	s26 =	sadd.s32 s8, s12;
	[dreg:$0x6] =	wrdreg s0;
	s0 =	sshll.u32 s28, $0x5  }
0x14: {  	s8 =	sadd.s32 s8, s10;
	[dreg:$0x7] =	wrdreg s26;
	s0 =	sadd.s32 s0, s4  }
0x15: {  	[dreg:$0x8] =	wrdreg s8;
	s4 =	sadd.s32 s9, s4;
	s13 =	sadd.s32 $0x20, s0  }
0x16: {  	v0 =	vimm.f32 $1.000000000e+00;
	s14 =	sadd.s32 s29, s4;
	s15 =	sadd.s32 $0x40, s0;
	s16 =	sadd.s32 $0x60, s0  }
.LBB2_8:
0x17: {  	[bflag:$0x0] =	sbarrier.arrive $0xFFFF  }
0x18: {  	s0 =	rddreg [dreg:$0x7]  }
0x19: {  	[hbm:s0], [sflag:s7] =	dma.local [spmem:s17], $0x2700  }
0x1a: {  	_ =	swait.ge [sflag:s18], $0x2700  }
0x1b: {  	[sflag:s18] =	ssyncset.done $0x0  }
0x1c: {  	s0 =	rddreg [dreg:$0x8];
	[sflag:s18] =	ssyncadd.s32 $0xFFFFD900  }
0x1d: {  	[hbm:s0], [sflag:s7] =	dma.local @!p0 [spmem:s19], $0x100  }
0x1e: {  	s0 =	simm.s32 @!p0 $0xD  }
0x1f: {  	_ =	swait.ge @!p0 [sflag:s0], $0x100  }
0x20: {  	s3 =	sadd.s32 $0x1, s3;
	s1 =	rddreg [dreg:$0x9]  }
0x21: {  	p1 =	sne.s32 s3, s1  }
.Ltmp1:
0x22: {  	_ = 	snop;
	(pc) =	sbr.rel @!p1 .LBB2_9-.Ltmp1, $3  }
0x23: {  	_ =	sdelay $0x1  }
0x24: {  	[sflag:s0] =	ssyncset.done @!p0 $0x0  }
0x25: {  	[sflag:s0] =	ssyncadd.s32 @!p0 $0xFFFFFF00  }
.LBB2_1:
0x26: {  	[spmem:s17], [sflag:s7] =	dma.local [hbm:s30], $0x2700  }
0x27: {  	_ =	swait.ge [sflag:s18], $0x2700  }
0x28: {  	[sflag:s18] =	ssyncset.done $0x0  }
0x29: {  	s0 =	simm.s32 @!p0 $0xD;
	[sflag:s18] =	ssyncadd.s32 $0xFFFFD900  }
0x2a: {  	[spmem:s19], [sflag:s7] =	dma.local @!p0 [hbm:s30], $0x100  }
0x2b: {  	_ =	swait.ge @!p0 [sflag:s0], $0x100  }
0x2c: {  	[sflag:s0] =	ssyncset.done @!p0 $0x0  }
0x2d: {  	s4 =	simm.s32 $0x200;
	[sflag:s0] =	ssyncadd.s32 @!p0 $0xFFFFFF00;
	s0 =	simm.s32 $0x0  }
.LBB2_2:
0x2e: {  	p1 =	sne.s32 s4, $0x9E00;
	[tilespmem:s0+$0x470] =	vst v0  }
0x2f: {  	[tilespmem:s0+$0x400] =	vst v0  }
0x30: {  	[tilespmem:s0+$0x410] =	vst v0  }
.Ltmp2:
0x31: {  	[tilespmem:s0+$0x420] =	vst v0;
	(pc) =	sbr.rel @p1 .LBB2_2-.Ltmp2, $4  }
0x32: {  	[tilespmem:s0+$0x430] =	vst v0  }
0x33: {  	[tilespmem:s0+$0x440] =	vst v0  }
0x34: {  	[tilespmem:s0+$0x450] =	vst v0  }
0x35: {  	[tilespmem:s0+$0x460] =	vst v0;
	s0 =	sshra.s32 s4, $0x2;
	s4 =	sadd.s32 $0x200, s4  }
0x36: {  	[tilespmem:s0+$0x470] =	vst v0  }
0x37: {  	[tilespmem:s0+$0x400] =	vst v0  }
0x38: {  	[tilespmem:s0+$0x410] =	vst v0  }
0x39: {  	[tilespmem:s0+$0x420] =	vst v0  }
0x3a: {  	[tilespmem:s0+$0x430] =	vst v0  }
0x3b: {  	[tilespmem:s0+$0x440] =	vst v0  }
0x3c: {  	[tilespmem:s0+$0x450] =	vst v0  }
0x3d: {  	[tilespmem:s0+$0x460] =	vst v0;
	p1 =	por $0x1, $0x1  }
0x3e: {  	p2 =	por $0x0, $0x0;
	[bflag:$0x0] =	sbarrier.arrive $0xFFFF;
	s0 =	simm.s32 @!p1 $0x9  }
0x3f: {  	p3 =	por @!p2 $0x1, $0x1;
	_ =	swait.ge @!p1 [sflag:s0], $0x2800  }
0x40: {  	p4 =	por p3, p2;
	[sflag:s0] =	ssyncset.done @!p1 $0x0  }
0x41: {  	s4 =	simm.s32 @!p2 $0x0;
	[sflag:s0] =	ssyncadd.s32 @!p1 $0xFFFFD800;
	s0 =	simm.s32 @!p4 $0x4  }
0x42: {  	[tilespmem:s4], [sflag:$0x1] =	stream.linear.gather @!p2 [hbm4b:s14+s4], $0x100, $0x38;
	[tilespmem:$0x1DD00] =	vst v63  }
0x43: {  	_ =	swait.ge @!p4 [sflag:s0], $0x100  }
0x44: {  	s11 =	simm.s32 @!p1 $0xA;
	s8 =	simm.s32 @!p4 $0x380;
	[sflag:s0] =	ssyncset.done @!p4 $0x0  }
0x45: {  	s9 =	simm.s32 @!p4 $0x400;
	s10 =	simm.s32 @!p4 $0x50;
	[sflag:s0] =	ssyncadd.s32 @!p4 $0xFFFFFF00  }
0x46: {  	[spmem:s2] =	stream.indirect.scatter.add.f32 @!p4 [tilespmem:s9], [sflag:$0xC], $0x80, s8, s10, $0xb8;
	[tilespmem:$0x1DD00] =	vst v63  }
0x47: {  	p5 =	por @!p2 $0x0, $0x0;
	p3 =	por !p3, p2;
	_ =	swait.ge @!p1 [sflag:s11], $0x2800  }
0x48: {  	s0 =	simm.s32 @!p2 $0x100;
	p4 =	por @!p4 $0x1, $0x1;
	[sflag:s11] =	ssyncset.done @!p1 $0x0  }
0x49: {  	s8 =	simm.s32 @!p2 $0x1;
	s9 =	simm.s32 @!p2 $0x50;
	[sflag:s11] =	ssyncadd.s32 @!p1 $0xFFFFD800  }
0x4a: {  	[tilespmem:s0], [sflag:$0x2] =	stream.linear.gather @!p2 [hbm4b:s13+s4], $0x100, $0x38;
	[tilespmem:$0x1DD00] =	vst v63  }
0x4b: {  	p4 =	por @!p3 p5, p5;
	p3 =	por $0x0, $0x0;
	_ =	swait.ge @!p2 [sflag:s8], $0x100  }
0x4c: {  	p3 =	por @!p2 p4, p4;
	s0 =	simm.s32 @!p2 $0x80;
	[sflag:s8] =	ssyncset.done @!p2 $0x0  }
0x4d: {  	s4 =	simm.s32 @!p2 $0x400;
	[sflag:s8] =	ssyncadd.s32 @!p2 $0xFFFFFF00;
	s8 =	simm.s32 @p3 $0xB  }
0x4e: {  	[spmem:s2] =	stream.indirect.scatter.add.f32 @!p2 [tilespmem:s4], [sflag:$0x9], $0x80, s0, s9, $0xb8;
	[tilespmem:$0x1DD00] =	vst v63  }
0x4f: {  	s24 =	simm.s32 $0x7;
	p1 =	por $0x0, $0x0;
	_ =	swait.ge @p3 [sflag:s8], $0x2800  }
0x50: {  	s29 =	simm.s32 $0xB;
	s10 =	simm.s32 @!p1 $0x200;
	[sflag:s8] =	ssyncset.done @p3 $0x0  }
0x51: {  	s0 =	simm.s32 @!p1 $0x0;
	[sflag:s8] =	ssyncadd.s32 @p3 $0xFFFFD800;
	s8 =	simm.s32 @!p2 $0x2  }
0x52: {  	[tilespmem:s10], [sflag:$0x3] =	stream.linear.gather @!p1 [hbm4b:s15+s0], $0x100, $0x38;
	[tilespmem:$0x1DD00] =	vst v63  }
0x53: {  	s25 =	sadd.s32 $0x80, s15;
	s26 =	sadd.s32 $0x80, s16;
	_ =	swait.ge @!p2 [sflag:s8], $0x100  }
0x54: {  	s30 =	sadd.s32 $0x80, s14;
	s28 =	sadd.s32 $0x80, s13;
	[sflag:s8] =	ssyncset.done @!p2 $0x0  }
0x55: {  	s11 =	simm.s32 @p3 $0xC;
	s0 =	simm.s32 @!p2 $0x180;
	[sflag:s8] =	ssyncadd.s32 @!p2 $0xFFFFFF00  }
0x56: {  	[spmem:s2] =	stream.indirect.scatter.add.f32 @!p2 [tilespmem:s4], [sflag:$0xA], $0x80, s0, s9, $0xb8;
	[tilespmem:$0x1DD00] =	vst v63  }
0x57: {  	s10 =	simm.s32 @!p1 $0x400;
	p2 =	por $0x0, $0x0;
	_ =	swait.ge @p3 [sflag:s11], $0x2800  }
0x58: {  	s8 =	simm.s32 @!p1 $0x280;
	s0 =	simm.s32 @!p2 $0x0;
	[sflag:s11] =	ssyncset.done @p3 $0x0  }
0x59: {  	s9 =	simm.s32 @!p2 $0x300;
	[sflag:s11] =	ssyncadd.s32 @p3 $0xFFFFD800;
	s11 =	simm.s32 @!p1 $0x3  }
0x5a: {  	[tilespmem:s9], [sflag:$0x4] =	stream.linear.gather @!p2 [hbm4b:s16+s0], $0x100, $0x38;
	[tilespmem:$0x1DD00] =	vst v63  }
0x5b: {  	s4 =	simm.s32 @!p1 $0x50;
	p3 =	por $0x0, $0x0;
	_ =	swait.ge @!p1 [sflag:s11], $0x100  }
.LBB2_4:
0x5c: {  	s9 =	simm.s32 @!p3 $0x9;
	p2 =	seq.s32 s24, $0xFF;
	[sflag:s11] =	ssyncset.done @!p1 $0x0  }
0x5d: {  	s31 =	smov.u32 s24;
	s24 =	smov.u32 s29;
	s0 =	smov.u32 s25  }
0x5e: {  	s12 =	simm.s32 @!p2 $0x0;
	s6 =	sadd.s32 @!p2 $0xFFFFFFFB, s31;
	[sflag:s11] =	ssyncadd.s32 @!p1 $0xFFFFFF00  }
0x5f: {  	[spmem:s2] =	stream.indirect.scatter.add.f32 @!p1 [tilespmem:s10], [sflag:$0xB], $0x80, s8, s4, $0xb8;
	[tilespmem:$0x1DD00] =	vst v63  }
0x60: {  	p4 =	por @!p2 $0x0, $0x0;
	p1 =	sgt.u32 @!p2 s6, $0xF9;
	_ =	swait.ge @!p3 [sflag:s9], $0x2800  }
0x61: {  	p5 =	por p1, p2;
	p6 =	por !p1, p2;
	[sflag:s9] =	ssyncset.done @!p3 $0x0  }
0x62: {  	s4 =	simm.s32 @!p5 $0x4;
	p1 =	por @!p5 $0x1, $0x1;
	[sflag:s9] =	ssyncadd.s32 @!p3 $0xFFFFD800  }
0x63: {  	[tilespmem:s12], [sflag:$0x1] =	stream.linear.gather @!p2 [hbm4b:s30+s12], $0x100, $0x38;
	[tilespmem:$0x1DD00] =	vst v63  }
0x64: {  	s6 =	simm.s32 @!p5 $0x380;
	s8 =	simm.s32 @!p5 $0x400;
	_ =	swait.ge @!p5 [sflag:s4], $0x100  }
0x65: {  	s10 =	simm.s32 @!p3 $0xA;
	s9 =	simm.s32 @!p5 $0x50;
	[sflag:s4] =	ssyncset.done @!p5 $0x0  }
0x66: {  	s29 =	sadd.s32 $0x4, s29;
	p1 =	por @!p6 p4, p4;
	[sflag:s4] =	ssyncadd.s32 @!p5 $0xFFFFFF00  }
0x67: {  	[spmem:s2] =	stream.indirect.scatter.add.f32 @!p5 [tilespmem:s8], [sflag:$0xC], $0x80, s6, s9, $0xb8;
	[tilespmem:$0x1DD00] =	vst v63  }
0x68: {  	p4 =	sne.s32 s29, $0x103;
	s9 =	smov.u32 s26;
	_ =	swait.ge @!p3 [sflag:s10], $0x2800  }
0x69: {  	s4 =	simm.s32 @!p2 $0x100;
	[sflag:s10] =	ssyncset.done @!p3 $0x0  }
0x6a: {  	s11 =	simm.s32 @!p2 $0x400;
	s6 =	simm.s32 @!p2 $0x1;
	[sflag:s10] =	ssyncadd.s32 @!p3 $0xFFFFD800  }
0x6b: {  	[tilespmem:s4], [sflag:$0x2] =	stream.linear.gather @!p2 [hbm4b:s28+s12], $0x100, $0x38;
	[tilespmem:$0x1DD00] =	vst v63  }
0x6c: {  	p3 =	por $0x0, $0x0;
	s4 =	simm.s32 @!p2 $0x80;
	_ =	swait.ge @!p2 [sflag:s6], $0x100  }
0x6d: {  	p3 =	por @!p2 p1, p1;
	s12 =	simm.s32 @!p2 $0x50;
	[sflag:s6] =	ssyncset.done @!p2 $0x0  }
0x6e: {  	s8 =	simm.s32 @p3 $0xB;
	[sflag:s6] =	ssyncadd.s32 @!p2 $0xFFFFFF00;
	s6 =	sadd.s32 $0xFFFFFFFF, s31  }
0x6f: {  	[spmem:s2] =	stream.indirect.scatter.add.f32 @!p2 [tilespmem:s11], [sflag:$0x9], $0x80, s4, s12, $0xb8;
	[tilespmem:$0x1DD00] =	vst v63  }
0x70: {  	s25 =	sadd.s32 $0x80, s25;
	p1 =	sgt.u32 s6, $0xF9;
	_ =	swait.ge @p3 [sflag:s8], $0x2800  }
0x71: {  	s6 =	simm.s32 @!p1 $0x0;
	s10 =	simm.s32 @!p1 $0x200;
	[sflag:s8] =	ssyncset.done @p3 $0x0  }
0x72: {  	s1 =	simm.s32 @!p2 $0x2;
	s4 =	simm.s32 @!p1 $0x50;
	[sflag:s8] =	ssyncadd.s32 @p3 $0xFFFFD800  }
0x73: {  	[tilespmem:s10], [sflag:$0x3] =	stream.linear.gather @!p1 [hbm4b:s0+s6], $0x100, $0x38;
	[tilespmem:$0x1DD00] =	vst v63  }
0x74: {  	s8 =	simm.s32 @!p1 $0x280;
	s10 =	simm.s32 @!p1 $0x400;
	_ =	swait.ge @!p2 [sflag:s1], $0x100  }
0x75: {  	s26 =	sadd.s32 $0x80, s26;
	s0 =	simm.s32 @!p2 $0x180;
	[sflag:s1] =	ssyncset.done @!p2 $0x0  }
0x76: {  	s30 =	sadd.s32 $0x80, s30;
	[sflag:s1] =	ssyncadd.s32 @!p2 $0xFFFFFF00;
	s1 =	simm.s32 @p3 $0xC  }
0x77: {  	[spmem:s2] =	stream.indirect.scatter.add.f32 @!p2 [tilespmem:s11], [sflag:$0xA], $0x80, s0, s12, $0xb8;
	[tilespmem:$0x1DD00] =	vst v63  }
.Ltmp3:
0x78: {  	p2 =	sgt.u32 s31, $0xF9;
	_ =	swait.ge @p3 [sflag:s1], $0x2800;
	(pc) =	sbr.rel @p4 .LBB2_4-.Ltmp3, $4  }
0x79: {  	s0 =	simm.s32 @!p2 $0x0;
	s6 =	simm.s32 @!p2 $0x300;
	[sflag:s1] =	ssyncset.done @p3 $0x0  }
0x7a: {  	s12 =	sadd.s32 $0xFFFFFFF9, s24;
	s11 =	simm.s32 @!p1 $0x3;
	[sflag:s1] =	ssyncadd.s32 @p3 $0xFFFFD800  }
0x7b: {  	[tilespmem:s6], [sflag:$0x4] =	stream.linear.gather @!p2 [hbm4b:s9+s0], $0x100, $0x38;
	[tilespmem:$0x1DD00] =	vst v63  }
0x7c: {  	s28 =	sadd.s32 $0x80, s28;
	p3 =	sgt.u32 s12, $0xF9;
	_ =	swait.ge @!p1 [sflag:s11], $0x100  }
0x7d: {  	p2 =	seq.s32 s24, $0xFF;
	[sflag:s11] =	ssyncset.done @!p1 $0x0  }
0x7e: {  	s0 =	simm.s32 @!p3 $0x9;
	s1 =	sadd.s32 @!p2 $0xFFFFFFFB, s24;
	[sflag:s11] =	ssyncadd.s32 @!p1 $0xFFFFFF00  }
0x7f: {  	[spmem:s2] =	stream.indirect.scatter.add.f32 @!p1 [tilespmem:s10], [sflag:$0xB], $0x80, s8, s4, $0xb8;
	[tilespmem:$0x1DD00] =	vst v63  }
0x80: {  	p1 =	sgt.u32 @!p2 s1, $0xF9;
	_ =	swait.ge @!p3 [sflag:s0], $0x2800  }
0x81: {  	p4 =	por p1, p2;
	[sflag:s0] =	ssyncset.done @!p3 $0x0  }
0x82: {  	s1 =	simm.s32 @!p2 $0x0;
	[sflag:s0] =	ssyncadd.s32 @!p3 $0xFFFFD800;
	s0 =	simm.s32 @!p4 $0x4  }
0x83: {  	[tilespmem:s1], [sflag:$0x1] =	stream.linear.gather @!p2 [hbm4b:s30+s1], $0x100, $0x38;
	[tilespmem:$0x1DD00] =	vst v63  }
0x84: {  	s9 =	simm.s32 @!p3 $0xA;
	_ =	swait.ge @!p4 [sflag:s0], $0x100  }
0x85: {  	p5 =	por @!p2 $0x0, $0x0;
	s4 =	simm.s32 @!p4 $0x380;
	[sflag:s0] =	ssyncset.done @!p4 $0x0  }
0x86: {  	s6 =	simm.s32 @!p4 $0x400;
	s8 =	simm.s32 @!p4 $0x50;
	[sflag:s0] =	ssyncadd.s32 @!p4 $0xFFFFFF00  }
0x87: {  	[spmem:s2] =	stream.indirect.scatter.add.f32 @!p4 [tilespmem:s6], [sflag:$0xC], $0x80, s4, s8, $0xb8;
	[tilespmem:$0x1DD00] =	vst v63  }
0x88: {  	p1 =	por !p1, p2;
	s0 =	simm.s32 @!p2 $0x100;
	_ =	swait.ge @!p3 [sflag:s9], $0x2800  }
0x89: {  	p4 =	por @!p4 $0x1, $0x1;
	s4 =	simm.s32 @!p2 $0x1;
	[sflag:s9] =	ssyncset.done @!p3 $0x0  }
0x8a: {  	p4 =	por @!p1 p5, p5;
	p1 =	por $0x0, $0x0;
	[sflag:s9] =	ssyncadd.s32 @!p3 $0xFFFFD800  }
0x8b: {  	[tilespmem:s0], [sflag:$0x2] =	stream.linear.gather @!p2 [hbm4b:s28+s1], $0x100, $0x38;
	[tilespmem:$0x1DD00] =	vst v63  }
0x8c: {  	s12 =	sadd.s32 $0xFFFFFFFF, s24;
	p1 =	por @!p2 p4, p4;
	_ =	swait.ge @!p2 [sflag:s4], $0x100  }
0x8d: {  	s6 =	simm.s32 @!p2 $0x50;
	s8 =	simm.s32 @p1 $0xB;
	[sflag:s4] =	ssyncset.done @!p2 $0x0  }
0x8e: {  	s0 =	simm.s32 @!p2 $0x80;
	s1 =	simm.s32 @!p2 $0x400;
	[sflag:s4] =	ssyncadd.s32 @!p2 $0xFFFFFF00  }
0x8f: {  	[spmem:s2] =	stream.indirect.scatter.add.f32 @!p2 [tilespmem:s1], [sflag:$0x9], $0x80, s0, s6, $0xb8;
	[tilespmem:$0x1DD00] =	vst v63  }
0x90: {  	p3 =	sgt.u32 s12, $0xF9;
	_ =	swait.ge @p1 [sflag:s8], $0x2800  }
0x91: {  	s4 =	simm.s32 @!p3 $0x200;
	[sflag:s8] =	ssyncset.done @p1 $0x0  }
0x92: {  	s0 =	simm.s32 @!p3 $0x0;
	[sflag:s8] =	ssyncadd.s32 @p1 $0xFFFFD800;
	s8 =	simm.s32 @!p2 $0x2  }
0x93: {  	[tilespmem:s4], [sflag:$0x3] =	stream.linear.gather @!p3 [hbm4b:s25+s0], $0x100, $0x38;
	[tilespmem:$0x1DD00] =	vst v63  }
0x94: {  	_ =	swait.ge @!p2 [sflag:s8], $0x100  }
0x95: {  	[sflag:s8] =	ssyncset.done @!p2 $0x0  }
0x96: {  	s0 =	simm.s32 @!p2 $0x180;
	s4 =	simm.s32 @p1 $0xC;
	[sflag:s8] =	ssyncadd.s32 @!p2 $0xFFFFFF00  }
0x97: {  	[spmem:s2] =	stream.indirect.scatter.add.f32 @!p2 [tilespmem:s1], [sflag:$0xA], $0x80, s0, s6, $0xb8;
	[tilespmem:$0x1DD00] =	vst v63  }
0x98: {  	p2 =	sgt.u32 s24, $0xF9;
	_ =	swait.ge @p1 [sflag:s4], $0x2800  }
0x99: {  	s0 =	simm.s32 @!p2 $0x0;
	[sflag:s4] =	ssyncset.done @p1 $0x0  }
0x9a: {  	s1 =	simm.s32 @!p2 $0x300;
	[sflag:s4] =	ssyncadd.s32 @p1 $0xFFFFD800;
	s4 =	simm.s32 @!p3 $0x3  }
0x9b: {  	[tilespmem:s1], [sflag:$0x4] =	stream.linear.gather @!p2 [hbm4b:s26+s0], $0x100, $0x38;
	[tilespmem:$0x1DD00] =	vst v63  }
0x9c: {  	_ =	swait.ge @!p3 [sflag:s4], $0x100  }
0x9d: {  	s6 =	simm.s32 @!p3 $0x400;
	[sflag:s4] =	ssyncset.done @!p3 $0x0  }
0x9e: {  	s0 =	simm.s32 @!p3 $0x50;
	s1 =	simm.s32 @!p3 $0x280;
	[sflag:s4] =	ssyncadd.s32 @!p3 $0xFFFFFF00  }
0x9f: {  	[spmem:s2] =	stream.indirect.scatter.add.f32 @!p3 [tilespmem:s6], [sflag:$0xB], $0x80, s1, s0, $0xb8;
	[tilespmem:$0x1DD00] =	vst v63  }
0xa0: {  	[bflag:$0x0] =	sbarrier.arrive $0xFFFF  }
0xa1: {  	s31 =	rddreg [dreg:$0x5]  }
0xa2: {  	[hbm:s31], [sflag:s7] =	dma.local [spmem:s17], $0x2700  }
0xa3: {  	_ =	swait.ge [sflag:s18], $0x2700  }
0xa4: {  	[sflag:s18] =	ssyncset.done $0x0  }
0xa5: {  	s1 =	rddreg [dreg:$0x4];
	[sflag:s18] =	ssyncadd.s32 $0xFFFFD900  }
0xa6: {  	s0 =	sshrl.u32 @p0 s1, $0x3;
	s30 =	rddreg [dreg:$0x1]  }
0xa7: {  	[spmem:s0], [sflag:s7] =	dma.local @p0 [hbm:s30], $0x2700  }
0xa8: {  	s0 =	simm.s32 @p0 $0xD  }
0xa9: {  	_ =	swait.ge @p0 [sflag:s0], $0x2700  }
0xaa: {  	[sflag:s0] =	ssyncset.done @p0 $0x0  }
0xab: {  	[sflag:s0] =	ssyncadd.s32 @p0 $0xFFFFD900;
	s0 =	rddreg [dreg:$0x6]  }
0xac: {  	[hbm:s0], [sflag:s7] =	dma.local @!p0 [spmem:s19], $0x100  }
0xad: {  	s0 =	simm.s32 @!p0 $0xD  }
0xae: {  	_ =	swait.ge @!p0 [sflag:s0], $0x100  }
0xaf: {  	[sflag:s0] =	ssyncset.done @!p0 $0x0  }
0xb0: {  	s1 =	sshrl.u32 @!p0 s1, $0x3;
	[sflag:s0] =	ssyncadd.s32 @!p0 $0xFFFFFF00  }
0xb1: {  	[spmem:s1], [sflag:s7] =	dma.local @!p0 [hbm:s30], $0x2700  }
0xb2: {  	_ =	swait.ge @!p0 [sflag:s0], $0x2700  }
0xb3: {  	[sflag:s0] =	ssyncset.done @!p0 $0x0  }
0xb4: {  	[sflag:s0] =	ssyncadd.s32 @!p0 $0xFFFFD900  }
0xb5: {  	[spmem:s19], [sflag:s7] =	dma.local @!p0 [hbm:s30], $0x100  }
0xb6: {  	_ =	swait.ge @!p0 [sflag:s0], $0x100  }
0xb7: {  	s29 =	smov.u32 s13;
	[sflag:s0] =	ssyncset.done @!p0 $0x0  }
0xb8: {  	s28 =	smov.u32 s16;
	s25 =	smov.u32 s14;
	[sflag:s0] =	ssyncadd.s32 @!p0 $0xFFFFFF00  }
0xb9: {  	s24 =	simm.s32 $0x3;
	s26 =	smov.u32 s15;
	[bflag:$0x0] =	sbarrier.arrive $0xFFFF  }
.LBB2_6:
0xba: {  	s0 =	sadd.s32 $0xFFFFFFF9, s24  }
0xbb: {  	p1 =	seq.s32 s24, $0xFF;
	p2 =	sgt.u32 s0, $0xF9  }
0xbc: {  	s1 =	sadd.s32 @!p1 $0xFFFFFFFB, s24;
	s0 =	simm.s32 @!p2 $0x9  }
0xbd: {  	p3 =	sgt.u32 @!p1 s1, $0xF9;
	_ =	swait.ge @!p2 [sflag:s0], $0x2800  }
0xbe: {  	p4 =	por p3, p1;
	[sflag:s0] =	ssyncset.done @!p2 $0x0  }
0xbf: {  	s1 =	simm.s32 @!p4 $0x4;
	[sflag:s0] =	ssyncadd.s32 @!p2 $0xFFFFD800;
	s0 =	simm.s32 @!p1 $0x0  }
0xc0: {  	[tilespmem:s0], [sflag:$0x1] =	stream.linear.gather @!p1 [hbm4b:s25+s0], $0x100, $0x38;
	[tilespmem:$0x1DD00] =	vst v63  }
0xc1: {  	_ =	swait.ge @!p4 [sflag:s1], $0x100  }
0xc2: {  	s4 =	simm.s32 @!p4 $0x300;
	[sflag:s1] =	ssyncset.done @!p4 $0x0  }
0xc3: {  	s6 =	simm.s32 @!p4 $0x7C00;
	[sflag:s1] =	ssyncadd.s32 @!p4 $0xFFFFFF00;
	s1 =	simm.s32 @!p4 $0x50  }
0xc4: {  	[tilespmem:s6], [sflag:$0x8] =	stream.indirect.gather @!p4 [hbm4b:s5+s1], $0x80, s4, s1, $0xb8;
	[tilespmem:$0x1DD00] =	vst v63  }
0xc5: {  	s1 =	simm.s32 @!p2 $0x6  }
0xc6: {  	_ =	swait.ge @!p2 [sflag:s1], $0x2800  }
0xc7: {  	s4 =	simm.s32 @!p2 $0x180;
	[sflag:s1] =	ssyncset.done @!p2 $0x0  }
0xc8: {  	s6 =	simm.s32 @!p2 $0x2C00;
	[sflag:s1] =	ssyncadd.s32 @!p2 $0xFFFFD800;
	s1 =	simm.s32 @!p2 $0x50  }
0xc9: {  	[spmem:s2] =	stream.indirect.scatter.add.f32 @!p2 [tilespmem:s6], [sflag:$0xA], $0x80, s4, s1, $0xb8;
	[tilespmem:$0x1DD00] =	vst v63  }
0xca: {  	s1 =	simm.s32 @!p2 $0xA  }
0xcb: {  	_ =	swait.ge @!p2 [sflag:s1], $0x2800  }
0xcc: {  	p5 =	por @!p1 $0x0, $0x0;
	p4 =	por @!p4 $0x1, $0x1;
	[sflag:s1] =	ssyncset.done @!p2 $0x0  }
0xcd: {  	s4 =	simm.s32 @!p1 $0x1;
	[sflag:s1] =	ssyncadd.s32 @!p2 $0xFFFFD800;
	s1 =	simm.s32 @!p1 $0x100  }
0xce: {  	[tilespmem:s1], [sflag:$0x2] =	stream.linear.gather @!p1 [hbm4b:s29+s0], $0x100, $0x38;
	[tilespmem:$0x1DD00] =	vst v63  }
0xcf: {  	s6 =	simm.s32 @!p1 $0x400;
	p2 =	por !p3, p1;
	_ =	swait.ge @!p1 [sflag:s4], $0x100  }
0xd0: {  	p4 =	por @!p2 p5, p5;
	p2 =	por $0x0, $0x0;
	[sflag:s4] =	ssyncset.done @!p1 $0x0  }
0xd1: {  	p2 =	por @!p1 p4, p4;
	[sflag:s4] =	ssyncadd.s32 @!p1 $0xFFFFFF00;
	s4 =	simm.s32 @!p1 $0x50  }
0xd2: {  	[tilespmem:s6], [sflag:$0x5] =	stream.indirect.gather @!p1 [hbm4b:s5+s4], $0x80, s0, s4, $0xb8;
	[tilespmem:$0x1DD00] =	vst v63  }
0xd3: {  	s0 =	simm.s32 @p2 $0x7  }
0xd4: {  	_ =	swait.ge @p2 [sflag:s0], $0x2800  }
0xd5: {  	s8 =	simm.s32 @p2 $0x5400;
	[sflag:s0] =	ssyncset.done @p2 $0x0  }
0xd6: {  	s6 =	simm.s32 @p2 $0x280;
	[sflag:s0] =	ssyncadd.s32 @p2 $0xFFFFD800;
	s0 =	simm.s32 @p2 $0x50  }
0xd7: {  	[spmem:s2] =	stream.indirect.scatter.add.f32 @p2 [tilespmem:s8], [sflag:$0xB], $0x80, s6, s0, $0xb8;
	[tilespmem:$0x1DD00] =	vst v63  }
0xd8: {  	s6 =	simm.s32 @p2 $0xB  }
0xd9: {  	s31 =	sadd.s32 $0xFFFFFFFF, s24;
	_ =	swait.ge @p2 [sflag:s6], $0x2800  }
0xda: {  	p3 =	sgt.u32 s31, $0xF9;
	[sflag:s6] =	ssyncset.done @p2 $0x0  }
0xdb: {  	s8 =	simm.s32 @!p3 $0x200;
	[sflag:s6] =	ssyncadd.s32 @p2 $0xFFFFD800;
	s6 =	simm.s32 @!p3 $0x0  }
0xdc: {  	[tilespmem:s8], [sflag:$0x3] =	stream.linear.gather @!p3 [hbm4b:s26+s6], $0x100, $0x38;
	[tilespmem:$0x1DD00] =	vst v63  }
0xdd: {  	s6 =	simm.s32 @!p1 $0x2  }
0xde: {  	_ =	swait.ge @!p1 [sflag:s6], $0x100  }
0xdf: {  	[sflag:s6] =	ssyncset.done @!p1 $0x0  }
0xe0: {  	[sflag:s6] =	ssyncadd.s32 @!p1 $0xFFFFFF00;
	s6 =	simm.s32 @!p1 $0x2C00  }
0xe1: {  	[tilespmem:s6], [sflag:$0x6] =	stream.indirect.gather @!p1 [hbm4b:s5+s4], $0x80, s1, s4, $0xb8;
	[tilespmem:$0x1DD00] =	vst v63  }
0xe2: {  	s1 =	simm.s32 @p2 $0x8  }
0xe3: {  	_ =	swait.ge @p2 [sflag:s1], $0x2800  }
0xe4: {  	[sflag:s1] =	ssyncset.done @p2 $0x0  }
0xe5: {  	s4 =	simm.s32 @p2 $0x7C00;
	[sflag:s1] =	ssyncadd.s32 @p2 $0xFFFFD800;
	s1 =	simm.s32 @p2 $0x380  }
0xe6: {  	[spmem:s2] =	stream.indirect.scatter.add.f32 @p2 [tilespmem:s4], [sflag:$0xC], $0x80, s1, s0, $0xb8;
	[tilespmem:$0x1DD00] =	vst v63  }
0xe7: {  	s0 =	simm.s32 @p2 $0xC  }
0xe8: {  	_ =	swait.ge @p2 [sflag:s0], $0x2800  }
0xe9: {  	p4 =	sgt.u32 s24, $0xF9;
	[sflag:s0] =	ssyncset.done @p2 $0x0  }
0xea: {  	s1 =	simm.s32 @!p4 $0x300;
	[sflag:s0] =	ssyncadd.s32 @p2 $0xFFFFD800;
	s0 =	simm.s32 @!p4 $0x0  }
0xeb: {  	[tilespmem:s1], [sflag:$0x4] =	stream.linear.gather @!p4 [hbm4b:s28+s0], $0x100, $0x38;
	[tilespmem:$0x1DD00] =	vst v63  }
.Ltmp4:
0xec: {  	s0 =	simm.s32 @!p3 $0x3;
	(pc) =	sbr.rel @p1 .LBB2_8-.Ltmp4, $4  }
0xed: {  	_ =	swait.ge @!p3 [sflag:s0], $0x100  }
0xee: {  	[sflag:s0] =	ssyncset.done @!p3 $0x0  }
0xef: {  	s1 =	simm.s32 @!p3 $0x5400;
	[sflag:s0] =	ssyncadd.s32 @!p3 $0xFFFFFF00;
	s0 =	simm.s32 @!p3 $0x50  }
0xf0: {  	[tilespmem:s1], [sflag:$0x7] =	stream.indirect.gather @!p3 [hbm4b:s5+s0], $0x80, s8, s0, $0xb8;
	[tilespmem:$0x1DD00] =	vst v63  }
.Ltmp5:
0xf1: {  	(pc) =	sbr.rel .LBB2_6-.Ltmp5, $4  }
0xf2: {  	_ =	swait.ge [sflag:s20], $0x2800;
	s29 =	sadd.s32 $0x80, s29  }
0xf3: {  	s28 =	sadd.s32 $0x80, s28;
	s24 =	sadd.s32 $0x4, s24;
	[sflag:s20] =	ssyncset.done $0x0  }
0xf4: {  	s26 =	sadd.s32 $0x80, s26;
	s25 =	sadd.s32 $0x80, s25;
	[sflag:s20] =	ssyncadd.s32 $0xFFFFD800  }
0xf5: {  	[spmem:s2] =	stream.indirect.scatter.add.f32 [tilespmem:s23], [sflag:$0x9], $0x80, s22, s21, $0xb8;
	[tilespmem:$0x1DD00] =	vst v63  }
.LBB2_9:
0xf6: {  	_ =	sfence.sel $0x180000  }
0xf7: {  	[bflag:$0x0] =	sbarrier.arrive $0xFFFF  }
0xf8: {  	_ =	strace $0x90000047  }
0xf9: {  	s0 =	stileid.u32;
	[bflag:$0x2] =	sbarrier.arrive $0xFFFF  }
0xfa: {  	p0 =	sne.s32 s0, $0x0;
	s0 =	rddreg [dreg:$0x3]  }
0xfb: {  	s0 =	sadd.s32 @!p0 $0x100000, s0  }
0xfc: {  	[sflag:s0] =	ssyncadd.tile.s32 @!p0 $0x1;
	_ =	shalt  }
.Lfunc_end2:
_tile_overlayer_lowered:
.L_overlay_start_2:
0xfd: {  	(tag) =	ssettag $0x2  }
0xfe: {  	s0 =	rddreg [dreg:$0x0];
	s2 =	stileid.u32  }
0xff: {  	s1 =	rddreg [dreg:$0x1];
	p0 =	sne.s32 s2, $0x0  }
0x100: {  	s3 =	rddreg [dreg:$0x2];
	[bflag:$0x3] =	sbarrier.arrive $0xFFFF;
	s2 =	simm.s32 @!p0 $0x1C0D  }
0x101: {  	[timem:s3], [sflag:s2] =	dma.local @!p0 [hbm:s0], s1  }
0x102: {  	s0 =	simm.s32 @!p0 $0xD  }
0x103: {  	_ =	swait.ge @!p0 [sflag:s0], s1  }
0x104: {  	s1 =	ssub.s32 @!p0 $0x0, s1;
	[sflag:s0] =	ssyncset.done @!p0 $0x0  }
0x105: {  	[sflag:s0] =	ssyncadd.s32 @!p0 s1  }
0x106: {  	[bflag:$0x3] =	sbarrier.arrive $0xFFFF  }
0x107: {  	_ =	shalt  }

</sc_bundles>
